<compile_context>
chip_gen: v7x
topology: tpu7x:2x2x1
jax: 0.10.2.dev20260603
libtpu: 0.0.44.dev20260713+nightly
codegen_flags: <defaults>
</compile_context>

<pallas_src>
import functools

import jax
import jax.numpy as jnp
from jax import lax
from jax.experimental import pallas as pl
from jax.experimental.pallas import tpu as pltpu
from jax.experimental.pallas import tpu_sc as plsc

N = 10000
E = 320000
NC = 2
NS = 16
NW = NC * NS
EPW = E // NW
CHUNK = 125
NCHUNK = EPW // CHUNK
RPT = N // NS
ZROWS = 125

_MESH = plsc.VectorSubcoreMesh(core_axis_name="c", subcore_axis_name="s")


def _selu(x):
    alpha = 1.6732632423543772848170429916717
    scale = 1.0507009873554804934193349852946
    return scale * jnp.where(x > 0, x, alpha * (jnp.exp(x) - 1.0))



def _deg_body(dst_hbm, out_hbm, dst_v, ones_v, acc):
    c = lax.axis_index("c")
    s = lax.axis_index("s")
    wid = c * NS + s
    r0 = s * RPT

    def zfill(i, carry):
        ones_v[i, :] = jnp.zeros((16,), jnp.float32)
        return carry

    lax.fori_loop(0, ZROWS, zfill, 0)
    for k in range(RPT // ZROWS):
        pltpu.sync_copy(ones_v, acc.at[pl.ds(r0 + k * ZROWS, ZROWS)])

    def fill(i, carry):
        ones_v[i, :] = jnp.ones((16,), jnp.float32)
        return carry

    lax.fori_loop(0, CHUNK, fill, 0)
    pltpu.sync_copy(dst_hbm.at[wid], dst_v)
    plsc.subcore_barrier()

    def body(j, carry):
        pltpu.sync_copy(ones_v, acc.at[dst_v.at[j]], add=True)
        return carry

    lax.fori_loop(0, NCHUNK, body, 0)
    plsc.subcore_barrier()
    pltpu.sync_copy(acc.at[pl.ds(r0, RPT)], out_hbm.at[c, s])


_SC_PARAMS = pltpu.CompilerParams(use_tc_tiling_on_sc=False)

_deg_call = pl.kernel(
    _deg_body,
    out_type=jax.ShapeDtypeStruct((NC, NS, RPT, 16), jnp.float32),
    mesh=_MESH,
    compiler_params=_SC_PARAMS,
    scratch_types=[
        pltpu.VMEM((NCHUNK, CHUNK), jnp.int32),
        pltpu.VMEM((CHUNK, 16), jnp.float32),
        pltpu.VMEM_SHARED((N, 16), jnp.float32),
    ],
)



def _agg_body(D, g_hbm, src_hbm, dst_hbm, out_hbm, src_v, dst_v, rows_v, zbuf,
              acc, sem):
    c = lax.axis_index("c")
    s = lax.axis_index("s")
    wid = c * NS + s
    r0 = s * RPT

    def zfill(i, carry):
        for t in range(D // 16):
            zbuf[i, pl.ds(t * 16, 16)] = jnp.zeros((16,), jnp.float32)
        return carry

    lax.fori_loop(0, ZROWS, zfill, 0)
    for k in range(RPT // ZROWS):
        pltpu.sync_copy(zbuf, acc.at[pl.ds(r0 + k * ZROWS, ZROWS)])
    pltpu.sync_copy(src_hbm.at[wid], src_v)
    pltpu.sync_copy(dst_hbm.at[wid], dst_v)
    plsc.subcore_barrier()

    def body(j, carry):
        pltpu.async_copy(g_hbm.at[src_v.at[j]], rows_v, sem).wait()
        pltpu.sync_copy(rows_v, acc.at[dst_v.at[j]], add=True)
        return carry

    lax.fori_loop(0, NCHUNK, body, 0)
    plsc.subcore_barrier()
    pltpu.sync_copy(acc.at[pl.ds(r0, RPT)], out_hbm.at[c, s])


def _make_agg(D):
    return pl.kernel(
        functools.partial(_agg_body, D),
        out_type=jax.ShapeDtypeStruct((NC, NS, RPT, D), jnp.float32),
        mesh=_MESH,
        compiler_params=_SC_PARAMS,
        scratch_types=[
            pltpu.VMEM((NCHUNK, CHUNK), jnp.int32),
            pltpu.VMEM((NCHUNK, CHUNK), jnp.int32),
            pltpu.VMEM((CHUNK, D), jnp.float32),
            pltpu.VMEM((ZROWS, D), jnp.float32),
            pltpu.VMEM_SHARED((N, D), jnp.float32),
            pltpu.SemaphoreType.DMA,
        ],
    )


_agg16 = _make_agg(16)
_agg32 = _make_agg(32)



_BR = 1000


def _t1_body(deg_ref, x_ref, w_ref, dis_ref, g_ref):
    deg = deg_ref[0, :, 0:1] + deg_ref[1, :, 0:1] + 1.0
    dis = lax.rsqrt(deg)
    dis_ref[...] = dis
    g_ref[...] = dis * jnp.dot(x_ref[...], w_ref[...],
                               preferred_element_type=jnp.float32)


def _t1(degs, x, w1p):
    return pl.pallas_call(
        _t1_body,
        grid=(N // _BR,),
        in_specs=[
            pl.BlockSpec((NC, _BR, 16), lambda i: (0, i, 0)),
            pl.BlockSpec((_BR, 128), lambda i: (i, 0)),
            pl.BlockSpec((128, 16), lambda i: (0, 0)),
        ],
        out_specs=[
            pl.BlockSpec((_BR, 1), lambda i: (i, 0)),
            pl.BlockSpec((_BR, 16), lambda i: (i, 0)),
        ],
        out_shape=[
            jax.ShapeDtypeStruct((N, 1), jnp.float32),
            jax.ShapeDtypeStruct((N, 16), jnp.float32),
        ],
    )(degs, x, w1p)


def _t2_body(s_ref, g_ref, dis_ref, b_ref, out_ref):
    dis = dis_ref[...]
    u = dis * (s_ref[0] + s_ref[1] + g_ref[...])
    out_ref[...] = dis * _selu(u + b_ref[...])


def _t2(sagg, g, dis, bp):
    D = g.shape[1]
    return pl.pallas_call(
        _t2_body,
        grid=(N // _BR,),
        in_specs=[
            pl.BlockSpec((NC, _BR, D), lambda i: (0, i, 0)),
            pl.BlockSpec((_BR, D), lambda i: (i, 0)),
            pl.BlockSpec((_BR, 1), lambda i: (i, 0)),
            pl.BlockSpec((1, D), lambda i: (0, 0)),
        ],
        out_specs=pl.BlockSpec((_BR, D), lambda i: (i, 0)),
        out_shape=jax.ShapeDtypeStruct((N, D), jnp.float32),
    )(sagg, g, dis, bp)


def _t3_body(scale_out, s_ref, g_ref, dis_ref, w_ref, b_ref, out_ref):
    dis = dis_ref[...]
    u = dis * (s_ref[0] + s_ref[1] + g_ref[...])
    z = _selu(jnp.dot(u, w_ref[...], preferred_element_type=jnp.float32)
              + b_ref[...])
    out_ref[...] = dis * z if scale_out else z


def _t3(sagg, g, dis, wp, bp, scale_out=True):
    Din = g.shape[1]
    Dout = wp.shape[1]
    return pl.pallas_call(
        functools.partial(_t3_body, scale_out),
        grid=(N // _BR,),
        in_specs=[
            pl.BlockSpec((NC, _BR, Din), lambda i: (0, i, 0)),
            pl.BlockSpec((_BR, Din), lambda i: (i, 0)),
            pl.BlockSpec((_BR, 1), lambda i: (i, 0)),
            pl.BlockSpec((Din, Dout), lambda i: (0, 0)),
            pl.BlockSpec((1, Dout), lambda i: (0, 0)),
        ],
        out_specs=pl.BlockSpec((_BR, Dout), lambda i: (i, 0)),
        out_shape=jax.ShapeDtypeStruct((N, Dout), jnp.float32),
    )(sagg, g, dis, wp, bp)



def _pad(a, shape):
    return jnp.pad(a, [(0, t - c) for c, t in zip(a.shape, shape)])


def kernel(x, edge_index, W1, b1, W2, b2, W3, b3, W4, b4):
    ei = edge_index.astype(jnp.int32)
    src = ei[0].reshape(NW, NCHUNK, CHUNK)
    dst = ei[1].reshape(NW, NCHUNK, CHUNK)

    w1p = _pad(W1, (128, 16))
    b1p = _pad(b1, (16,)).reshape(1, 16)
    w2p = _pad(W2, (16, 32))
    b2p = _pad(b2, (32,)).reshape(1, 32)
    w3p = _pad(W3, (32, 32))
    b3p = _pad(b3, (32,)).reshape(1, 32)
    w4p = _pad(W4, (32, 36))
    b4p = b4.reshape(1, 36)

    degs = _deg_call(dst).reshape(NC, N, 16)
    dis, g1 = _t1(degs, x, w1p)
    s1 = _agg16(g1, src, dst).reshape(NC, N, 16)
    g2 = _t2(s1, g1, dis, b1p)
    s2 = _agg16(g2, src, dst).reshape(NC, N, 16)
    g3 = _t3(s2, g2, dis, w2p, b2p, scale_out=True)
    s3 = _agg32(g3, src, dst).reshape(NC, N, 32)
    g4 = _t3(s3, g3, dis, w3p, b3p, scale_out=True)
    s4 = _agg32(g4, src, dst).reshape(NC, N, 32)
    out = _t3(s4, g4, dis, w4p, b4p, scale_out=False)
    return out

# --- scband reference (transcript-rebuilt; emitter-appended) ---
"""Pipeline reference for scband-gcn-34102040330816 (READ-ONLY COPY).

The authoritative reference and input builder live on the scoring server;
editing this copy changes nothing except your own understanding.
"""

import jax, jax.numpy as jnp
import numpy as np

N_NODES = 10000
N_EDGES = 320000


def glorot(key, shape):
    fan_in, fan_out = shape[0], shape[1]
    limit = jnp.sqrt(6.0 / (fan_in + fan_out))
    return jax.random.uniform(key, shape, minval=-limit, maxval=limit, dtype=jnp.float32)


def setup_inputs(seed: int = 0) -> dict:
    key = jax.random.key(seed)
    ks = jax.random.split(key, 12)
    x = jax.random.normal(ks[0], (N_NODES, 128), dtype=jnp.float32)
    edge_index = jax.random.randint(ks[1], (2, N_EDGES), 0, N_NODES, dtype=jnp.int64)
    dims = [(128, 15), (15, 20), (20, 27), (27, 36)]
    params = {}
    for i, (din, dout) in enumerate(dims):
        params[f"W{i+1}"] = glorot(ks[2 + 2 * i], (din, dout))
        params[f"b{i+1}"] = 0.01 * jax.random.normal(ks[3 + 2 * i], (dout,), dtype=jnp.float32)
    return {"x": x, "edge_index": edge_index, **params}


def gcn_conv(x, edge_index, W, b):
    n = x.shape[0]
    loop = jnp.arange(n, dtype=edge_index.dtype)
    src = jnp.concatenate([edge_index[0], loop])
    dst = jnp.concatenate([edge_index[1], loop])
    ones = jnp.ones(src.shape[0], dtype=jnp.float32)
    deg = jnp.zeros(n, dtype=jnp.float32).at[dst].add(ones)
    deg_inv_sqrt = jnp.where(deg > 0, deg ** -0.5, 0.0)
    norm = deg_inv_sqrt[src] * deg_inv_sqrt[dst]
    h = x @ W
    msg = h[src] * norm[:, None]
    out = jnp.zeros((n, W.shape[1]), dtype=jnp.float32).at[dst].add(msg)
    return out + b


def reference(x, edge_index, W1, b1, W2, b2, W3, b3, W4, b4):
    h = jax.nn.selu(gcn_conv(x, edge_index, W1, b1))
    h = jax.nn.selu(gcn_conv(h, edge_index, W2, b2))
    h = jax.nn.selu(gcn_conv(h, edge_index, W3, b3))
    h = jax.nn.selu(gcn_conv(h, edge_index, W4, b4))
    return h

if __name__ == "__main__":
    import jax
    _d = setup_inputs()
    print(jax.jit(kernel)(*tuple(_d.values())))

</pallas_src>

<mosaic_0001>
#map = affine_map<(d0, d1) -> (0, 0)>
#map1 = affine_map<(d0, d1) -> (0, 0, 0)>
#map2 = affine_map<(d0, d1) -> (0, 0, 0, 0)>
module attributes {stable_mosaic.version = 14 : i64} {
  func.func @_agg_body(%arg0: i32, %arg1: i32, %arg2: memref<10000x16xf32, #tpu.memory_space<hbm>>, %arg3: memref<32x80x125xi32, #tpu.memory_space<hbm>>, %arg4: memref<32x80x125xi32, #tpu.memory_space<hbm>>, %arg5: memref<2x16x625x16xf32, #tpu.memory_space<hbm>>, %arg6: memref<80x125xi32, #tpu.memory_space<vmem>>, %arg7: memref<80x125xi32, #tpu.memory_space<vmem>>, %arg8: memref<125x16xf32, #tpu.memory_space<vmem>>, %arg9: memref<125x16xf32, #tpu.memory_space<vmem>>, %arg10: memref<10000x16xf32, #tpu.memory_space<vmem_shared>>, %arg11: memref<!tpu.dma_semaphore, #tpu.memory_space<semaphore_mem>>) attributes {dimension_semantics = [#tpu.dimension_semantics<core_parallel>, #tpu.dimension_semantics<subcore_parallel>], iteration_bounds = array<i64: 2, 16>, scalar_prefetch = 0 : i64, scratch_operands = 6 : i64, tpu.core_type = #tpu.core_type<sc_vector_subcore>, window_params = [{transform_indices = #map}, {transform_indices = #map1}, {transform_indices = #map1}, {transform_indices = #map2}]} {
    %mul3A = arith.constant 16 : i32
    %mul3A_0 = arith.muli %arg0, %mul3A : i32
    %add3A = arith.addi %mul3A_0, %arg1 : i32
    %mul3A_1 = arith.constant 625 : i32
    %mul3A_2 = arith.muli %arg1, %mul3A_1 : i32
    %scan3A = arith.constant 0 : i32
    %scan3A_3 = arith.constant 0 : i32
    %scan3A_4 = arith.constant 125 : i32
    %scan3A_5 = arith.addi %scan3A_3, %scan3A_4 : i32
    %scan3A_6 = arith.constant 1 : i32
    scf.for %scan3A_25 = %scan3A_3 to %scan3A_5 step %scan3A_6  : i32 {
      %broadcast_in_dim3A = arith.constant 0.000000e+00 : f32
      %broadcast_in_dim3A_26 = vector.broadcast %broadcast_in_dim3A : f32 to vector<16xf32>
      %swap3A = arith.index_cast %scan3A_25 : i32 to index
      %swap3A_27 = arith.constant 0 : index
      %swap3A_28 = tpu.vector_load %arg9[%swap3A, %swap3A_27] {strides = array<i32>} : memref<125x16xf32, #tpu.memory_space<vmem>>, vector<1x16xf32>,
      %swap3A_29 = vector.shape_cast %swap3A_28 : vector<1x16xf32> to vector<16xf32>
      %swap3A_30 = vector.shape_cast %broadcast_in_dim3A_26 : vector<16xf32> to vector<1x16xf32>
      tpu.vector_store %arg9[%swap3A, %swap3A_27], %swap3A_30 {strides = array<i32>} : memref<125x16xf32, #tpu.memory_space<vmem>>, vector<1x16xf32>,
    }
    %scan3A_7 = arith.constant 125 : i32
    %add3A_8 = arith.constant 0 : i32
    %add3A_9 = arith.addi %mul3A_2, %add3A_8 : i32
    "tpu.region"() ({
      %run_scoped3A = tpu.sem_alloc : memref<!tpu.dma_semaphore, #tpu.memory_space<semaphore_mem>>
      %dma_start3A = arith.constant 0 : i32
      %dma_start3A_25 = tpu.memref_slice %arg10[%add3A_9, %dma_start3A] : memref<10000x16xf32, #tpu.memory_space<vmem_shared>> -> memref<125x16xf32, #tpu.memory_space<vmem_shared>>
      %dma_start3A_26 = arith.constant 0 : i32
      %dma_start3A_27 = tpu.memref_slice %arg10[%add3A_9, %dma_start3A_26] : memref<10000x16xf32, #tpu.memory_space<vmem_shared>> -> memref<125x16xf32, #tpu.memory_space<vmem_shared>>
      tpu.enqueue_dma source(%arg9 : memref<125x16xf32, #tpu.memory_space<vmem>>) target(%dma_start3A_27 : memref<125x16xf32, #tpu.memory_space<vmem_shared>>) target_semaphore(%run_scoped3A : memref<!tpu.dma_semaphore, #tpu.memory_space<semaphore_mem>>)
      %dma_wait3A = arith.constant 0 : i32
      %dma_wait3A_28 = tpu.memref_slice %arg10[%add3A_9, %dma_wait3A] : memref<10000x16xf32, #tpu.memory_space<vmem_shared>> -> memref<125x16xf32, #tpu.memory_space<vmem_shared>>
      %dma_wait3A_29 = arith.constant 0 : i32
      %dma_wait3A_30 = tpu.memref_slice %arg10[%add3A_9, %dma_wait3A_29] : memref<10000x16xf32, #tpu.memory_space<vmem_shared>> -> memref<125x16xf32, #tpu.memory_space<vmem_shared>>
      tpu.wait_dma2 semaphore(%run_scoped3A : memref<!tpu.dma_semaphore, #tpu.memory_space<semaphore_mem>>) src(%arg9 : memref<125x16xf32, #tpu.memory_space<vmem>>) dst(%dma_wait3A_30 : memref<125x16xf32, #tpu.memory_space<vmem_shared>>)
      tpu.yield
    }) : () -> ()
    %add3A_10 = arith.constant 125 : i32
    %add3A_11 = arith.addi %mul3A_2, %add3A_10 : i32
    "tpu.region"() ({
      %run_scoped3A = tpu.sem_alloc : memref<!tpu.dma_semaphore, #tpu.memory_space<semaphore_mem>>
      %dma_start3A = arith.constant 0 : i32
      %dma_start3A_25 = tpu.memref_slice %arg10[%add3A_11, %dma_start3A] : memref<10000x16xf32, #tpu.memory_space<vmem_shared>> -> memref<125x16xf32, #tpu.memory_space<vmem_shared>>
      %dma_start3A_26 = arith.constant 0 : i32
      %dma_start3A_27 = tpu.memref_slice %arg10[%add3A_11, %dma_start3A_26] : memref<10000x16xf32, #tpu.memory_space<vmem_shared>> -> memref<125x16xf32, #tpu.memory_space<vmem_shared>>
      tpu.enqueue_dma source(%arg9 : memref<125x16xf32, #tpu.memory_space<vmem>>) target(%dma_start3A_27 : memref<125x16xf32, #tpu.memory_space<vmem_shared>>) target_semaphore(%run_scoped3A : memref<!tpu.dma_semaphore, #tpu.memory_space<semaphore_mem>>)
      %dma_wait3A = arith.constant 0 : i32
      %dma_wait3A_28 = tpu.memref_slice %arg10[%add3A_11, %dma_wait3A] : memref<10000x16xf32, #tpu.memory_space<vmem_shared>> -> memref<125x16xf32, #tpu.memory_space<vmem_shared>>
      %dma_wait3A_29 = arith.constant 0 : i32
      %dma_wait3A_30 = tpu.memref_slice %arg10[%add3A_11, %dma_wait3A_29] : memref<10000x16xf32, #tpu.memory_space<vmem_shared>> -> memref<125x16xf32, #tpu.memory_space<vmem_shared>>
      tpu.wait_dma2 semaphore(%run_scoped3A : memref<!tpu.dma_semaphore, #tpu.memory_space<semaphore_mem>>) src(%arg9 : memref<125x16xf32, #tpu.memory_space<vmem>>) dst(%dma_wait3A_30 : memref<125x16xf32, #tpu.memory_space<vmem_shared>>)
      tpu.yield
    }) : () -> ()
    %add3A_12 = arith.constant 250 : i32
    %add3A_13 = arith.addi %mul3A_2, %add3A_12 : i32
    "tpu.region"() ({
      %run_scoped3A = tpu.sem_alloc : memref<!tpu.dma_semaphore, #tpu.memory_space<semaphore_mem>>
      %dma_start3A = arith.constant 0 : i32
      %dma_start3A_25 = tpu.memref_slice %arg10[%add3A_13, %dma_start3A] : memref<10000x16xf32, #tpu.memory_space<vmem_shared>> -> memref<125x16xf32, #tpu.memory_space<vmem_shared>>
      %dma_start3A_26 = arith.constant 0 : i32
      %dma_start3A_27 = tpu.memref_slice %arg10[%add3A_13, %dma_start3A_26] : memref<10000x16xf32, #tpu.memory_space<vmem_shared>> -> memref<125x16xf32, #tpu.memory_space<vmem_shared>>
      tpu.enqueue_dma source(%arg9 : memref<125x16xf32, #tpu.memory_space<vmem>>) target(%dma_start3A_27 : memref<125x16xf32, #tpu.memory_space<vmem_shared>>) target_semaphore(%run_scoped3A : memref<!tpu.dma_semaphore, #tpu.memory_space<semaphore_mem>>)
      %dma_wait3A = arith.constant 0 : i32
      %dma_wait3A_28 = tpu.memref_slice %arg10[%add3A_13, %dma_wait3A] : memref<10000x16xf32, #tpu.memory_space<vmem_shared>> -> memref<125x16xf32, #tpu.memory_space<vmem_shared>>
      %dma_wait3A_29 = arith.constant 0 : i32
      %dma_wait3A_30 = tpu.memref_slice %arg10[%add3A_13, %dma_wait3A_29] : memref<10000x16xf32, #tpu.memory_space<vmem_shared>> -> memref<125x16xf32, #tpu.memory_space<vmem_shared>>
      tpu.wait_dma2 semaphore(%run_scoped3A : memref<!tpu.dma_semaphore, #tpu.memory_space<semaphore_mem>>) src(%arg9 : memref<125x16xf32, #tpu.memory_space<vmem>>) dst(%dma_wait3A_30 : memref<125x16xf32, #tpu.memory_space<vmem_shared>>)
      tpu.yield
    }) : () -> ()
    %add3A_14 = arith.constant 375 : i32
    %add3A_15 = arith.addi %mul3A_2, %add3A_14 : i32
    "tpu.region"() ({
      %run_scoped3A = tpu.sem_alloc : memref<!tpu.dma_semaphore, #tpu.memory_space<semaphore_mem>>
      %dma_start3A = arith.constant 0 : i32
      %dma_start3A_25 = tpu.memref_slice %arg10[%add3A_15, %dma_start3A] : memref<10000x16xf32, #tpu.memory_space<vmem_shared>> -> memref<125x16xf32, #tpu.memory_space<vmem_shared>>
      %dma_start3A_26 = arith.constant 0 : i32
      %dma_start3A_27 = tpu.memref_slice %arg10[%add3A_15, %dma_start3A_26] : memref<10000x16xf32, #tpu.memory_space<vmem_shared>> -> memref<125x16xf32, #tpu.memory_space<vmem_shared>>
      tpu.enqueue_dma source(%arg9 : memref<125x16xf32, #tpu.memory_space<vmem>>) target(%dma_start3A_27 : memref<125x16xf32, #tpu.memory_space<vmem_shared>>) target_semaphore(%run_scoped3A : memref<!tpu.dma_semaphore, #tpu.memory_space<semaphore_mem>>)
      %dma_wait3A = arith.constant 0 : i32
      %dma_wait3A_28 = tpu.memref_slice %arg10[%add3A_15, %dma_wait3A] : memref<10000x16xf32, #tpu.memory_space<vmem_shared>> -> memref<125x16xf32, #tpu.memory_space<vmem_shared>>
      %dma_wait3A_29 = arith.constant 0 : i32
      %dma_wait3A_30 = tpu.memref_slice %arg10[%add3A_15, %dma_wait3A_29] : memref<10000x16xf32, #tpu.memory_space<vmem_shared>> -> memref<125x16xf32, #tpu.memory_space<vmem_shared>>
      tpu.wait_dma2 semaphore(%run_scoped3A : memref<!tpu.dma_semaphore, #tpu.memory_space<semaphore_mem>>) src(%arg9 : memref<125x16xf32, #tpu.memory_space<vmem>>) dst(%dma_wait3A_30 : memref<125x16xf32, #tpu.memory_space<vmem_shared>>)
      tpu.yield
    }) : () -> ()
    %add3A_16 = arith.constant 500 : i32
    %add3A_17 = arith.addi %mul3A_2, %add3A_16 : i32
    "tpu.region"() ({
      %run_scoped3A = tpu.sem_alloc : memref<!tpu.dma_semaphore, #tpu.memory_space<semaphore_mem>>
      %dma_start3A = arith.constant 0 : i32
      %dma_start3A_25 = tpu.memref_slice %arg10[%add3A_17, %dma_start3A] : memref<10000x16xf32, #tpu.memory_space<vmem_shared>> -> memref<125x16xf32, #tpu.memory_space<vmem_shared>>
      %dma_start3A_26 = arith.constant 0 : i32
      %dma_start3A_27 = tpu.memref_slice %arg10[%add3A_17, %dma_start3A_26] : memref<10000x16xf32, #tpu.memory_space<vmem_shared>> -> memref<125x16xf32, #tpu.memory_space<vmem_shared>>
      tpu.enqueue_dma source(%arg9 : memref<125x16xf32, #tpu.memory_space<vmem>>) target(%dma_start3A_27 : memref<125x16xf32, #tpu.memory_space<vmem_shared>>) target_semaphore(%run_scoped3A : memref<!tpu.dma_semaphore, #tpu.memory_space<semaphore_mem>>)
      %dma_wait3A = arith.constant 0 : i32
      %dma_wait3A_28 = tpu.memref_slice %arg10[%add3A_17, %dma_wait3A] : memref<10000x16xf32, #tpu.memory_space<vmem_shared>> -> memref<125x16xf32, #tpu.memory_space<vmem_shared>>
      %dma_wait3A_29 = arith.constant 0 : i32
      %dma_wait3A_30 = tpu.memref_slice %arg10[%add3A_17, %dma_wait3A_29] : memref<10000x16xf32, #tpu.memory_space<vmem_shared>> -> memref<125x16xf32, #tpu.memory_space<vmem_shared>>
      tpu.wait_dma2 semaphore(%run_scoped3A : memref<!tpu.dma_semaphore, #tpu.memory_space<semaphore_mem>>) src(%arg9 : memref<125x16xf32, #tpu.memory_space<vmem>>) dst(%dma_wait3A_30 : memref<125x16xf32, #tpu.memory_space<vmem_shared>>)
      tpu.yield
    }) : () -> ()
    "tpu.region"() ({
      %run_scoped3A = tpu.sem_alloc : memref<!tpu.dma_semaphore, #tpu.memory_space<semaphore_mem>>
      %dma_start3A = arith.constant 0 : i32
      %dma_start3A_25 = arith.constant 0 : i32
      %dma_start3A_26 = tpu.memref_slice %arg3[%add3A, %dma_start3A, %dma_start3A_25] : memref<32x80x125xi32, #tpu.memory_space<hbm>> -> memref<1x80x125xi32, #tpu.memory_space<hbm>>
      %dma_start3A_27 = tpu.memref_squeeze %dma_start3A_26 : memref<1x80x125xi32, #tpu.memory_space<hbm>> -> memref<80x125xi32, #tpu.memory_space<hbm>>
      %dma_start3A_28 = arith.constant 0 : i32
      %dma_start3A_29 = arith.constant 0 : i32
      %dma_start3A_30 = tpu.memref_slice %arg3[%add3A, %dma_start3A_28, %dma_start3A_29] : memref<32x80x125xi32, #tpu.memory_space<hbm>> -> memref<1x80x125xi32, #tpu.memory_space<hbm>>
      %dma_start3A_31 = tpu.memref_squeeze %dma_start3A_30 : memref<1x80x125xi32, #tpu.memory_space<hbm>> -> memref<80x125xi32, #tpu.memory_space<hbm>>
      tpu.enqueue_dma source(%dma_start3A_31 : memref<80x125xi32, #tpu.memory_space<hbm>>) target(%arg6 : memref<80x125xi32, #tpu.memory_space<vmem>>) target_semaphore(%run_scoped3A : memref<!tpu.dma_semaphore, #tpu.memory_space<semaphore_mem>>)
      %dma_wait3A = arith.constant 0 : i32
      %dma_wait3A_32 = arith.constant 0 : i32
      %dma_wait3A_33 = tpu.memref_slice %arg3[%add3A, %dma_wait3A, %dma_wait3A_32] : memref<32x80x125xi32, #tpu.memory_space<hbm>> -> memref<1x80x125xi32, #tpu.memory_space<hbm>>
      %dma_wait3A_34 = tpu.memref_squeeze %dma_wait3A_33 : memref<1x80x125xi32, #tpu.memory_space<hbm>> -> memref<80x125xi32, #tpu.memory_space<hbm>>
      %dma_wait3A_35 = arith.constant 0 : i32
      %dma_wait3A_36 = arith.constant 0 : i32
      %dma_wait3A_37 = tpu.memref_slice %arg3[%add3A, %dma_wait3A_35, %dma_wait3A_36] : memref<32x80x125xi32, #tpu.memory_space<hbm>> -> memref<1x80x125xi32, #tpu.memory_space<hbm>>
      %dma_wait3A_38 = tpu.memref_squeeze %dma_wait3A_37 : memref<1x80x125xi32, #tpu.memory_space<hbm>> -> memref<80x125xi32, #tpu.memory_space<hbm>>
      tpu.wait_dma2 semaphore(%run_scoped3A : memref<!tpu.dma_semaphore, #tpu.memory_space<semaphore_mem>>) src(%dma_wait3A_38 : memref<80x125xi32, #tpu.memory_space<hbm>>) dst(%arg6 : memref<80x125xi32, #tpu.memory_space<vmem>>)
      tpu.yield
    }) : () -> ()
    "tpu.region"() ({
      %run_scoped3A = tpu.sem_alloc : memref<!tpu.dma_semaphore, #tpu.memory_space<semaphore_mem>>
      %dma_start3A = arith.constant 0 : i32
      %dma_start3A_25 = arith.constant 0 : i32
      %dma_start3A_26 = tpu.memref_slice %arg4[%add3A, %dma_start3A, %dma_start3A_25] : memref<32x80x125xi32, #tpu.memory_space<hbm>> -> memref<1x80x125xi32, #tpu.memory_space<hbm>>
      %dma_start3A_27 = tpu.memref_squeeze %dma_start3A_26 : memref<1x80x125xi32, #tpu.memory_space<hbm>> -> memref<80x125xi32, #tpu.memory_space<hbm>>
      %dma_start3A_28 = arith.constant 0 : i32
      %dma_start3A_29 = arith.constant 0 : i32
      %dma_start3A_30 = tpu.memref_slice %arg4[%add3A, %dma_start3A_28, %dma_start3A_29] : memref<32x80x125xi32, #tpu.memory_space<hbm>> -> memref<1x80x125xi32, #tpu.memory_space<hbm>>
      %dma_start3A_31 = tpu.memref_squeeze %dma_start3A_30 : memref<1x80x125xi32, #tpu.memory_space<hbm>> -> memref<80x125xi32, #tpu.memory_space<hbm>>
      tpu.enqueue_dma source(%dma_start3A_31 : memref<80x125xi32, #tpu.memory_space<hbm>>) target(%arg7 : memref<80x125xi32, #tpu.memory_space<vmem>>) target_semaphore(%run_scoped3A : memref<!tpu.dma_semaphore, #tpu.memory_space<semaphore_mem>>)
      %dma_wait3A = arith.constant 0 : i32
      %dma_wait3A_32 = arith.constant 0 : i32
      %dma_wait3A_33 = tpu.memref_slice %arg4[%add3A, %dma_wait3A, %dma_wait3A_32] : memref<32x80x125xi32, #tpu.memory_space<hbm>> -> memref<1x80x125xi32, #tpu.memory_space<hbm>>
      %dma_wait3A_34 = tpu.memref_squeeze %dma_wait3A_33 : memref<1x80x125xi32, #tpu.memory_space<hbm>> -> memref<80x125xi32, #tpu.memory_space<hbm>>
      %dma_wait3A_35 = arith.constant 0 : i32
      %dma_wait3A_36 = arith.constant 0 : i32
      %dma_wait3A_37 = tpu.memref_slice %arg4[%add3A, %dma_wait3A_35, %dma_wait3A_36] : memref<32x80x125xi32, #tpu.memory_space<hbm>> -> memref<1x80x125xi32, #tpu.memory_space<hbm>>
      %dma_wait3A_38 = tpu.memref_squeeze %dma_wait3A_37 : memref<1x80x125xi32, #tpu.memory_space<hbm>> -> memref<80x125xi32, #tpu.memory_space<hbm>>
      tpu.wait_dma2 semaphore(%run_scoped3A : memref<!tpu.dma_semaphore, #tpu.memory_space<semaphore_mem>>) src(%dma_wait3A_38 : memref<80x125xi32, #tpu.memory_space<hbm>>) dst(%arg7 : memref<80x125xi32, #tpu.memory_space<vmem>>)
      tpu.yield
    }) : () -> ()
    %barrier3A = arith.constant 0 : index
    tpu.barrier barrier_id(%barrier3A)
    %scan3A_18 = arith.constant 0 : i32
    %scan3A_19 = arith.constant 0 : i32
    %scan3A_20 = arith.constant 80 : i32
    %scan3A_21 = arith.addi %scan3A_19, %scan3A_20 : i32
    %scan3A_22 = arith.constant 1 : i32
    scf.for %scan3A_25 = %scan3A_19 to %scan3A_21 step %scan3A_22  : i32 {
      %dma_start3A = arith.constant 0 : i32
      %dma_start3A_26 = tpu.memref_slice %arg6[%scan3A_25, %dma_start3A] : memref<80x125xi32, #tpu.memory_space<vmem>> -> memref<1x125xi32, #tpu.memory_space<vmem>>
      %dma_start3A_27 = tpu.memref_squeeze %dma_start3A_26 : memref<1x125xi32, #tpu.memory_space<vmem>> -> memref<125xi32, #tpu.memory_space<vmem>>
      %dma_start3A_28 = arith.constant 0 : i32
      %dma_start3A_29 = arith.constant 0 : i32
      %dma_start3A_30 = tpu.memref_slice %arg2[%dma_start3A_28, %dma_start3A_29] : memref<10000x16xf32, #tpu.memory_space<hbm>> -> memref<10000x16xf32, #tpu.memory_space<hbm>>
      tpu.enqueue_indirect_dma source(%dma_start3A_30 : memref<10000x16xf32, #tpu.memory_space<hbm>>) target(%arg8 : memref<125x16xf32, #tpu.memory_space<vmem>>) offsets(%dma_start3A_27 : memref<125xi32, #tpu.memory_space<vmem>>) semaphore(%arg11 : memref<!tpu.dma_semaphore, #tpu.memory_space<semaphore_mem>>)
      %dma_wait3A = arith.constant 0 : i32
      %dma_wait3A_31 = tpu.memref_slice %arg6[%scan3A_25, %dma_wait3A] : memref<80x125xi32, #tpu.memory_space<vmem>> -> memref<1x125xi32, #tpu.memory_space<vmem>>
      %dma_wait3A_32 = tpu.memref_squeeze %dma_wait3A_31 : memref<1x125xi32, #tpu.memory_space<vmem>> -> memref<125xi32, #tpu.memory_space<vmem>>
      %dma_wait3A_33 = arith.constant 0 : i32
      %dma_wait3A_34 = arith.constant 0 : i32
      %dma_wait3A_35 = tpu.memref_slice %arg2[%dma_wait3A_33, %dma_wait3A_34] : memref<10000x16xf32, #tpu.memory_space<hbm>> -> memref<10000x16xf32, #tpu.memory_space<hbm>>
      tpu.wait_indirect_dma semaphore(%arg11 : memref<!tpu.dma_semaphore, #tpu.memory_space<semaphore_mem>>) src(%dma_wait3A_35 : memref<10000x16xf32, #tpu.memory_space<hbm>>) dst(%arg8 : memref<125x16xf32, #tpu.memory_space<vmem>>)
      "tpu.region"() ({
        %run_scoped3A = tpu.sem_alloc : memref<!tpu.dma_semaphore, #tpu.memory_space<semaphore_mem>>
        %dma_start3A_36 = arith.constant 0 : i32
        %dma_start3A_37 = tpu.memref_slice %arg7[%scan3A_25, %dma_start3A_36] : memref<80x125xi32, #tpu.memory_space<vmem>> -> memref<1x125xi32, #tpu.memory_space<vmem>>
        %dma_start3A_38 = tpu.memref_squeeze %dma_start3A_37 : memref<1x125xi32, #tpu.memory_space<vmem>> -> memref<125xi32, #tpu.memory_space<vmem>>
        %dma_start3A_39 = arith.constant 0 : i32
        %dma_start3A_40 = arith.constant 0 : i32
        %dma_start3A_41 = tpu.memref_slice %arg10[%dma_start3A_39, %dma_start3A_40] : memref<10000x16xf32, #tpu.memory_space<vmem_shared>> -> memref<10000x16xf32, #tpu.memory_space<vmem_shared>>
        tpu.enqueue_indirect_dma source(%arg8 : memref<125x16xf32, #tpu.memory_space<vmem>>) target(%dma_start3A_41 : memref<10000x16xf32, #tpu.memory_space<vmem_shared>>) offsets(%dma_start3A_38 : memref<125xi32, #tpu.memory_space<vmem>>) semaphore(%run_scoped3A : memref<!tpu.dma_semaphore, #tpu.memory_space<semaphore_mem>>) {add = true}
        %dma_wait3A_42 = arith.constant 0 : i32
        %dma_wait3A_43 = tpu.memref_slice %arg7[%scan3A_25, %dma_wait3A_42] : memref<80x125xi32, #tpu.memory_space<vmem>> -> memref<1x125xi32, #tpu.memory_space<vmem>>
        %dma_wait3A_44 = tpu.memref_squeeze %dma_wait3A_43 : memref<1x125xi32, #tpu.memory_space<vmem>> -> memref<125xi32, #tpu.memory_space<vmem>>
        %dma_wait3A_45 = arith.constant 0 : i32
        %dma_wait3A_46 = arith.constant 0 : i32
        %dma_wait3A_47 = tpu.memref_slice %arg10[%dma_wait3A_45, %dma_wait3A_46] : memref<10000x16xf32, #tpu.memory_space<vmem_shared>> -> memref<10000x16xf32, #tpu.memory_space<vmem_shared>>
        tpu.wait_indirect_dma semaphore(%run_scoped3A : memref<!tpu.dma_semaphore, #tpu.memory_space<semaphore_mem>>) src(%arg8 : memref<125x16xf32, #tpu.memory_space<vmem>>) dst(%dma_wait3A_47 : memref<10000x16xf32, #tpu.memory_space<vmem_shared>>)
        tpu.yield
      }) : () -> ()
    }
    %scan3A_23 = arith.constant 80 : i32
    %barrier3A_24 = arith.constant 0 : index
    tpu.barrier barrier_id(%barrier3A_24)
    "tpu.region"() ({
      %run_scoped3A = tpu.sem_alloc : memref<!tpu.dma_semaphore, #tpu.memory_space<semaphore_mem>>
      %dma_start3A = arith.constant 0 : i32
      %dma_start3A_25 = arith.constant 0 : i32
      %dma_start3A_26 = tpu.memref_slice %arg5[%arg0, %arg1, %dma_start3A, %dma_start3A_25] : memref<2x16x625x16xf32, #tpu.memory_space<hbm>> -> memref<1x1x625x16xf32, #tpu.memory_space<hbm>>
      %dma_start3A_27 = tpu.memref_squeeze %dma_start3A_26 : memref<1x1x625x16xf32, #tpu.memory_space<hbm>> -> memref<625x16xf32, #tpu.memory_space<hbm>>
      %dma_start3A_28 = arith.constant 0 : i32
      %dma_start3A_29 = tpu.memref_slice %arg10[%mul3A_2, %dma_start3A_28] : memref<10000x16xf32, #tpu.memory_space<vmem_shared>> -> memref<625x16xf32, #tpu.memory_space<vmem_shared>>
      tpu.enqueue_dma source(%dma_start3A_29 : memref<625x16xf32, #tpu.memory_space<vmem_shared>>) target(%dma_start3A_27 : memref<625x16xf32, #tpu.memory_space<hbm>>) target_semaphore(%run_scoped3A : memref<!tpu.dma_semaphore, #tpu.memory_space<semaphore_mem>>)
      %dma_wait3A = arith.constant 0 : i32
      %dma_wait3A_30 = arith.constant 0 : i32
      %dma_wait3A_31 = tpu.memref_slice %arg5[%arg0, %arg1, %dma_wait3A, %dma_wait3A_30] : memref<2x16x625x16xf32, #tpu.memory_space<hbm>> -> memref<1x1x625x16xf32, #tpu.memory_space<hbm>>
      %dma_wait3A_32 = tpu.memref_squeeze %dma_wait3A_31 : memref<1x1x625x16xf32, #tpu.memory_space<hbm>> -> memref<625x16xf32, #tpu.memory_space<hbm>>
      %dma_wait3A_33 = arith.constant 0 : i32
      %dma_wait3A_34 = tpu.memref_slice %arg10[%mul3A_2, %dma_wait3A_33] : memref<10000x16xf32, #tpu.memory_space<vmem_shared>> -> memref<625x16xf32, #tpu.memory_space<vmem_shared>>
      tpu.wait_dma2 semaphore(%run_scoped3A : memref<!tpu.dma_semaphore, #tpu.memory_space<semaphore_mem>>) src(%dma_wait3A_34 : memref<625x16xf32, #tpu.memory_space<vmem_shared>>) dst(%dma_wait3A_32 : memref<625x16xf32, #tpu.memory_space<hbm>>)
      tpu.yield
    }) : () -> ()
    return
  }
}

#map = affine_map<(d0, d1) -> (0, 0, 0)>
#map1 = affine_map<(d0, d1) -> (0, 0, 0, 0)>
module attributes {stable_mosaic.version = 14 : i64} {
  func.func @_deg_body(%arg0: i32, %arg1: i32, %arg2: memref<32x80x125xi32, #tpu.memory_space<hbm>>, %arg3: memref<2x16x625x16xf32, #tpu.memory_space<hbm>>, %arg4: memref<80x125xi32, #tpu.memory_space<vmem>>, %arg5: memref<125x16xf32, #tpu.memory_space<vmem>>, %arg6: memref<10000x16xf32, #tpu.memory_space<vmem_shared>>) attributes {dimension_semantics = [#tpu.dimension_semantics<core_parallel>, #tpu.dimension_semantics<subcore_parallel>], iteration_bounds = array<i64: 2, 16>, scalar_prefetch = 0 : i64, scratch_operands = 3 : i64, tpu.core_type = #tpu.core_type<sc_vector_subcore>, window_params = [{transform_indices = #map}, {transform_indices = #map1}]} {
    %mul3A = arith.constant 16 : i32
    %mul3A_0 = arith.muli %arg0, %mul3A : i32
    %add3A = arith.addi %mul3A_0, %arg1 : i32
    %mul3A_1 = arith.constant 625 : i32
    %mul3A_2 = arith.muli %arg1, %mul3A_1 : i32
    %scan3A = arith.constant 0 : i32
    %scan3A_3 = arith.constant 0 : i32
    %scan3A_4 = arith.constant 125 : i32
    %scan3A_5 = arith.addi %scan3A_3, %scan3A_4 : i32
    %scan3A_6 = arith.constant 1 : i32
    scf.for %scan3A_31 = %scan3A_3 to %scan3A_5 step %scan3A_6  : i32 {
      %broadcast_in_dim3A = arith.constant 0.000000e+00 : f32
      %broadcast_in_dim3A_32 = vector.broadcast %broadcast_in_dim3A : f32 to vector<16xf32>
      %swap3A = arith.index_cast %scan3A_31 : i32 to index
      %swap3A_33 = arith.constant 0 : index
      %swap3A_34 = tpu.vector_load %arg5[%swap3A, %swap3A_33] {strides = array<i32>} : memref<125x16xf32, #tpu.memory_space<vmem>>, vector<1x16xf32>,
      %swap3A_35 = vector.shape_cast %swap3A_34 : vector<1x16xf32> to vector<16xf32>
      %swap3A_36 = vector.shape_cast %broadcast_in_dim3A_32 : vector<16xf32> to vector<1x16xf32>
      tpu.vector_store %arg5[%swap3A, %swap3A_33], %swap3A_36 {strides = array<i32>} : memref<125x16xf32, #tpu.memory_space<vmem>>, vector<1x16xf32>,
    }
    %scan3A_7 = arith.constant 125 : i32
    %add3A_8 = arith.constant 0 : i32
    %add3A_9 = arith.addi %mul3A_2, %add3A_8 : i32
    "tpu.region"() ({
      %run_scoped3A = tpu.sem_alloc : memref<!tpu.dma_semaphore, #tpu.memory_space<semaphore_mem>>
      %dma_start3A = arith.constant 0 : i32
      %dma_start3A_31 = tpu.memref_slice %arg6[%add3A_9, %dma_start3A] : memref<10000x16xf32, #tpu.memory_space<vmem_shared>> -> memref<125x16xf32, #tpu.memory_space<vmem_shared>>
      %dma_start3A_32 = arith.constant 0 : i32
      %dma_start3A_33 = tpu.memref_slice %arg6[%add3A_9, %dma_start3A_32] : memref<10000x16xf32, #tpu.memory_space<vmem_shared>> -> memref<125x16xf32, #tpu.memory_space<vmem_shared>>
      tpu.enqueue_dma source(%arg5 : memref<125x16xf32, #tpu.memory_space<vmem>>) target(%dma_start3A_33 : memref<125x16xf32, #tpu.memory_space<vmem_shared>>) target_semaphore(%run_scoped3A : memref<!tpu.dma_semaphore, #tpu.memory_space<semaphore_mem>>)
      %dma_wait3A = arith.constant 0 : i32
      %dma_wait3A_34 = tpu.memref_slice %arg6[%add3A_9, %dma_wait3A] : memref<10000x16xf32, #tpu.memory_space<vmem_shared>> -> memref<125x16xf32, #tpu.memory_space<vmem_shared>>
      %dma_wait3A_35 = arith.constant 0 : i32
      %dma_wait3A_36 = tpu.memref_slice %arg6[%add3A_9, %dma_wait3A_35] : memref<10000x16xf32, #tpu.memory_space<vmem_shared>> -> memref<125x16xf32, #tpu.memory_space<vmem_shared>>
      tpu.wait_dma2 semaphore(%run_scoped3A : memref<!tpu.dma_semaphore, #tpu.memory_space<semaphore_mem>>) src(%arg5 : memref<125x16xf32, #tpu.memory_space<vmem>>) dst(%dma_wait3A_36 : memref<125x16xf32, #tpu.memory_space<vmem_shared>>)
      tpu.yield
    }) : () -> ()
    %add3A_10 = arith.constant 125 : i32
    %add3A_11 = arith.addi %mul3A_2, %add3A_10 : i32
    "tpu.region"() ({
      %run_scoped3A = tpu.sem_alloc : memref<!tpu.dma_semaphore, #tpu.memory_space<semaphore_mem>>
      %dma_start3A = arith.constant 0 : i32
      %dma_start3A_31 = tpu.memref_slice %arg6[%add3A_11, %dma_start3A] : memref<10000x16xf32, #tpu.memory_space<vmem_shared>> -> memref<125x16xf32, #tpu.memory_space<vmem_shared>>
      %dma_start3A_32 = arith.constant 0 : i32
      %dma_start3A_33 = tpu.memref_slice %arg6[%add3A_11, %dma_start3A_32] : memref<10000x16xf32, #tpu.memory_space<vmem_shared>> -> memref<125x16xf32, #tpu.memory_space<vmem_shared>>
      tpu.enqueue_dma source(%arg5 : memref<125x16xf32, #tpu.memory_space<vmem>>) target(%dma_start3A_33 : memref<125x16xf32, #tpu.memory_space<vmem_shared>>) target_semaphore(%run_scoped3A : memref<!tpu.dma_semaphore, #tpu.memory_space<semaphore_mem>>)
      %dma_wait3A = arith.constant 0 : i32
      %dma_wait3A_34 = tpu.memref_slice %arg6[%add3A_11, %dma_wait3A] : memref<10000x16xf32, #tpu.memory_space<vmem_shared>> -> memref<125x16xf32, #tpu.memory_space<vmem_shared>>
      %dma_wait3A_35 = arith.constant 0 : i32
      %dma_wait3A_36 = tpu.memref_slice %arg6[%add3A_11, %dma_wait3A_35] : memref<10000x16xf32, #tpu.memory_space<vmem_shared>> -> memref<125x16xf32, #tpu.memory_space<vmem_shared>>
      tpu.wait_dma2 semaphore(%run_scoped3A : memref<!tpu.dma_semaphore, #tpu.memory_space<semaphore_mem>>) src(%arg5 : memref<125x16xf32, #tpu.memory_space<vmem>>) dst(%dma_wait3A_36 : memref<125x16xf32, #tpu.memory_space<vmem_shared>>)
      tpu.yield
    }) : () -> ()
    %add3A_12 = arith.constant 250 : i32
    %add3A_13 = arith.addi %mul3A_2, %add3A_12 : i32
    "tpu.region"() ({
      %run_scoped3A = tpu.sem_alloc : memref<!tpu.dma_semaphore, #tpu.memory_space<semaphore_mem>>
      %dma_start3A = arith.constant 0 : i32
      %dma_start3A_31 = tpu.memref_slice %arg6[%add3A_13, %dma_start3A] : memref<10000x16xf32, #tpu.memory_space<vmem_shared>> -> memref<125x16xf32, #tpu.memory_space<vmem_shared>>
      %dma_start3A_32 = arith.constant 0 : i32
      %dma_start3A_33 = tpu.memref_slice %arg6[%add3A_13, %dma_start3A_32] : memref<10000x16xf32, #tpu.memory_space<vmem_shared>> -> memref<125x16xf32, #tpu.memory_space<vmem_shared>>
      tpu.enqueue_dma source(%arg5 : memref<125x16xf32, #tpu.memory_space<vmem>>) target(%dma_start3A_33 : memref<125x16xf32, #tpu.memory_space<vmem_shared>>) target_semaphore(%run_scoped3A : memref<!tpu.dma_semaphore, #tpu.memory_space<semaphore_mem>>)
      %dma_wait3A = arith.constant 0 : i32
      %dma_wait3A_34 = tpu.memref_slice %arg6[%add3A_13, %dma_wait3A] : memref<10000x16xf32, #tpu.memory_space<vmem_shared>> -> memref<125x16xf32, #tpu.memory_space<vmem_shared>>
      %dma_wait3A_35 = arith.constant 0 : i32
      %dma_wait3A_36 = tpu.memref_slice %arg6[%add3A_13, %dma_wait3A_35] : memref<10000x16xf32, #tpu.memory_space<vmem_shared>> -> memref<125x16xf32, #tpu.memory_space<vmem_shared>>
      tpu.wait_dma2 semaphore(%run_scoped3A : memref<!tpu.dma_semaphore, #tpu.memory_space<semaphore_mem>>) src(%arg5 : memref<125x16xf32, #tpu.memory_space<vmem>>) dst(%dma_wait3A_36 : memref<125x16xf32, #tpu.memory_space<vmem_shared>>)
      tpu.yield
    }) : () -> ()
    %add3A_14 = arith.constant 375 : i32
    %add3A_15 = arith.addi %mul3A_2, %add3A_14 : i32
    "tpu.region"() ({
      %run_scoped3A = tpu.sem_alloc : memref<!tpu.dma_semaphore, #tpu.memory_space<semaphore_mem>>
      %dma_start3A = arith.constant 0 : i32
      %dma_start3A_31 = tpu.memref_slice %arg6[%add3A_15, %dma_start3A] : memref<10000x16xf32, #tpu.memory_space<vmem_shared>> -> memref<125x16xf32, #tpu.memory_space<vmem_shared>>
      %dma_start3A_32 = arith.constant 0 : i32
      %dma_start3A_33 = tpu.memref_slice %arg6[%add3A_15, %dma_start3A_32] : memref<10000x16xf32, #tpu.memory_space<vmem_shared>> -> memref<125x16xf32, #tpu.memory_space<vmem_shared>>
      tpu.enqueue_dma source(%arg5 : memref<125x16xf32, #tpu.memory_space<vmem>>) target(%dma_start3A_33 : memref<125x16xf32, #tpu.memory_space<vmem_shared>>) target_semaphore(%run_scoped3A : memref<!tpu.dma_semaphore, #tpu.memory_space<semaphore_mem>>)
      %dma_wait3A = arith.constant 0 : i32
      %dma_wait3A_34 = tpu.memref_slice %arg6[%add3A_15, %dma_wait3A] : memref<10000x16xf32, #tpu.memory_space<vmem_shared>> -> memref<125x16xf32, #tpu.memory_space<vmem_shared>>
      %dma_wait3A_35 = arith.constant 0 : i32
      %dma_wait3A_36 = tpu.memref_slice %arg6[%add3A_15, %dma_wait3A_35] : memref<10000x16xf32, #tpu.memory_space<vmem_shared>> -> memref<125x16xf32, #tpu.memory_space<vmem_shared>>
      tpu.wait_dma2 semaphore(%run_scoped3A : memref<!tpu.dma_semaphore, #tpu.memory_space<semaphore_mem>>) src(%arg5 : memref<125x16xf32, #tpu.memory_space<vmem>>) dst(%dma_wait3A_36 : memref<125x16xf32, #tpu.memory_space<vmem_shared>>)
      tpu.yield
    }) : () -> ()
    %add3A_16 = arith.constant 500 : i32
    %add3A_17 = arith.addi %mul3A_2, %add3A_16 : i32
    "tpu.region"() ({
      %run_scoped3A = tpu.sem_alloc : memref<!tpu.dma_semaphore, #tpu.memory_space<semaphore_mem>>
      %dma_start3A = arith.constant 0 : i32
      %dma_start3A_31 = tpu.memref_slice %arg6[%add3A_17, %dma_start3A] : memref<10000x16xf32, #tpu.memory_space<vmem_shared>> -> memref<125x16xf32, #tpu.memory_space<vmem_shared>>
      %dma_start3A_32 = arith.constant 0 : i32
      %dma_start3A_33 = tpu.memref_slice %arg6[%add3A_17, %dma_start3A_32] : memref<10000x16xf32, #tpu.memory_space<vmem_shared>> -> memref<125x16xf32, #tpu.memory_space<vmem_shared>>
      tpu.enqueue_dma source(%arg5 : memref<125x16xf32, #tpu.memory_space<vmem>>) target(%dma_start3A_33 : memref<125x16xf32, #tpu.memory_space<vmem_shared>>) target_semaphore(%run_scoped3A : memref<!tpu.dma_semaphore, #tpu.memory_space<semaphore_mem>>)
      %dma_wait3A = arith.constant 0 : i32
      %dma_wait3A_34 = tpu.memref_slice %arg6[%add3A_17, %dma_wait3A] : memref<10000x16xf32, #tpu.memory_space<vmem_shared>> -> memref<125x16xf32, #tpu.memory_space<vmem_shared>>
      %dma_wait3A_35 = arith.constant 0 : i32
      %dma_wait3A_36 = tpu.memref_slice %arg6[%add3A_17, %dma_wait3A_35] : memref<10000x16xf32, #tpu.memory_space<vmem_shared>> -> memref<125x16xf32, #tpu.memory_space<vmem_shared>>
      tpu.wait_dma2 semaphore(%run_scoped3A : memref<!tpu.dma_semaphore, #tpu.memory_space<semaphore_mem>>) src(%arg5 : memref<125x16xf32, #tpu.memory_space<vmem>>) dst(%dma_wait3A_36 : memref<125x16xf32, #tpu.memory_space<vmem_shared>>)
      tpu.yield
    }) : () -> ()
    %scan3A_18 = arith.constant 0 : i32
    %scan3A_19 = arith.constant 0 : i32
    %scan3A_20 = arith.constant 125 : i32
    %scan3A_21 = arith.addi %scan3A_19, %scan3A_20 : i32
    %scan3A_22 = arith.constant 1 : i32
    scf.for %scan3A_31 = %scan3A_19 to %scan3A_21 step %scan3A_22  : i32 {
      %broadcast_in_dim3A = arith.constant 1.000000e+00 : f32
      %broadcast_in_dim3A_32 = vector.broadcast %broadcast_in_dim3A : f32 to vector<16xf32>
      %swap3A = arith.index_cast %scan3A_31 : i32 to index
      %swap3A_33 = arith.constant 0 : index
      %swap3A_34 = tpu.vector_load %arg5[%swap3A, %swap3A_33] {strides = array<i32>} : memref<125x16xf32, #tpu.memory_space<vmem>>, vector<1x16xf32>,
      %swap3A_35 = vector.shape_cast %swap3A_34 : vector<1x16xf32> to vector<16xf32>
      %swap3A_36 = vector.shape_cast %broadcast_in_dim3A_32 : vector<16xf32> to vector<1x16xf32>
      tpu.vector_store %arg5[%swap3A, %swap3A_33], %swap3A_36 {strides = array<i32>} : memref<125x16xf32, #tpu.memory_space<vmem>>, vector<1x16xf32>,
    }
    %scan3A_23 = arith.constant 125 : i32
    "tpu.region"() ({
      %run_scoped3A = tpu.sem_alloc : memref<!tpu.dma_semaphore, #tpu.memory_space<semaphore_mem>>
      %dma_start3A = arith.constant 0 : i32
      %dma_start3A_31 = arith.constant 0 : i32
      %dma_start3A_32 = tpu.memref_slice %arg2[%add3A, %dma_start3A, %dma_start3A_31] : memref<32x80x125xi32, #tpu.memory_space<hbm>> -> memref<1x80x125xi32, #tpu.memory_space<hbm>>
      %dma_start3A_33 = tpu.memref_squeeze %dma_start3A_32 : memref<1x80x125xi32, #tpu.memory_space<hbm>> -> memref<80x125xi32, #tpu.memory_space<hbm>>
      %dma_start3A_34 = arith.constant 0 : i32
      %dma_start3A_35 = arith.constant 0 : i32
      %dma_start3A_36 = tpu.memref_slice %arg2[%add3A, %dma_start3A_34, %dma_start3A_35] : memref<32x80x125xi32, #tpu.memory_space<hbm>> -> memref<1x80x125xi32, #tpu.memory_space<hbm>>
      %dma_start3A_37 = tpu.memref_squeeze %dma_start3A_36 : memref<1x80x125xi32, #tpu.memory_space<hbm>> -> memref<80x125xi32, #tpu.memory_space<hbm>>
      tpu.enqueue_dma source(%dma_start3A_37 : memref<80x125xi32, #tpu.memory_space<hbm>>) target(%arg4 : memref<80x125xi32, #tpu.memory_space<vmem>>) target_semaphore(%run_scoped3A : memref<!tpu.dma_semaphore, #tpu.memory_space<semaphore_mem>>)
      %dma_wait3A = arith.constant 0 : i32
      %dma_wait3A_38 = arith.constant 0 : i32
      %dma_wait3A_39 = tpu.memref_slice %arg2[%add3A, %dma_wait3A, %dma_wait3A_38] : memref<32x80x125xi32, #tpu.memory_space<hbm>> -> memref<1x80x125xi32, #tpu.memory_space<hbm>>
      %dma_wait3A_40 = tpu.memref_squeeze %dma_wait3A_39 : memref<1x80x125xi32, #tpu.memory_space<hbm>> -> memref<80x125xi32, #tpu.memory_space<hbm>>
      %dma_wait3A_41 = arith.constant 0 : i32
      %dma_wait3A_42 = arith.constant 0 : i32
      %dma_wait3A_43 = tpu.memref_slice %arg2[%add3A, %dma_wait3A_41, %dma_wait3A_42] : memref<32x80x125xi32, #tpu.memory_space<hbm>> -> memref<1x80x125xi32, #tpu.memory_space<hbm>>
      %dma_wait3A_44 = tpu.memref_squeeze %dma_wait3A_43 : memref<1x80x125xi32, #tpu.memory_space<hbm>> -> memref<80x125xi32, #tpu.memory_space<hbm>>
      tpu.wait_dma2 semaphore(%run_scoped3A : memref<!tpu.dma_semaphore, #tpu.memory_space<semaphore_mem>>) src(%dma_wait3A_44 : memref<80x125xi32, #tpu.memory_space<hbm>>) dst(%arg4 : memref<80x125xi32, #tpu.memory_space<vmem>>)
      tpu.yield
    }) : () -> ()
    %barrier3A = arith.constant 0 : index
    tpu.barrier barrier_id(%barrier3A)
    %scan3A_24 = arith.constant 0 : i32
    %scan3A_25 = arith.constant 0 : i32
    %scan3A_26 = arith.constant 80 : i32
    %scan3A_27 = arith.addi %scan3A_25, %scan3A_26 : i32
    %scan3A_28 = arith.constant 1 : i32
    scf.for %scan3A_31 = %scan3A_25 to %scan3A_27 step %scan3A_28  : i32 {
      "tpu.region"() ({
        %run_scoped3A = tpu.sem_alloc : memref<!tpu.dma_semaphore, #tpu.memory_space<semaphore_mem>>
        %dma_start3A = arith.constant 0 : i32
        %dma_start3A_32 = tpu.memref_slice %arg4[%scan3A_31, %dma_start3A] : memref<80x125xi32, #tpu.memory_space<vmem>> -> memref<1x125xi32, #tpu.memory_space<vmem>>
        %dma_start3A_33 = tpu.memref_squeeze %dma_start3A_32 : memref<1x125xi32, #tpu.memory_space<vmem>> -> memref<125xi32, #tpu.memory_space<vmem>>
        %dma_start3A_34 = arith.constant 0 : i32
        %dma_start3A_35 = arith.constant 0 : i32
        %dma_start3A_36 = tpu.memref_slice %arg6[%dma_start3A_34, %dma_start3A_35] : memref<10000x16xf32, #tpu.memory_space<vmem_shared>> -> memref<10000x16xf32, #tpu.memory_space<vmem_shared>>
        tpu.enqueue_indirect_dma source(%arg5 : memref<125x16xf32, #tpu.memory_space<vmem>>) target(%dma_start3A_36 : memref<10000x16xf32, #tpu.memory_space<vmem_shared>>) offsets(%dma_start3A_33 : memref<125xi32, #tpu.memory_space<vmem>>) semaphore(%run_scoped3A : memref<!tpu.dma_semaphore, #tpu.memory_space<semaphore_mem>>) {add = true}
        %dma_wait3A = arith.constant 0 : i32
        %dma_wait3A_37 = tpu.memref_slice %arg4[%scan3A_31, %dma_wait3A] : memref<80x125xi32, #tpu.memory_space<vmem>> -> memref<1x125xi32, #tpu.memory_space<vmem>>
        %dma_wait3A_38 = tpu.memref_squeeze %dma_wait3A_37 : memref<1x125xi32, #tpu.memory_space<vmem>> -> memref<125xi32, #tpu.memory_space<vmem>>
        %dma_wait3A_39 = arith.constant 0 : i32
        %dma_wait3A_40 = arith.constant 0 : i32
        %dma_wait3A_41 = tpu.memref_slice %arg6[%dma_wait3A_39, %dma_wait3A_40] : memref<10000x16xf32, #tpu.memory_space<vmem_shared>> -> memref<10000x16xf32, #tpu.memory_space<vmem_shared>>
        tpu.wait_indirect_dma semaphore(%run_scoped3A : memref<!tpu.dma_semaphore, #tpu.memory_space<semaphore_mem>>) src(%arg5 : memref<125x16xf32, #tpu.memory_space<vmem>>) dst(%dma_wait3A_41 : memref<10000x16xf32, #tpu.memory_space<vmem_shared>>)
        tpu.yield
      }) : () -> ()
    }
    %scan3A_29 = arith.constant 80 : i32
    %barrier3A_30 = arith.constant 0 : index
    tpu.barrier barrier_id(%barrier3A_30)
    "tpu.region"() ({
      %run_scoped3A = tpu.sem_alloc : memref<!tpu.dma_semaphore, #tpu.memory_space<semaphore_mem>>
      %dma_start3A = arith.constant 0 : i32
      %dma_start3A_31 = arith.constant 0 : i32
      %dma_start3A_32 = tpu.memref_slice %arg3[%arg0, %arg1, %dma_start3A, %dma_start3A_31] : memref<2x16x625x16xf32, #tpu.memory_space<hbm>> -> memref<1x1x625x16xf32, #tpu.memory_space<hbm>>
      %dma_start3A_33 = tpu.memref_squeeze %dma_start3A_32 : memref<1x1x625x16xf32, #tpu.memory_space<hbm>> -> memref<625x16xf32, #tpu.memory_space<hbm>>
      %dma_start3A_34 = arith.constant 0 : i32
      %dma_start3A_35 = tpu.memref_slice %arg6[%mul3A_2, %dma_start3A_34] : memref<10000x16xf32, #tpu.memory_space<vmem_shared>> -> memref<625x16xf32, #tpu.memory_space<vmem_shared>>
      tpu.enqueue_dma source(%dma_start3A_35 : memref<625x16xf32, #tpu.memory_space<vmem_shared>>) target(%dma_start3A_33 : memref<625x16xf32, #tpu.memory_space<hbm>>) target_semaphore(%run_scoped3A : memref<!tpu.dma_semaphore, #tpu.memory_space<semaphore_mem>>)
      %dma_wait3A = arith.constant 0 : i32
      %dma_wait3A_36 = arith.constant 0 : i32
      %dma_wait3A_37 = tpu.memref_slice %arg3[%arg0, %arg1, %dma_wait3A, %dma_wait3A_36] : memref<2x16x625x16xf32, #tpu.memory_space<hbm>> -> memref<1x1x625x16xf32, #tpu.memory_space<hbm>>
      %dma_wait3A_38 = tpu.memref_squeeze %dma_wait3A_37 : memref<1x1x625x16xf32, #tpu.memory_space<hbm>> -> memref<625x16xf32, #tpu.memory_space<hbm>>
      %dma_wait3A_39 = arith.constant 0 : i32
      %dma_wait3A_40 = tpu.memref_slice %arg6[%mul3A_2, %dma_wait3A_39] : memref<10000x16xf32, #tpu.memory_space<vmem_shared>> -> memref<625x16xf32, #tpu.memory_space<vmem_shared>>
      tpu.wait_dma2 semaphore(%run_scoped3A : memref<!tpu.dma_semaphore, #tpu.memory_space<semaphore_mem>>) src(%dma_wait3A_40 : memref<625x16xf32, #tpu.memory_space<vmem_shared>>) dst(%dma_wait3A_38 : memref<625x16xf32, #tpu.memory_space<hbm>>)
      tpu.yield
    }) : () -> ()
    return
  }
}

#map = affine_map<(d0, d1) -> (0, 0)>
#map1 = affine_map<(d0, d1) -> (0, 0, 0)>
#map2 = affine_map<(d0, d1) -> (0, 0, 0, 0)>
module attributes {stable_mosaic.version = 14 : i64} {
  func.func @_agg_body(%arg0: i32, %arg1: i32, %arg2: memref<10000x16xf32, #tpu.memory_space<hbm>>, %arg3: memref<32x80x125xi32, #tpu.memory_space<hbm>>, %arg4: memref<32x80x125xi32, #tpu.memory_space<hbm>>, %arg5: memref<2x16x625x16xf32, #tpu.memory_space<hbm>>, %arg6: memref<80x125xi32, #tpu.memory_space<vmem>>, %arg7: memref<80x125xi32, #tpu.memory_space<vmem>>, %arg8: memref<125x16xf32, #tpu.memory_space<vmem>>, %arg9: memref<125x16xf32, #tpu.memory_space<vmem>>, %arg10: memref<10000x16xf32, #tpu.memory_space<vmem_shared>>, %arg11: memref<!tpu.dma_semaphore, #tpu.memory_space<semaphore_mem>>) attributes {dimension_semantics = [#tpu.dimension_semantics<core_parallel>, #tpu.dimension_semantics<subcore_parallel>], iteration_bounds = array<i64: 2, 16>, scalar_prefetch = 0 : i64, scratch_operands = 6 : i64, tpu.core_type = #tpu.core_type<sc_vector_subcore>, window_params = [{transform_indices = #map}, {transform_indices = #map1}, {transform_indices = #map1}, {transform_indices = #map2}]} {
    %mul3A = arith.constant 16 : i32
    %mul3A_0 = arith.muli %arg0, %mul3A : i32
    %add3A = arith.addi %mul3A_0, %arg1 : i32
    %mul3A_1 = arith.constant 625 : i32
    %mul3A_2 = arith.muli %arg1, %mul3A_1 : i32
    %scan3A = arith.constant 0 : i32
    %scan3A_3 = arith.constant 0 : i32
    %scan3A_4 = arith.constant 125 : i32
    %scan3A_5 = arith.addi %scan3A_3, %scan3A_4 : i32
    %scan3A_6 = arith.constant 1 : i32
    scf.for %scan3A_25 = %scan3A_3 to %scan3A_5 step %scan3A_6  : i32 {
      %broadcast_in_dim3A = arith.constant 0.000000e+00 : f32
      %broadcast_in_dim3A_26 = vector.broadcast %broadcast_in_dim3A : f32 to vector<16xf32>
      %swap3A = arith.index_cast %scan3A_25 : i32 to index
      %swap3A_27 = arith.constant 0 : index
      %swap3A_28 = tpu.vector_load %arg9[%swap3A, %swap3A_27] {strides = array<i32>} : memref<125x16xf32, #tpu.memory_space<vmem>>, vector<1x16xf32>,
      %swap3A_29 = vector.shape_cast %swap3A_28 : vector<1x16xf32> to vector<16xf32>
      %swap3A_30 = vector.shape_cast %broadcast_in_dim3A_26 : vector<16xf32> to vector<1x16xf32>
      tpu.vector_store %arg9[%swap3A, %swap3A_27], %swap3A_30 {strides = array<i32>} : memref<125x16xf32, #tpu.memory_space<vmem>>, vector<1x16xf32>,
    }
    %scan3A_7 = arith.constant 125 : i32
    %add3A_8 = arith.constant 0 : i32
    %add3A_9 = arith.addi %mul3A_2, %add3A_8 : i32
    "tpu.region"() ({
      %run_scoped3A = tpu.sem_alloc : memref<!tpu.dma_semaphore, #tpu.memory_space<semaphore_mem>>
      %dma_start3A = arith.constant 0 : i32
      %dma_start3A_25 = tpu.memref_slice %arg10[%add3A_9, %dma_start3A] : memref<10000x16xf32, #tpu.memory_space<vmem_shared>> -> memref<125x16xf32, #tpu.memory_space<vmem_shared>>
      %dma_start3A_26 = arith.constant 0 : i32
      %dma_start3A_27 = tpu.memref_slice %arg10[%add3A_9, %dma_start3A_26] : memref<10000x16xf32, #tpu.memory_space<vmem_shared>> -> memref<125x16xf32, #tpu.memory_space<vmem_shared>>
      tpu.enqueue_dma source(%arg9 : memref<125x16xf32, #tpu.memory_space<vmem>>) target(%dma_start3A_27 : memref<125x16xf32, #tpu.memory_space<vmem_shared>>) target_semaphore(%run_scoped3A : memref<!tpu.dma_semaphore, #tpu.memory_space<semaphore_mem>>)
      %dma_wait3A = arith.constant 0 : i32
      %dma_wait3A_28 = tpu.memref_slice %arg10[%add3A_9, %dma_wait3A] : memref<10000x16xf32, #tpu.memory_space<vmem_shared>> -> memref<125x16xf32, #tpu.memory_space<vmem_shared>>
      %dma_wait3A_29 = arith.constant 0 : i32
      %dma_wait3A_30 = tpu.memref_slice %arg10[%add3A_9, %dma_wait3A_29] : memref<10000x16xf32, #tpu.memory_space<vmem_shared>> -> memref<125x16xf32, #tpu.memory_space<vmem_shared>>
      tpu.wait_dma2 semaphore(%run_scoped3A : memref<!tpu.dma_semaphore, #tpu.memory_space<semaphore_mem>>) src(%arg9 : memref<125x16xf32, #tpu.memory_space<vmem>>) dst(%dma_wait3A_30 : memref<125x16xf32, #tpu.memory_space<vmem_shared>>)
      tpu.yield
    }) : () -> ()
    %add3A_10 = arith.constant 125 : i32
    %add3A_11 = arith.addi %mul3A_2, %add3A_10 : i32
    "tpu.region"() ({
      %run_scoped3A = tpu.sem_alloc : memref<!tpu.dma_semaphore, #tpu.memory_space<semaphore_mem>>
      %dma_start3A = arith.constant 0 : i32
      %dma_start3A_25 = tpu.memref_slice %arg10[%add3A_11, %dma_start3A] : memref<10000x16xf32, #tpu.memory_space<vmem_shared>> -> memref<125x16xf32, #tpu.memory_space<vmem_shared>>
      %dma_start3A_26 = arith.constant 0 : i32
      %dma_start3A_27 = tpu.memref_slice %arg10[%add3A_11, %dma_start3A_26] : memref<10000x16xf32, #tpu.memory_space<vmem_shared>> -> memref<125x16xf32, #tpu.memory_space<vmem_shared>>
      tpu.enqueue_dma source(%arg9 : memref<125x16xf32, #tpu.memory_space<vmem>>) target(%dma_start3A_27 : memref<125x16xf32, #tpu.memory_space<vmem_shared>>) target_semaphore(%run_scoped3A : memref<!tpu.dma_semaphore, #tpu.memory_space<semaphore_mem>>)
      %dma_wait3A = arith.constant 0 : i32
      %dma_wait3A_28 = tpu.memref_slice %arg10[%add3A_11, %dma_wait3A] : memref<10000x16xf32, #tpu.memory_space<vmem_shared>> -> memref<125x16xf32, #tpu.memory_space<vmem_shared>>
      %dma_wait3A_29 = arith.constant 0 : i32
      %dma_wait3A_30 = tpu.memref_slice %arg10[%add3A_11, %dma_wait3A_29] : memref<10000x16xf32, #tpu.memory_space<vmem_shared>> -> memref<125x16xf32, #tpu.memory_space<vmem_shared>>
      tpu.wait_dma2 semaphore(%run_scoped3A : memref<!tpu.dma_semaphore, #tpu.memory_space<semaphore_mem>>) src(%arg9 : memref<125x16xf32, #tpu.memory_space<vmem>>) dst(%dma_wait3A_30 : memref<125x16xf32, #tpu.memory_space<vmem_shared>>)
      tpu.yield
    }) : () -> ()
    %add3A_12 = arith.constant 250 : i32
    %add3A_13 = arith.addi %mul3A_2, %add3A_12 : i32
    "tpu.region"() ({
      %run_scoped3A = tpu.sem_alloc : memref<!tpu.dma_semaphore, #tpu.memory_space<semaphore_mem>>
      %dma_start3A = arith.constant 0 : i32
      %dma_start3A_25 = tpu.memref_slice %arg10[%add3A_13, %dma_start3A] : memref<10000x16xf32, #tpu.memory_space<vmem_shared>> -> memref<125x16xf32, #tpu.memory_space<vmem_shared>>
      %dma_start3A_26 = arith.constant 0 : i32
      %dma_start3A_27 = tpu.memref_slice %arg10[%add3A_13, %dma_start3A_26] : memref<10000x16xf32, #tpu.memory_space<vmem_shared>> -> memref<125x16xf32, #tpu.memory_space<vmem_shared>>
      tpu.enqueue_dma source(%arg9 : memref<125x16xf32, #tpu.memory_space<vmem>>) target(%dma_start3A_27 : memref<125x16xf32, #tpu.memory_space<vmem_shared>>) target_semaphore(%run_scoped3A : memref<!tpu.dma_semaphore, #tpu.memory_space<semaphore_mem>>)
      %dma_wait3A = arith.constant 0 : i32
      %dma_wait3A_28 = tpu.memref_slice %arg10[%add3A_13, %dma_wait3A] : memref<10000x16xf32, #tpu.memory_space<vmem_shared>> -> memref<125x16xf32, #tpu.memory_space<vmem_shared>>
      %dma_wait3A_29 = arith.constant 0 : i32
      %dma_wait3A_30 = tpu.memref_slice %arg10[%add3A_13, %dma_wait3A_29] : memref<10000x16xf32, #tpu.memory_space<vmem_shared>> -> memref<125x16xf32, #tpu.memory_space<vmem_shared>>
      tpu.wait_dma2 semaphore(%run_scoped3A : memref<!tpu.dma_semaphore, #tpu.memory_space<semaphore_mem>>) src(%arg9 : memref<125x16xf32, #tpu.memory_space<vmem>>) dst(%dma_wait3A_30 : memref<125x16xf32, #tpu.memory_space<vmem_shared>>)
      tpu.yield
    }) : () -> ()
    %add3A_14 = arith.constant 375 : i32
    %add3A_15 = arith.addi %mul3A_2, %add3A_14 : i32
    "tpu.region"() ({
      %run_scoped3A = tpu.sem_alloc : memref<!tpu.dma_semaphore, #tpu.memory_space<semaphore_mem>>
      %dma_start3A = arith.constant 0 : i32
      %dma_start3A_25 = tpu.memref_slice %arg10[%add3A_15, %dma_start3A] : memref<10000x16xf32, #tpu.memory_space<vmem_shared>> -> memref<125x16xf32, #tpu.memory_space<vmem_shared>>
      %dma_start3A_26 = arith.constant 0 : i32
      %dma_start3A_27 = tpu.memref_slice %arg10[%add3A_15, %dma_start3A_26] : memref<10000x16xf32, #tpu.memory_space<vmem_shared>> -> memref<125x16xf32, #tpu.memory_space<vmem_shared>>
      tpu.enqueue_dma source(%arg9 : memref<125x16xf32, #tpu.memory_space<vmem>>) target(%dma_start3A_27 : memref<125x16xf32, #tpu.memory_space<vmem_shared>>) target_semaphore(%run_scoped3A : memref<!tpu.dma_semaphore, #tpu.memory_space<semaphore_mem>>)
      %dma_wait3A = arith.constant 0 : i32
      %dma_wait3A_28 = tpu.memref_slice %arg10[%add3A_15, %dma_wait3A] : memref<10000x16xf32, #tpu.memory_space<vmem_shared>> -> memref<125x16xf32, #tpu.memory_space<vmem_shared>>
      %dma_wait3A_29 = arith.constant 0 : i32
      %dma_wait3A_30 = tpu.memref_slice %arg10[%add3A_15, %dma_wait3A_29] : memref<10000x16xf32, #tpu.memory_space<vmem_shared>> -> memref<125x16xf32, #tpu.memory_space<vmem_shared>>
      tpu.wait_dma2 semaphore(%run_scoped3A : memref<!tpu.dma_semaphore, #tpu.memory_space<semaphore_mem>>) src(%arg9 : memref<125x16xf32, #tpu.memory_space<vmem>>) dst(%dma_wait3A_30 : memref<125x16xf32, #tpu.memory_space<vmem_shared>>)
      tpu.yield
    }) : () -> ()
    %add3A_16 = arith.constant 500 : i32
    %add3A_17 = arith.addi %mul3A_2, %add3A_16 : i32
    "tpu.region"() ({
      %run_scoped3A = tpu.sem_alloc : memref<!tpu.dma_semaphore, #tpu.memory_space<semaphore_mem>>
      %dma_start3A = arith.constant 0 : i32
      %dma_start3A_25 = tpu.memref_slice %arg10[%add3A_17, %dma_start3A] : memref<10000x16xf32, #tpu.memory_space<vmem_shared>> -> memref<125x16xf32, #tpu.memory_space<vmem_shared>>
      %dma_start3A_26 = arith.constant 0 : i32
      %dma_start3A_27 = tpu.memref_slice %arg10[%add3A_17, %dma_start3A_26] : memref<10000x16xf32, #tpu.memory_space<vmem_shared>> -> memref<125x16xf32, #tpu.memory_space<vmem_shared>>
      tpu.enqueue_dma source(%arg9 : memref<125x16xf32, #tpu.memory_space<vmem>>) target(%dma_start3A_27 : memref<125x16xf32, #tpu.memory_space<vmem_shared>>) target_semaphore(%run_scoped3A : memref<!tpu.dma_semaphore, #tpu.memory_space<semaphore_mem>>)
      %dma_wait3A = arith.constant 0 : i32
      %dma_wait3A_28 = tpu.memref_slice %arg10[%add3A_17, %dma_wait3A] : memref<10000x16xf32, #tpu.memory_space<vmem_shared>> -> memref<125x16xf32, #tpu.memory_space<vmem_shared>>
      %dma_wait3A_29 = arith.constant 0 : i32
      %dma_wait3A_30 = tpu.memref_slice %arg10[%add3A_17, %dma_wait3A_29] : memref<10000x16xf32, #tpu.memory_space<vmem_shared>> -> memref<125x16xf32, #tpu.memory_space<vmem_shared>>
      tpu.wait_dma2 semaphore(%run_scoped3A : memref<!tpu.dma_semaphore, #tpu.memory_space<semaphore_mem>>) src(%arg9 : memref<125x16xf32, #tpu.memory_space<vmem>>) dst(%dma_wait3A_30 : memref<125x16xf32, #tpu.memory_space<vmem_shared>>)
      tpu.yield
    }) : () -> ()
    "tpu.region"() ({
      %run_scoped3A = tpu.sem_alloc : memref<!tpu.dma_semaphore, #tpu.memory_space<semaphore_mem>>
      %dma_start3A = arith.constant 0 : i32
      %dma_start3A_25 = arith.constant 0 : i32
      %dma_start3A_26 = tpu.memref_slice %arg3[%add3A, %dma_start3A, %dma_start3A_25] : memref<32x80x125xi32, #tpu.memory_space<hbm>> -> memref<1x80x125xi32, #tpu.memory_space<hbm>>
      %dma_start3A_27 = tpu.memref_squeeze %dma_start3A_26 : memref<1x80x125xi32, #tpu.memory_space<hbm>> -> memref<80x125xi32, #tpu.memory_space<hbm>>
      %dma_start3A_28 = arith.constant 0 : i32
      %dma_start3A_29 = arith.constant 0 : i32
      %dma_start3A_30 = tpu.memref_slice %arg3[%add3A, %dma_start3A_28, %dma_start3A_29] : memref<32x80x125xi32, #tpu.memory_space<hbm>> -> memref<1x80x125xi32, #tpu.memory_space<hbm>>
      %dma_start3A_31 = tpu.memref_squeeze %dma_start3A_30 : memref<1x80x125xi32, #tpu.memory_space<hbm>> -> memref<80x125xi32, #tpu.memory_space<hbm>>
      tpu.enqueue_dma source(%dma_start3A_31 : memref<80x125xi32, #tpu.memory_space<hbm>>) target(%arg6 : memref<80x125xi32, #tpu.memory_space<vmem>>) target_semaphore(%run_scoped3A : memref<!tpu.dma_semaphore, #tpu.memory_space<semaphore_mem>>)
      %dma_wait3A = arith.constant 0 : i32
      %dma_wait3A_32 = arith.constant 0 : i32
      %dma_wait3A_33 = tpu.memref_slice %arg3[%add3A, %dma_wait3A, %dma_wait3A_32] : memref<32x80x125xi32, #tpu.memory_space<hbm>> -> memref<1x80x125xi32, #tpu.memory_space<hbm>>
      %dma_wait3A_34 = tpu.memref_squeeze %dma_wait3A_33 : memref<1x80x125xi32, #tpu.memory_space<hbm>> -> memref<80x125xi32, #tpu.memory_space<hbm>>
      %dma_wait3A_35 = arith.constant 0 : i32
      %dma_wait3A_36 = arith.constant 0 : i32
      %dma_wait3A_37 = tpu.memref_slice %arg3[%add3A, %dma_wait3A_35, %dma_wait3A_36] : memref<32x80x125xi32, #tpu.memory_space<hbm>> -> memref<1x80x125xi32, #tpu.memory_space<hbm>>
      %dma_wait3A_38 = tpu.memref_squeeze %dma_wait3A_37 : memref<1x80x125xi32, #tpu.memory_space<hbm>> -> memref<80x125xi32, #tpu.memory_space<hbm>>
      tpu.wait_dma2 semaphore(%run_scoped3A : memref<!tpu.dma_semaphore, #tpu.memory_space<semaphore_mem>>) src(%dma_wait3A_38 : memref<80x125xi32, #tpu.memory_space<hbm>>) dst(%arg6 : memref<80x125xi32, #tpu.memory_space<vmem>>)
      tpu.yield
    }) : () -> ()
    "tpu.region"() ({
      %run_scoped3A = tpu.sem_alloc : memref<!tpu.dma_semaphore, #tpu.memory_space<semaphore_mem>>
      %dma_start3A = arith.constant 0 : i32
      %dma_start3A_25 = arith.constant 0 : i32
      %dma_start3A_26 = tpu.memref_slice %arg4[%add3A, %dma_start3A, %dma_start3A_25] : memref<32x80x125xi32, #tpu.memory_space<hbm>> -> memref<1x80x125xi32, #tpu.memory_space<hbm>>
      %dma_start3A_27 = tpu.memref_squeeze %dma_start3A_26 : memref<1x80x125xi32, #tpu.memory_space<hbm>> -> memref<80x125xi32, #tpu.memory_space<hbm>>
      %dma_start3A_28 = arith.constant 0 : i32
      %dma_start3A_29 = arith.constant 0 : i32
      %dma_start3A_30 = tpu.memref_slice %arg4[%add3A, %dma_start3A_28, %dma_start3A_29] : memref<32x80x125xi32, #tpu.memory_space<hbm>> -> memref<1x80x125xi32, #tpu.memory_space<hbm>>
      %dma_start3A_31 = tpu.memref_squeeze %dma_start3A_30 : memref<1x80x125xi32, #tpu.memory_space<hbm>> -> memref<80x125xi32, #tpu.memory_space<hbm>>
      tpu.enqueue_dma source(%dma_start3A_31 : memref<80x125xi32, #tpu.memory_space<hbm>>) target(%arg7 : memref<80x125xi32, #tpu.memory_space<vmem>>) target_semaphore(%run_scoped3A : memref<!tpu.dma_semaphore, #tpu.memory_space<semaphore_mem>>)
      %dma_wait3A = arith.constant 0 : i32
      %dma_wait3A_32 = arith.constant 0 : i32
      %dma_wait3A_33 = tpu.memref_slice %arg4[%add3A, %dma_wait3A, %dma_wait3A_32] : memref<32x80x125xi32, #tpu.memory_space<hbm>> -> memref<1x80x125xi32, #tpu.memory_space<hbm>>
      %dma_wait3A_34 = tpu.memref_squeeze %dma_wait3A_33 : memref<1x80x125xi32, #tpu.memory_space<hbm>> -> memref<80x125xi32, #tpu.memory_space<hbm>>
      %dma_wait3A_35 = arith.constant 0 : i32
      %dma_wait3A_36 = arith.constant 0 : i32
      %dma_wait3A_37 = tpu.memref_slice %arg4[%add3A, %dma_wait3A_35, %dma_wait3A_36] : memref<32x80x125xi32, #tpu.memory_space<hbm>> -> memref<1x80x125xi32, #tpu.memory_space<hbm>>
      %dma_wait3A_38 = tpu.memref_squeeze %dma_wait3A_37 : memref<1x80x125xi32, #tpu.memory_space<hbm>> -> memref<80x125xi32, #tpu.memory_space<hbm>>
      tpu.wait_dma2 semaphore(%run_scoped3A : memref<!tpu.dma_semaphore, #tpu.memory_space<semaphore_mem>>) src(%dma_wait3A_38 : memref<80x125xi32, #tpu.memory_space<hbm>>) dst(%arg7 : memref<80x125xi32, #tpu.memory_space<vmem>>)
      tpu.yield
    }) : () -> ()
    %barrier3A = arith.constant 0 : index
    tpu.barrier barrier_id(%barrier3A)
    %scan3A_18 = arith.constant 0 : i32
    %scan3A_19 = arith.constant 0 : i32
    %scan3A_20 = arith.constant 80 : i32
    %scan3A_21 = arith.addi %scan3A_19, %scan3A_20 : i32
    %scan3A_22 = arith.constant 1 : i32
    scf.for %scan3A_25 = %scan3A_19 to %scan3A_21 step %scan3A_22  : i32 {
      %dma_start3A = arith.constant 0 : i32
      %dma_start3A_26 = tpu.memref_slice %arg6[%scan3A_25, %dma_start3A] : memref<80x125xi32, #tpu.memory_space<vmem>> -> memref<1x125xi32, #tpu.memory_space<vmem>>
      %dma_start3A_27 = tpu.memref_squeeze %dma_start3A_26 : memref<1x125xi32, #tpu.memory_space<vmem>> -> memref<125xi32, #tpu.memory_space<vmem>>
      %dma_start3A_28 = arith.constant 0 : i32
      %dma_start3A_29 = arith.constant 0 : i32
      %dma_start3A_30 = tpu.memref_slice %arg2[%dma_start3A_28, %dma_start3A_29] : memref<10000x16xf32, #tpu.memory_space<hbm>> -> memref<10000x16xf32, #tpu.memory_space<hbm>>
      tpu.enqueue_indirect_dma source(%dma_start3A_30 : memref<10000x16xf32, #tpu.memory_space<hbm>>) target(%arg8 : memref<125x16xf32, #tpu.memory_space<vmem>>) offsets(%dma_start3A_27 : memref<125xi32, #tpu.memory_space<vmem>>) semaphore(%arg11 : memref<!tpu.dma_semaphore, #tpu.memory_space<semaphore_mem>>)
      %dma_wait3A = arith.constant 0 : i32
      %dma_wait3A_31 = tpu.memref_slice %arg6[%scan3A_25, %dma_wait3A] : memref<80x125xi32, #tpu.memory_space<vmem>> -> memref<1x125xi32, #tpu.memory_space<vmem>>
      %dma_wait3A_32 = tpu.memref_squeeze %dma_wait3A_31 : memref<1x125xi32, #tpu.memory_space<vmem>> -> memref<125xi32, #tpu.memory_space<vmem>>
      %dma_wait3A_33 = arith.constant 0 : i32
      %dma_wait3A_34 = arith.constant 0 : i32
      %dma_wait3A_35 = tpu.memref_slice %arg2[%dma_wait3A_33, %dma_wait3A_34] : memref<10000x16xf32, #tpu.memory_space<hbm>> -> memref<10000x16xf32, #tpu.memory_space<hbm>>
      tpu.wait_indirect_dma semaphore(%arg11 : memref<!tpu.dma_semaphore, #tpu.memory_space<semaphore_mem>>) src(%dma_wait3A_35 : memref<10000x16xf32, #tpu.memory_space<hbm>>) dst(%arg8 : memref<125x16xf32, #tpu.memory_space<vmem>>)
      "tpu.region"() ({
        %run_scoped3A = tpu.sem_alloc : memref<!tpu.dma_semaphore, #tpu.memory_space<semaphore_mem>>
        %dma_start3A_36 = arith.constant 0 : i32
        %dma_start3A_37 = tpu.memref_slice %arg7[%scan3A_25, %dma_start3A_36] : memref<80x125xi32, #tpu.memory_space<vmem>> -> memref<1x125xi32, #tpu.memory_space<vmem>>
        %dma_start3A_38 = tpu.memref_squeeze %dma_start3A_37 : memref<1x125xi32, #tpu.memory_space<vmem>> -> memref<125xi32, #tpu.memory_space<vmem>>
        %dma_start3A_39 = arith.constant 0 : i32
        %dma_start3A_40 = arith.constant 0 : i32
        %dma_start3A_41 = tpu.memref_slice %arg10[%dma_start3A_39, %dma_start3A_40] : memref<10000x16xf32, #tpu.memory_space<vmem_shared>> -> memref<10000x16xf32, #tpu.memory_space<vmem_shared>>
        tpu.enqueue_indirect_dma source(%arg8 : memref<125x16xf32, #tpu.memory_space<vmem>>) target(%dma_start3A_41 : memref<10000x16xf32, #tpu.memory_space<vmem_shared>>) offsets(%dma_start3A_38 : memref<125xi32, #tpu.memory_space<vmem>>) semaphore(%run_scoped3A : memref<!tpu.dma_semaphore, #tpu.memory_space<semaphore_mem>>) {add = true}
        %dma_wait3A_42 = arith.constant 0 : i32
        %dma_wait3A_43 = tpu.memref_slice %arg7[%scan3A_25, %dma_wait3A_42] : memref<80x125xi32, #tpu.memory_space<vmem>> -> memref<1x125xi32, #tpu.memory_space<vmem>>
        %dma_wait3A_44 = tpu.memref_squeeze %dma_wait3A_43 : memref<1x125xi32, #tpu.memory_space<vmem>> -> memref<125xi32, #tpu.memory_space<vmem>>
        %dma_wait3A_45 = arith.constant 0 : i32
        %dma_wait3A_46 = arith.constant 0 : i32
        %dma_wait3A_47 = tpu.memref_slice %arg10[%dma_wait3A_45, %dma_wait3A_46] : memref<10000x16xf32, #tpu.memory_space<vmem_shared>> -> memref<10000x16xf32, #tpu.memory_space<vmem_shared>>
        tpu.wait_indirect_dma semaphore(%run_scoped3A : memref<!tpu.dma_semaphore, #tpu.memory_space<semaphore_mem>>) src(%arg8 : memref<125x16xf32, #tpu.memory_space<vmem>>) dst(%dma_wait3A_47 : memref<10000x16xf32, #tpu.memory_space<vmem_shared>>)
        tpu.yield
      }) : () -> ()
    }
    %scan3A_23 = arith.constant 80 : i32
    %barrier3A_24 = arith.constant 0 : index
    tpu.barrier barrier_id(%barrier3A_24)
    "tpu.region"() ({
      %run_scoped3A = tpu.sem_alloc : memref<!tpu.dma_semaphore, #tpu.memory_space<semaphore_mem>>
      %dma_start3A = arith.constant 0 : i32
      %dma_start3A_25 = arith.constant 0 : i32
      %dma_start3A_26 = tpu.memref_slice %arg5[%arg0, %arg1, %dma_start3A, %dma_start3A_25] : memref<2x16x625x16xf32, #tpu.memory_space<hbm>> -> memref<1x1x625x16xf32, #tpu.memory_space<hbm>>
      %dma_start3A_27 = tpu.memref_squeeze %dma_start3A_26 : memref<1x1x625x16xf32, #tpu.memory_space<hbm>> -> memref<625x16xf32, #tpu.memory_space<hbm>>
      %dma_start3A_28 = arith.constant 0 : i32
      %dma_start3A_29 = tpu.memref_slice %arg10[%mul3A_2, %dma_start3A_28] : memref<10000x16xf32, #tpu.memory_space<vmem_shared>> -> memref<625x16xf32, #tpu.memory_space<vmem_shared>>
      tpu.enqueue_dma source(%dma_start3A_29 : memref<625x16xf32, #tpu.memory_space<vmem_shared>>) target(%dma_start3A_27 : memref<625x16xf32, #tpu.memory_space<hbm>>) target_semaphore(%run_scoped3A : memref<!tpu.dma_semaphore, #tpu.memory_space<semaphore_mem>>)
      %dma_wait3A = arith.constant 0 : i32
      %dma_wait3A_30 = arith.constant 0 : i32
      %dma_wait3A_31 = tpu.memref_slice %arg5[%arg0, %arg1, %dma_wait3A, %dma_wait3A_30] : memref<2x16x625x16xf32, #tpu.memory_space<hbm>> -> memref<1x1x625x16xf32, #tpu.memory_space<hbm>>
      %dma_wait3A_32 = tpu.memref_squeeze %dma_wait3A_31 : memref<1x1x625x16xf32, #tpu.memory_space<hbm>> -> memref<625x16xf32, #tpu.memory_space<hbm>>
      %dma_wait3A_33 = arith.constant 0 : i32
      %dma_wait3A_34 = tpu.memref_slice %arg10[%mul3A_2, %dma_wait3A_33] : memref<10000x16xf32, #tpu.memory_space<vmem_shared>> -> memref<625x16xf32, #tpu.memory_space<vmem_shared>>
      tpu.wait_dma2 semaphore(%run_scoped3A : memref<!tpu.dma_semaphore, #tpu.memory_space<semaphore_mem>>) src(%dma_wait3A_34 : memref<625x16xf32, #tpu.memory_space<vmem_shared>>) dst(%dma_wait3A_32 : memref<625x16xf32, #tpu.memory_space<hbm>>)
      tpu.yield
    }) : () -> ()
    return
  }
}

#map = affine_map<(d0, d1) -> (0, 0)>
#map1 = affine_map<(d0, d1) -> (0, 0, 0)>
#map2 = affine_map<(d0, d1) -> (0, 0, 0, 0)>
module attributes {stable_mosaic.version = 14 : i64} {
  func.func @_agg_body(%arg0: i32, %arg1: i32, %arg2: memref<10000x32xf32, #tpu.memory_space<hbm>>, %arg3: memref<32x80x125xi32, #tpu.memory_space<hbm>>, %arg4: memref<32x80x125xi32, #tpu.memory_space<hbm>>, %arg5: memref<2x16x625x32xf32, #tpu.memory_space<hbm>>, %arg6: memref<80x125xi32, #tpu.memory_space<vmem>>, %arg7: memref<80x125xi32, #tpu.memory_space<vmem>>, %arg8: memref<125x32xf32, #tpu.memory_space<vmem>>, %arg9: memref<125x32xf32, #tpu.memory_space<vmem>>, %arg10: memref<10000x32xf32, #tpu.memory_space<vmem_shared>>, %arg11: memref<!tpu.dma_semaphore, #tpu.memory_space<semaphore_mem>>) attributes {dimension_semantics = [#tpu.dimension_semantics<core_parallel>, #tpu.dimension_semantics<subcore_parallel>], iteration_bounds = array<i64: 2, 16>, scalar_prefetch = 0 : i64, scratch_operands = 6 : i64, tpu.core_type = #tpu.core_type<sc_vector_subcore>, window_params = [{transform_indices = #map}, {transform_indices = #map1}, {transform_indices = #map1}, {transform_indices = #map2}]} {
    %mul3A = arith.constant 16 : i32
    %mul3A_0 = arith.muli %arg0, %mul3A : i32
    %add3A = arith.addi %mul3A_0, %arg1 : i32
    %mul3A_1 = arith.constant 625 : i32
    %mul3A_2 = arith.muli %arg1, %mul3A_1 : i32
    %scan3A = arith.constant 0 : i32
    %scan3A_3 = arith.constant 0 : i32
    %scan3A_4 = arith.constant 125 : i32
    %scan3A_5 = arith.addi %scan3A_3, %scan3A_4 : i32
    %scan3A_6 = arith.constant 1 : i32
    scf.for %scan3A_25 = %scan3A_3 to %scan3A_5 step %scan3A_6  : i32 {
      %broadcast_in_dim3A = arith.constant 0.000000e+00 : f32
      %broadcast_in_dim3A_26 = vector.broadcast %broadcast_in_dim3A : f32 to vector<16xf32>
      %swap3A = arith.index_cast %scan3A_25 : i32 to index
      %swap3A_27 = arith.constant 0 : index
      %swap3A_28 = tpu.vector_load %arg9[%swap3A, %swap3A_27] {strides = array<i32>} : memref<125x32xf32, #tpu.memory_space<vmem>>, vector<1x16xf32>,
      %swap3A_29 = vector.shape_cast %swap3A_28 : vector<1x16xf32> to vector<16xf32>
      %swap3A_30 = vector.shape_cast %broadcast_in_dim3A_26 : vector<16xf32> to vector<1x16xf32>
      tpu.vector_store %arg9[%swap3A, %swap3A_27], %swap3A_30 {strides = array<i32>} : memref<125x32xf32, #tpu.memory_space<vmem>>, vector<1x16xf32>,
      %broadcast_in_dim3A_31 = arith.constant 0.000000e+00 : f32
      %broadcast_in_dim3A_32 = vector.broadcast %broadcast_in_dim3A_31 : f32 to vector<16xf32>
      %swap3A_33 = arith.index_cast %scan3A_25 : i32 to index
      %swap3A_34 = arith.constant 16 : index
      %swap3A_35 = tpu.vector_load %arg9[%swap3A_33, %swap3A_34] {strides = array<i32>} : memref<125x32xf32, #tpu.memory_space<vmem>>, vector<1x16xf32>,
      %swap3A_36 = vector.shape_cast %swap3A_35 : vector<1x16xf32> to vector<16xf32>
      %swap3A_37 = vector.shape_cast %broadcast_in_dim3A_32 : vector<16xf32> to vector<1x16xf32>
      tpu.vector_store %arg9[%swap3A_33, %swap3A_34], %swap3A_37 {strides = array<i32>} : memref<125x32xf32, #tpu.memory_space<vmem>>, vector<1x16xf32>,
    }
    %scan3A_7 = arith.constant 125 : i32
    %add3A_8 = arith.constant 0 : i32
    %add3A_9 = arith.addi %mul3A_2, %add3A_8 : i32
    "tpu.region"() ({
      %run_scoped3A = tpu.sem_alloc : memref<!tpu.dma_semaphore, #tpu.memory_space<semaphore_mem>>
      %dma_start3A = arith.constant 0 : i32
      %dma_start3A_25 = tpu.memref_slice %arg10[%add3A_9, %dma_start3A] : memref<10000x32xf32, #tpu.memory_space<vmem_shared>> -> memref<125x32xf32, #tpu.memory_space<vmem_shared>>
      %dma_start3A_26 = arith.constant 0 : i32
      %dma_start3A_27 = tpu.memref_slice %arg10[%add3A_9, %dma_start3A_26] : memref<10000x32xf32, #tpu.memory_space<vmem_shared>> -> memref<125x32xf32, #tpu.memory_space<vmem_shared>>
      tpu.enqueue_dma source(%arg9 : memref<125x32xf32, #tpu.memory_space<vmem>>) target(%dma_start3A_27 : memref<125x32xf32, #tpu.memory_space<vmem_shared>>) target_semaphore(%run_scoped3A : memref<!tpu.dma_semaphore, #tpu.memory_space<semaphore_mem>>)
      %dma_wait3A = arith.constant 0 : i32
      %dma_wait3A_28 = tpu.memref_slice %arg10[%add3A_9, %dma_wait3A] : memref<10000x32xf32, #tpu.memory_space<vmem_shared>> -> memref<125x32xf32, #tpu.memory_space<vmem_shared>>
      %dma_wait3A_29 = arith.constant 0 : i32
      %dma_wait3A_30 = tpu.memref_slice %arg10[%add3A_9, %dma_wait3A_29] : memref<10000x32xf32, #tpu.memory_space<vmem_shared>> -> memref<125x32xf32, #tpu.memory_space<vmem_shared>>
      tpu.wait_dma2 semaphore(%run_scoped3A : memref<!tpu.dma_semaphore, #tpu.memory_space<semaphore_mem>>) src(%arg9 : memref<125x32xf32, #tpu.memory_space<vmem>>) dst(%dma_wait3A_30 : memref<125x32xf32, #tpu.memory_space<vmem_shared>>)
      tpu.yield
    }) : () -> ()
    %add3A_10 = arith.constant 125 : i32
    %add3A_11 = arith.addi %mul3A_2, %add3A_10 : i32
    "tpu.region"() ({
      %run_scoped3A = tpu.sem_alloc : memref<!tpu.dma_semaphore, #tpu.memory_space<semaphore_mem>>
      %dma_start3A = arith.constant 0 : i32
      %dma_start3A_25 = tpu.memref_slice %arg10[%add3A_11, %dma_start3A] : memref<10000x32xf32, #tpu.memory_space<vmem_shared>> -> memref<125x32xf32, #tpu.memory_space<vmem_shared>>
      %dma_start3A_26 = arith.constant 0 : i32
      %dma_start3A_27 = tpu.memref_slice %arg10[%add3A_11, %dma_start3A_26] : memref<10000x32xf32, #tpu.memory_space<vmem_shared>> -> memref<125x32xf32, #tpu.memory_space<vmem_shared>>
      tpu.enqueue_dma source(%arg9 : memref<125x32xf32, #tpu.memory_space<vmem>>) target(%dma_start3A_27 : memref<125x32xf32, #tpu.memory_space<vmem_shared>>) target_semaphore(%run_scoped3A : memref<!tpu.dma_semaphore, #tpu.memory_space<semaphore_mem>>)
      %dma_wait3A = arith.constant 0 : i32
      %dma_wait3A_28 = tpu.memref_slice %arg10[%add3A_11, %dma_wait3A] : memref<10000x32xf32, #tpu.memory_space<vmem_shared>> -> memref<125x32xf32, #tpu.memory_space<vmem_shared>>
      %dma_wait3A_29 = arith.constant 0 : i32
      %dma_wait3A_30 = tpu.memref_slice %arg10[%add3A_11, %dma_wait3A_29] : memref<10000x32xf32, #tpu.memory_space<vmem_shared>> -> memref<125x32xf32, #tpu.memory_space<vmem_shared>>
      tpu.wait_dma2 semaphore(%run_scoped3A : memref<!tpu.dma_semaphore, #tpu.memory_space<semaphore_mem>>) src(%arg9 : memref<125x32xf32, #tpu.memory_space<vmem>>) dst(%dma_wait3A_30 : memref<125x32xf32, #tpu.memory_space<vmem_shared>>)
      tpu.yield
    }) : () -> ()
    %add3A_12 = arith.constant 250 : i32
    %add3A_13 = arith.addi %mul3A_2, %add3A_12 : i32
    "tpu.region"() ({
      %run_scoped3A = tpu.sem_alloc : memref<!tpu.dma_semaphore, #tpu.memory_space<semaphore_mem>>
      %dma_start3A = arith.constant 0 : i32
      %dma_start3A_25 = tpu.memref_slice %arg10[%add3A_13, %dma_start3A] : memref<10000x32xf32, #tpu.memory_space<vmem_shared>> -> memref<125x32xf32, #tpu.memory_space<vmem_shared>>
      %dma_start3A_26 = arith.constant 0 : i32
      %dma_start3A_27 = tpu.memref_slice %arg10[%add3A_13, %dma_start3A_26] : memref<10000x32xf32, #tpu.memory_space<vmem_shared>> -> memref<125x32xf32, #tpu.memory_space<vmem_shared>>
      tpu.enqueue_dma source(%arg9 : memref<125x32xf32, #tpu.memory_space<vmem>>) target(%dma_start3A_27 : memref<125x32xf32, #tpu.memory_space<vmem_shared>>) target_semaphore(%run_scoped3A : memref<!tpu.dma_semaphore, #tpu.memory_space<semaphore_mem>>)
      %dma_wait3A = arith.constant 0 : i32
      %dma_wait3A_28 = tpu.memref_slice %arg10[%add3A_13, %dma_wait3A] : memref<10000x32xf32, #tpu.memory_space<vmem_shared>> -> memref<125x32xf32, #tpu.memory_space<vmem_shared>>
      %dma_wait3A_29 = arith.constant 0 : i32
      %dma_wait3A_30 = tpu.memref_slice %arg10[%add3A_13, %dma_wait3A_29] : memref<10000x32xf32, #tpu.memory_space<vmem_shared>> -> memref<125x32xf32, #tpu.memory_space<vmem_shared>>
      tpu.wait_dma2 semaphore(%run_scoped3A : memref<!tpu.dma_semaphore, #tpu.memory_space<semaphore_mem>>) src(%arg9 : memref<125x32xf32, #tpu.memory_space<vmem>>) dst(%dma_wait3A_30 : memref<125x32xf32, #tpu.memory_space<vmem_shared>>)
      tpu.yield
    }) : () -> ()
    %add3A_14 = arith.constant 375 : i32
    %add3A_15 = arith.addi %mul3A_2, %add3A_14 : i32
    "tpu.region"() ({
      %run_scoped3A = tpu.sem_alloc : memref<!tpu.dma_semaphore, #tpu.memory_space<semaphore_mem>>
      %dma_start3A = arith.constant 0 : i32
      %dma_start3A_25 = tpu.memref_slice %arg10[%add3A_15, %dma_start3A] : memref<10000x32xf32, #tpu.memory_space<vmem_shared>> -> memref<125x32xf32, #tpu.memory_space<vmem_shared>>
      %dma_start3A_26 = arith.constant 0 : i32
      %dma_start3A_27 = tpu.memref_slice %arg10[%add3A_15, %dma_start3A_26] : memref<10000x32xf32, #tpu.memory_space<vmem_shared>> -> memref<125x32xf32, #tpu.memory_space<vmem_shared>>
      tpu.enqueue_dma source(%arg9 : memref<125x32xf32, #tpu.memory_space<vmem>>) target(%dma_start3A_27 : memref<125x32xf32, #tpu.memory_space<vmem_shared>>) target_semaphore(%run_scoped3A : memref<!tpu.dma_semaphore, #tpu.memory_space<semaphore_mem>>)
      %dma_wait3A = arith.constant 0 : i32
      %dma_wait3A_28 = tpu.memref_slice %arg10[%add3A_15, %dma_wait3A] : memref<10000x32xf32, #tpu.memory_space<vmem_shared>> -> memref<125x32xf32, #tpu.memory_space<vmem_shared>>
      %dma_wait3A_29 = arith.constant 0 : i32
      %dma_wait3A_30 = tpu.memref_slice %arg10[%add3A_15, %dma_wait3A_29] : memref<10000x32xf32, #tpu.memory_space<vmem_shared>> -> memref<125x32xf32, #tpu.memory_space<vmem_shared>>
      tpu.wait_dma2 semaphore(%run_scoped3A : memref<!tpu.dma_semaphore, #tpu.memory_space<semaphore_mem>>) src(%arg9 : memref<125x32xf32, #tpu.memory_space<vmem>>) dst(%dma_wait3A_30 : memref<125x32xf32, #tpu.memory_space<vmem_shared>>)
      tpu.yield
    }) : () -> ()
    %add3A_16 = arith.constant 500 : i32
    %add3A_17 = arith.addi %mul3A_2, %add3A_16 : i32
    "tpu.region"() ({
      %run_scoped3A = tpu.sem_alloc : memref<!tpu.dma_semaphore, #tpu.memory_space<semaphore_mem>>
      %dma_start3A = arith.constant 0 : i32
      %dma_start3A_25 = tpu.memref_slice %arg10[%add3A_17, %dma_start3A] : memref<10000x32xf32, #tpu.memory_space<vmem_shared>> -> memref<125x32xf32, #tpu.memory_space<vmem_shared>>
      %dma_start3A_26 = arith.constant 0 : i32
      %dma_start3A_27 = tpu.memref_slice %arg10[%add3A_17, %dma_start3A_26] : memref<10000x32xf32, #tpu.memory_space<vmem_shared>> -> memref<125x32xf32, #tpu.memory_space<vmem_shared>>
      tpu.enqueue_dma source(%arg9 : memref<125x32xf32, #tpu.memory_space<vmem>>) target(%dma_start3A_27 : memref<125x32xf32, #tpu.memory_space<vmem_shared>>) target_semaphore(%run_scoped3A : memref<!tpu.dma_semaphore, #tpu.memory_space<semaphore_mem>>)
      %dma_wait3A = arith.constant 0 : i32
      %dma_wait3A_28 = tpu.memref_slice %arg10[%add3A_17, %dma_wait3A] : memref<10000x32xf32, #tpu.memory_space<vmem_shared>> -> memref<125x32xf32, #tpu.memory_space<vmem_shared>>
      %dma_wait3A_29 = arith.constant 0 : i32
      %dma_wait3A_30 = tpu.memref_slice %arg10[%add3A_17, %dma_wait3A_29] : memref<10000x32xf32, #tpu.memory_space<vmem_shared>> -> memref<125x32xf32, #tpu.memory_space<vmem_shared>>
      tpu.wait_dma2 semaphore(%run_scoped3A : memref<!tpu.dma_semaphore, #tpu.memory_space<semaphore_mem>>) src(%arg9 : memref<125x32xf32, #tpu.memory_space<vmem>>) dst(%dma_wait3A_30 : memref<125x32xf32, #tpu.memory_space<vmem_shared>>)
      tpu.yield
    }) : () -> ()
    "tpu.region"() ({
      %run_scoped3A = tpu.sem_alloc : memref<!tpu.dma_semaphore, #tpu.memory_space<semaphore_mem>>
      %dma_start3A = arith.constant 0 : i32
      %dma_start3A_25 = arith.constant 0 : i32
      %dma_start3A_26 = tpu.memref_slice %arg3[%add3A, %dma_start3A, %dma_start3A_25] : memref<32x80x125xi32, #tpu.memory_space<hbm>> -> memref<1x80x125xi32, #tpu.memory_space<hbm>>
      %dma_start3A_27 = tpu.memref_squeeze %dma_start3A_26 : memref<1x80x125xi32, #tpu.memory_space<hbm>> -> memref<80x125xi32, #tpu.memory_space<hbm>>
      %dma_start3A_28 = arith.constant 0 : i32
      %dma_start3A_29 = arith.constant 0 : i32
      %dma_start3A_30 = tpu.memref_slice %arg3[%add3A, %dma_start3A_28, %dma_start3A_29] : memref<32x80x125xi32, #tpu.memory_space<hbm>> -> memref<1x80x125xi32, #tpu.memory_space<hbm>>
      %dma_start3A_31 = tpu.memref_squeeze %dma_start3A_30 : memref<1x80x125xi32, #tpu.memory_space<hbm>> -> memref<80x125xi32, #tpu.memory_space<hbm>>
      tpu.enqueue_dma source(%dma_start3A_31 : memref<80x125xi32, #tpu.memory_space<hbm>>) target(%arg6 : memref<80x125xi32, #tpu.memory_space<vmem>>) target_semaphore(%run_scoped3A : memref<!tpu.dma_semaphore, #tpu.memory_space<semaphore_mem>>)
      %dma_wait3A = arith.constant 0 : i32
      %dma_wait3A_32 = arith.constant 0 : i32
      %dma_wait3A_33 = tpu.memref_slice %arg3[%add3A, %dma_wait3A, %dma_wait3A_32] : memref<32x80x125xi32, #tpu.memory_space<hbm>> -> memref<1x80x125xi32, #tpu.memory_space<hbm>>
      %dma_wait3A_34 = tpu.memref_squeeze %dma_wait3A_33 : memref<1x80x125xi32, #tpu.memory_space<hbm>> -> memref<80x125xi32, #tpu.memory_space<hbm>>
      %dma_wait3A_35 = arith.constant 0 : i32
      %dma_wait3A_36 = arith.constant 0 : i32
      %dma_wait3A_37 = tpu.memref_slice %arg3[%add3A, %dma_wait3A_35, %dma_wait3A_36] : memref<32x80x125xi32, #tpu.memory_space<hbm>> -> memref<1x80x125xi32, #tpu.memory_space<hbm>>
      %dma_wait3A_38 = tpu.memref_squeeze %dma_wait3A_37 : memref<1x80x125xi32, #tpu.memory_space<hbm>> -> memref<80x125xi32, #tpu.memory_space<hbm>>
      tpu.wait_dma2 semaphore(%run_scoped3A : memref<!tpu.dma_semaphore, #tpu.memory_space<semaphore_mem>>) src(%dma_wait3A_38 : memref<80x125xi32, #tpu.memory_space<hbm>>) dst(%arg6 : memref<80x125xi32, #tpu.memory_space<vmem>>)
      tpu.yield
    }) : () -> ()
    "tpu.region"() ({
      %run_scoped3A = tpu.sem_alloc : memref<!tpu.dma_semaphore, #tpu.memory_space<semaphore_mem>>
      %dma_start3A = arith.constant 0 : i32
      %dma_start3A_25 = arith.constant 0 : i32
      %dma_start3A_26 = tpu.memref_slice %arg4[%add3A, %dma_start3A, %dma_start3A_25] : memref<32x80x125xi32, #tpu.memory_space<hbm>> -> memref<1x80x125xi32, #tpu.memory_space<hbm>>
      %dma_start3A_27 = tpu.memref_squeeze %dma_start3A_26 : memref<1x80x125xi32, #tpu.memory_space<hbm>> -> memref<80x125xi32, #tpu.memory_space<hbm>>
      %dma_start3A_28 = arith.constant 0 : i32
      %dma_start3A_29 = arith.constant 0 : i32
      %dma_start3A_30 = tpu.memref_slice %arg4[%add3A, %dma_start3A_28, %dma_start3A_29] : memref<32x80x125xi32, #tpu.memory_space<hbm>> -> memref<1x80x125xi32, #tpu.memory_space<hbm>>
      %dma_start3A_31 = tpu.memref_squeeze %dma_start3A_30 : memref<1x80x125xi32, #tpu.memory_space<hbm>> -> memref<80x125xi32, #tpu.memory_space<hbm>>
      tpu.enqueue_dma source(%dma_start3A_31 : memref<80x125xi32, #tpu.memory_space<hbm>>) target(%arg7 : memref<80x125xi32, #tpu.memory_space<vmem>>) target_semaphore(%run_scoped3A : memref<!tpu.dma_semaphore, #tpu.memory_space<semaphore_mem>>)
      %dma_wait3A = arith.constant 0 : i32
      %dma_wait3A_32 = arith.constant 0 : i32
      %dma_wait3A_33 = tpu.memref_slice %arg4[%add3A, %dma_wait3A, %dma_wait3A_32] : memref<32x80x125xi32, #tpu.memory_space<hbm>> -> memref<1x80x125xi32, #tpu.memory_space<hbm>>
      %dma_wait3A_34 = tpu.memref_squeeze %dma_wait3A_33 : memref<1x80x125xi32, #tpu.memory_space<hbm>> -> memref<80x125xi32, #tpu.memory_space<hbm>>
      %dma_wait3A_35 = arith.constant 0 : i32
      %dma_wait3A_36 = arith.constant 0 : i32
      %dma_wait3A_37 = tpu.memref_slice %arg4[%add3A, %dma_wait3A_35, %dma_wait3A_36] : memref<32x80x125xi32, #tpu.memory_space<hbm>> -> memref<1x80x125xi32, #tpu.memory_space<hbm>>
      %dma_wait3A_38 = tpu.memref_squeeze %dma_wait3A_37 : memref<1x80x125xi32, #tpu.memory_space<hbm>> -> memref<80x125xi32, #tpu.memory_space<hbm>>
      tpu.wait_dma2 semaphore(%run_scoped3A : memref<!tpu.dma_semaphore, #tpu.memory_space<semaphore_mem>>) src(%dma_wait3A_38 : memref<80x125xi32, #tpu.memory_space<hbm>>) dst(%arg7 : memref<80x125xi32, #tpu.memory_space<vmem>>)
      tpu.yield
    }) : () -> ()
    %barrier3A = arith.constant 0 : index
    tpu.barrier barrier_id(%barrier3A)
    %scan3A_18 = arith.constant 0 : i32
    %scan3A_19 = arith.constant 0 : i32
    %scan3A_20 = arith.constant 80 : i32
    %scan3A_21 = arith.addi %scan3A_19, %scan3A_20 : i32
    %scan3A_22 = arith.constant 1 : i32
    scf.for %scan3A_25 = %scan3A_19 to %scan3A_21 step %scan3A_22  : i32 {
      %dma_start3A = arith.constant 0 : i32
      %dma_start3A_26 = tpu.memref_slice %arg6[%scan3A_25, %dma_start3A] : memref<80x125xi32, #tpu.memory_space<vmem>> -> memref<1x125xi32, #tpu.memory_space<vmem>>
      %dma_start3A_27 = tpu.memref_squeeze %dma_start3A_26 : memref<1x125xi32, #tpu.memory_space<vmem>> -> memref<125xi32, #tpu.memory_space<vmem>>
      %dma_start3A_28 = arith.constant 0 : i32
      %dma_start3A_29 = arith.constant 0 : i32
      %dma_start3A_30 = tpu.memref_slice %arg2[%dma_start3A_28, %dma_start3A_29] : memref<10000x32xf32, #tpu.memory_space<hbm>> -> memref<10000x32xf32, #tpu.memory_space<hbm>>
      tpu.enqueue_indirect_dma source(%dma_start3A_30 : memref<10000x32xf32, #tpu.memory_space<hbm>>) target(%arg8 : memref<125x32xf32, #tpu.memory_space<vmem>>) offsets(%dma_start3A_27 : memref<125xi32, #tpu.memory_space<vmem>>) semaphore(%arg11 : memref<!tpu.dma_semaphore, #tpu.memory_space<semaphore_mem>>)
      %dma_wait3A = arith.constant 0 : i32
      %dma_wait3A_31 = tpu.memref_slice %arg6[%scan3A_25, %dma_wait3A] : memref<80x125xi32, #tpu.memory_space<vmem>> -> memref<1x125xi32, #tpu.memory_space<vmem>>
      %dma_wait3A_32 = tpu.memref_squeeze %dma_wait3A_31 : memref<1x125xi32, #tpu.memory_space<vmem>> -> memref<125xi32, #tpu.memory_space<vmem>>
      %dma_wait3A_33 = arith.constant 0 : i32
      %dma_wait3A_34 = arith.constant 0 : i32
      %dma_wait3A_35 = tpu.memref_slice %arg2[%dma_wait3A_33, %dma_wait3A_34] : memref<10000x32xf32, #tpu.memory_space<hbm>> -> memref<10000x32xf32, #tpu.memory_space<hbm>>
      tpu.wait_indirect_dma semaphore(%arg11 : memref<!tpu.dma_semaphore, #tpu.memory_space<semaphore_mem>>) src(%dma_wait3A_35 : memref<10000x32xf32, #tpu.memory_space<hbm>>) dst(%arg8 : memref<125x32xf32, #tpu.memory_space<vmem>>)
      "tpu.region"() ({
        %run_scoped3A = tpu.sem_alloc : memref<!tpu.dma_semaphore, #tpu.memory_space<semaphore_mem>>
        %dma_start3A_36 = arith.constant 0 : i32
        %dma_start3A_37 = tpu.memref_slice %arg7[%scan3A_25, %dma_start3A_36] : memref<80x125xi32, #tpu.memory_space<vmem>> -> memref<1x125xi32, #tpu.memory_space<vmem>>
        %dma_start3A_38 = tpu.memref_squeeze %dma_start3A_37 : memref<1x125xi32, #tpu.memory_space<vmem>> -> memref<125xi32, #tpu.memory_space<vmem>>
        %dma_start3A_39 = arith.constant 0 : i32
        %dma_start3A_40 = arith.constant 0 : i32
        %dma_start3A_41 = tpu.memref_slice %arg10[%dma_start3A_39, %dma_start3A_40] : memref<10000x32xf32, #tpu.memory_space<vmem_shared>> -> memref<10000x32xf32, #tpu.memory_space<vmem_shared>>
        tpu.enqueue_indirect_dma source(%arg8 : memref<125x32xf32, #tpu.memory_space<vmem>>) target(%dma_start3A_41 : memref<10000x32xf32, #tpu.memory_space<vmem_shared>>) offsets(%dma_start3A_38 : memref<125xi32, #tpu.memory_space<vmem>>) semaphore(%run_scoped3A : memref<!tpu.dma_semaphore, #tpu.memory_space<semaphore_mem>>) {add = true}
        %dma_wait3A_42 = arith.constant 0 : i32
        %dma_wait3A_43 = tpu.memref_slice %arg7[%scan3A_25, %dma_wait3A_42] : memref<80x125xi32, #tpu.memory_space<vmem>> -> memref<1x125xi32, #tpu.memory_space<vmem>>
        %dma_wait3A_44 = tpu.memref_squeeze %dma_wait3A_43 : memref<1x125xi32, #tpu.memory_space<vmem>> -> memref<125xi32, #tpu.memory_space<vmem>>
        %dma_wait3A_45 = arith.constant 0 : i32
        %dma_wait3A_46 = arith.constant 0 : i32
        %dma_wait3A_47 = tpu.memref_slice %arg10[%dma_wait3A_45, %dma_wait3A_46] : memref<10000x32xf32, #tpu.memory_space<vmem_shared>> -> memref<10000x32xf32, #tpu.memory_space<vmem_shared>>
        tpu.wait_indirect_dma semaphore(%run_scoped3A : memref<!tpu.dma_semaphore, #tpu.memory_space<semaphore_mem>>) src(%arg8 : memref<125x32xf32, #tpu.memory_space<vmem>>) dst(%dma_wait3A_47 : memref<10000x32xf32, #tpu.memory_space<vmem_shared>>)
        tpu.yield
      }) : () -> ()
    }
    %scan3A_23 = arith.constant 80 : i32
    %barrier3A_24 = arith.constant 0 : index
    tpu.barrier barrier_id(%barrier3A_24)
    "tpu.region"() ({
      %run_scoped3A = tpu.sem_alloc : memref<!tpu.dma_semaphore, #tpu.memory_space<semaphore_mem>>
      %dma_start3A = arith.constant 0 : i32
      %dma_start3A_25 = arith.constant 0 : i32
      %dma_start3A_26 = tpu.memref_slice %arg5[%arg0, %arg1, %dma_start3A, %dma_start3A_25] : memref<2x16x625x32xf32, #tpu.memory_space<hbm>> -> memref<1x1x625x32xf32, #tpu.memory_space<hbm>>
      %dma_start3A_27 = tpu.memref_squeeze %dma_start3A_26 : memref<1x1x625x32xf32, #tpu.memory_space<hbm>> -> memref<625x32xf32, #tpu.memory_space<hbm>>
      %dma_start3A_28 = arith.constant 0 : i32
      %dma_start3A_29 = tpu.memref_slice %arg10[%mul3A_2, %dma_start3A_28] : memref<10000x32xf32, #tpu.memory_space<vmem_shared>> -> memref<625x32xf32, #tpu.memory_space<vmem_shared>>
      tpu.enqueue_dma source(%dma_start3A_29 : memref<625x32xf32, #tpu.memory_space<vmem_shared>>) target(%dma_start3A_27 : memref<625x32xf32, #tpu.memory_space<hbm>>) target_semaphore(%run_scoped3A : memref<!tpu.dma_semaphore, #tpu.memory_space<semaphore_mem>>)
      %dma_wait3A = arith.constant 0 : i32
      %dma_wait3A_30 = arith.constant 0 : i32
      %dma_wait3A_31 = tpu.memref_slice %arg5[%arg0, %arg1, %dma_wait3A, %dma_wait3A_30] : memref<2x16x625x32xf32, #tpu.memory_space<hbm>> -> memref<1x1x625x32xf32, #tpu.memory_space<hbm>>
      %dma_wait3A_32 = tpu.memref_squeeze %dma_wait3A_31 : memref<1x1x625x32xf32, #tpu.memory_space<hbm>> -> memref<625x32xf32, #tpu.memory_space<hbm>>
      %dma_wait3A_33 = arith.constant 0 : i32
      %dma_wait3A_34 = tpu.memref_slice %arg10[%mul3A_2, %dma_wait3A_33] : memref<10000x32xf32, #tpu.memory_space<vmem_shared>> -> memref<625x32xf32, #tpu.memory_space<vmem_shared>>
      tpu.wait_dma2 semaphore(%run_scoped3A : memref<!tpu.dma_semaphore, #tpu.memory_space<semaphore_mem>>) src(%dma_wait3A_34 : memref<625x32xf32, #tpu.memory_space<vmem_shared>>) dst(%dma_wait3A_32 : memref<625x32xf32, #tpu.memory_space<hbm>>)
      tpu.yield
    }) : () -> ()
    return
  }
}

#map = affine_map<(d0, d1) -> (0, 0)>
#map1 = affine_map<(d0, d1) -> (0, 0, 0)>
#map2 = affine_map<(d0, d1) -> (0, 0, 0, 0)>
module attributes {stable_mosaic.version = 14 : i64} {
  func.func @_agg_body(%arg0: i32, %arg1: i32, %arg2: memref<10000x32xf32, #tpu.memory_space<hbm>>, %arg3: memref<32x80x125xi32, #tpu.memory_space<hbm>>, %arg4: memref<32x80x125xi32, #tpu.memory_space<hbm>>, %arg5: memref<2x16x625x32xf32, #tpu.memory_space<hbm>>, %arg6: memref<80x125xi32, #tpu.memory_space<vmem>>, %arg7: memref<80x125xi32, #tpu.memory_space<vmem>>, %arg8: memref<125x32xf32, #tpu.memory_space<vmem>>, %arg9: memref<125x32xf32, #tpu.memory_space<vmem>>, %arg10: memref<10000x32xf32, #tpu.memory_space<vmem_shared>>, %arg11: memref<!tpu.dma_semaphore, #tpu.memory_space<semaphore_mem>>) attributes {dimension_semantics = [#tpu.dimension_semantics<core_parallel>, #tpu.dimension_semantics<subcore_parallel>], iteration_bounds = array<i64: 2, 16>, scalar_prefetch = 0 : i64, scratch_operands = 6 : i64, tpu.core_type = #tpu.core_type<sc_vector_subcore>, window_params = [{transform_indices = #map}, {transform_indices = #map1}, {transform_indices = #map1}, {transform_indices = #map2}]} {
    %mul3A = arith.constant 16 : i32
    %mul3A_0 = arith.muli %arg0, %mul3A : i32
    %add3A = arith.addi %mul3A_0, %arg1 : i32
    %mul3A_1 = arith.constant 625 : i32
    %mul3A_2 = arith.muli %arg1, %mul3A_1 : i32
    %scan3A = arith.constant 0 : i32
    %scan3A_3 = arith.constant 0 : i32
    %scan3A_4 = arith.constant 125 : i32
    %scan3A_5 = arith.addi %scan3A_3, %scan3A_4 : i32
    %scan3A_6 = arith.constant 1 : i32
    scf.for %scan3A_25 = %scan3A_3 to %scan3A_5 step %scan3A_6  : i32 {
      %broadcast_in_dim3A = arith.constant 0.000000e+00 : f32
      %broadcast_in_dim3A_26 = vector.broadcast %broadcast_in_dim3A : f32 to vector<16xf32>
      %swap3A = arith.index_cast %scan3A_25 : i32 to index
      %swap3A_27 = arith.constant 0 : index
      %swap3A_28 = tpu.vector_load %arg9[%swap3A, %swap3A_27] {strides = array<i32>} : memref<125x32xf32, #tpu.memory_space<vmem>>, vector<1x16xf32>,
      %swap3A_29 = vector.shape_cast %swap3A_28 : vector<1x16xf32> to vector<16xf32>
      %swap3A_30 = vector.shape_cast %broadcast_in_dim3A_26 : vector<16xf32> to vector<1x16xf32>
      tpu.vector_store %arg9[%swap3A, %swap3A_27], %swap3A_30 {strides = array<i32>} : memref<125x32xf32, #tpu.memory_space<vmem>>, vector<1x16xf32>,
      %broadcast_in_dim3A_31 = arith.constant 0.000000e+00 : f32
      %broadcast_in_dim3A_32 = vector.broadcast %broadcast_in_dim3A_31 : f32 to vector<16xf32>
      %swap3A_33 = arith.index_cast %scan3A_25 : i32 to index
      %swap3A_34 = arith.constant 16 : index
      %swap3A_35 = tpu.vector_load %arg9[%swap3A_33, %swap3A_34] {strides = array<i32>} : memref<125x32xf32, #tpu.memory_space<vmem>>, vector<1x16xf32>,
      %swap3A_36 = vector.shape_cast %swap3A_35 : vector<1x16xf32> to vector<16xf32>
      %swap3A_37 = vector.shape_cast %broadcast_in_dim3A_32 : vector<16xf32> to vector<1x16xf32>
      tpu.vector_store %arg9[%swap3A_33, %swap3A_34], %swap3A_37 {strides = array<i32>} : memref<125x32xf32, #tpu.memory_space<vmem>>, vector<1x16xf32>,
    }
    %scan3A_7 = arith.constant 125 : i32
    %add3A_8 = arith.constant 0 : i32
    %add3A_9 = arith.addi %mul3A_2, %add3A_8 : i32
    "tpu.region"() ({
      %run_scoped3A = tpu.sem_alloc : memref<!tpu.dma_semaphore, #tpu.memory_space<semaphore_mem>>
      %dma_start3A = arith.constant 0 : i32
      %dma_start3A_25 = tpu.memref_slice %arg10[%add3A_9, %dma_start3A] : memref<10000x32xf32, #tpu.memory_space<vmem_shared>> -> memref<125x32xf32, #tpu.memory_space<vmem_shared>>
      %dma_start3A_26 = arith.constant 0 : i32
      %dma_start3A_27 = tpu.memref_slice %arg10[%add3A_9, %dma_start3A_26] : memref<10000x32xf32, #tpu.memory_space<vmem_shared>> -> memref<125x32xf32, #tpu.memory_space<vmem_shared>>
      tpu.enqueue_dma source(%arg9 : memref<125x32xf32, #tpu.memory_space<vmem>>) target(%dma_start3A_27 : memref<125x32xf32, #tpu.memory_space<vmem_shared>>) target_semaphore(%run_scoped3A : memref<!tpu.dma_semaphore, #tpu.memory_space<semaphore_mem>>)
      %dma_wait3A = arith.constant 0 : i32
      %dma_wait3A_28 = tpu.memref_slice %arg10[%add3A_9, %dma_wait3A] : memref<10000x32xf32, #tpu.memory_space<vmem_shared>> -> memref<125x32xf32, #tpu.memory_space<vmem_shared>>
      %dma_wait3A_29 = arith.constant 0 : i32
      %dma_wait3A_30 = tpu.memref_slice %arg10[%add3A_9, %dma_wait3A_29] : memref<10000x32xf32, #tpu.memory_space<vmem_shared>> -> memref<125x32xf32, #tpu.memory_space<vmem_shared>>
      tpu.wait_dma2 semaphore(%run_scoped3A : memref<!tpu.dma_semaphore, #tpu.memory_space<semaphore_mem>>) src(%arg9 : memref<125x32xf32, #tpu.memory_space<vmem>>) dst(%dma_wait3A_30 : memref<125x32xf32, #tpu.memory_space<vmem_shared>>)
      tpu.yield
    }) : () -> ()
    %add3A_10 = arith.constant 125 : i32
    %add3A_11 = arith.addi %mul3A_2, %add3A_10 : i32
    "tpu.region"() ({
      %run_scoped3A = tpu.sem_alloc : memref<!tpu.dma_semaphore, #tpu.memory_space<semaphore_mem>>
      %dma_start3A = arith.constant 0 : i32
      %dma_start3A_25 = tpu.memref_slice %arg10[%add3A_11, %dma_start3A] : memref<10000x32xf32, #tpu.memory_space<vmem_shared>> -> memref<125x32xf32, #tpu.memory_space<vmem_shared>>
      %dma_start3A_26 = arith.constant 0 : i32
      %dma_start3A_27 = tpu.memref_slice %arg10[%add3A_11, %dma_start3A_26] : memref<10000x32xf32, #tpu.memory_space<vmem_shared>> -> memref<125x32xf32, #tpu.memory_space<vmem_shared>>
      tpu.enqueue_dma source(%arg9 : memref<125x32xf32, #tpu.memory_space<vmem>>) target(%dma_start3A_27 : memref<125x32xf32, #tpu.memory_space<vmem_shared>>) target_semaphore(%run_scoped3A : memref<!tpu.dma_semaphore, #tpu.memory_space<semaphore_mem>>)
      %dma_wait3A = arith.constant 0 : i32
      %dma_wait3A_28 = tpu.memref_slice %arg10[%add3A_11, %dma_wait3A] : memref<10000x32xf32, #tpu.memory_space<vmem_shared>> -> memref<125x32xf32, #tpu.memory_space<vmem_shared>>
      %dma_wait3A_29 = arith.constant 0 : i32
      %dma_wait3A_30 = tpu.memref_slice %arg10[%add3A_11, %dma_wait3A_29] : memref<10000x32xf32, #tpu.memory_space<vmem_shared>> -> memref<125x32xf32, #tpu.memory_space<vmem_shared>>
      tpu.wait_dma2 semaphore(%run_scoped3A : memref<!tpu.dma_semaphore, #tpu.memory_space<semaphore_mem>>) src(%arg9 : memref<125x32xf32, #tpu.memory_space<vmem>>) dst(%dma_wait3A_30 : memref<125x32xf32, #tpu.memory_space<vmem_shared>>)
      tpu.yield
    }) : () -> ()
    %add3A_12 = arith.constant 250 : i32
    %add3A_13 = arith.addi %mul3A_2, %add3A_12 : i32
    "tpu.region"() ({
      %run_scoped3A = tpu.sem_alloc : memref<!tpu.dma_semaphore, #tpu.memory_space<semaphore_mem>>
      %dma_start3A = arith.constant 0 : i32
      %dma_start3A_25 = tpu.memref_slice %arg10[%add3A_13, %dma_start3A] : memref<10000x32xf32, #tpu.memory_space<vmem_shared>> -> memref<125x32xf32, #tpu.memory_space<vmem_shared>>
      %dma_start3A_26 = arith.constant 0 : i32
      %dma_start3A_27 = tpu.memref_slice %arg10[%add3A_13, %dma_start3A_26] : memref<10000x32xf32, #tpu.memory_space<vmem_shared>> -> memref<125x32xf32, #tpu.memory_space<vmem_shared>>
      tpu.enqueue_dma source(%arg9 : memref<125x32xf32, #tpu.memory_space<vmem>>) target(%dma_start3A_27 : memref<125x32xf32, #tpu.memory_space<vmem_shared>>) target_semaphore(%run_scoped3A : memref<!tpu.dma_semaphore, #tpu.memory_space<semaphore_mem>>)
      %dma_wait3A = arith.constant 0 : i32
      %dma_wait3A_28 = tpu.memref_slice %arg10[%add3A_13, %dma_wait3A] : memref<10000x32xf32, #tpu.memory_space<vmem_shared>> -> memref<125x32xf32, #tpu.memory_space<vmem_shared>>
      %dma_wait3A_29 = arith.constant 0 : i32
      %dma_wait3A_30 = tpu.memref_slice %arg10[%add3A_13, %dma_wait3A_29] : memref<10000x32xf32, #tpu.memory_space<vmem_shared>> -> memref<125x32xf32, #tpu.memory_space<vmem_shared>>
      tpu.wait_dma2 semaphore(%run_scoped3A : memref<!tpu.dma_semaphore, #tpu.memory_space<semaphore_mem>>) src(%arg9 : memref<125x32xf32, #tpu.memory_space<vmem>>) dst(%dma_wait3A_30 : memref<125x32xf32, #tpu.memory_space<vmem_shared>>)
      tpu.yield
    }) : () -> ()
    %add3A_14 = arith.constant 375 : i32
    %add3A_15 = arith.addi %mul3A_2, %add3A_14 : i32
    "tpu.region"() ({
      %run_scoped3A = tpu.sem_alloc : memref<!tpu.dma_semaphore, #tpu.memory_space<semaphore_mem>>
      %dma_start3A = arith.constant 0 : i32
      %dma_start3A_25 = tpu.memref_slice %arg10[%add3A_15, %dma_start3A] : memref<10000x32xf32, #tpu.memory_space<vmem_shared>> -> memref<125x32xf32, #tpu.memory_space<vmem_shared>>
      %dma_start3A_26 = arith.constant 0 : i32
      %dma_start3A_27 = tpu.memref_slice %arg10[%add3A_15, %dma_start3A_26] : memref<10000x32xf32, #tpu.memory_space<vmem_shared>> -> memref<125x32xf32, #tpu.memory_space<vmem_shared>>
      tpu.enqueue_dma source(%arg9 : memref<125x32xf32, #tpu.memory_space<vmem>>) target(%dma_start3A_27 : memref<125x32xf32, #tpu.memory_space<vmem_shared>>) target_semaphore(%run_scoped3A : memref<!tpu.dma_semaphore, #tpu.memory_space<semaphore_mem>>)
      %dma_wait3A = arith.constant 0 : i32
      %dma_wait3A_28 = tpu.memref_slice %arg10[%add3A_15, %dma_wait3A] : memref<10000x32xf32, #tpu.memory_space<vmem_shared>> -> memref<125x32xf32, #tpu.memory_space<vmem_shared>>
      %dma_wait3A_29 = arith.constant 0 : i32
      %dma_wait3A_30 = tpu.memref_slice %arg10[%add3A_15, %dma_wait3A_29] : memref<10000x32xf32, #tpu.memory_space<vmem_shared>> -> memref<125x32xf32, #tpu.memory_space<vmem_shared>>
      tpu.wait_dma2 semaphore(%run_scoped3A : memref<!tpu.dma_semaphore, #tpu.memory_space<semaphore_mem>>) src(%arg9 : memref<125x32xf32, #tpu.memory_space<vmem>>) dst(%dma_wait3A_30 : memref<125x32xf32, #tpu.memory_space<vmem_shared>>)
      tpu.yield
    }) : () -> ()
    %add3A_16 = arith.constant 500 : i32
    %add3A_17 = arith.addi %mul3A_2, %add3A_16 : i32
    "tpu.region"() ({
      %run_scoped3A = tpu.sem_alloc : memref<!tpu.dma_semaphore, #tpu.memory_space<semaphore_mem>>
      %dma_start3A = arith.constant 0 : i32
      %dma_start3A_25 = tpu.memref_slice %arg10[%add3A_17, %dma_start3A] : memref<10000x32xf32, #tpu.memory_space<vmem_shared>> -> memref<125x32xf32, #tpu.memory_space<vmem_shared>>
      %dma_start3A_26 = arith.constant 0 : i32
      %dma_start3A_27 = tpu.memref_slice %arg10[%add3A_17, %dma_start3A_26] : memref<10000x32xf32, #tpu.memory_space<vmem_shared>> -> memref<125x32xf32, #tpu.memory_space<vmem_shared>>
      tpu.enqueue_dma source(%arg9 : memref<125x32xf32, #tpu.memory_space<vmem>>) target(%dma_start3A_27 : memref<125x32xf32, #tpu.memory_space<vmem_shared>>) target_semaphore(%run_scoped3A : memref<!tpu.dma_semaphore, #tpu.memory_space<semaphore_mem>>)
      %dma_wait3A = arith.constant 0 : i32
      %dma_wait3A_28 = tpu.memref_slice %arg10[%add3A_17, %dma_wait3A] : memref<10000x32xf32, #tpu.memory_space<vmem_shared>> -> memref<125x32xf32, #tpu.memory_space<vmem_shared>>
      %dma_wait3A_29 = arith.constant 0 : i32
      %dma_wait3A_30 = tpu.memref_slice %arg10[%add3A_17, %dma_wait3A_29] : memref<10000x32xf32, #tpu.memory_space<vmem_shared>> -> memref<125x32xf32, #tpu.memory_space<vmem_shared>>
      tpu.wait_dma2 semaphore(%run_scoped3A : memref<!tpu.dma_semaphore, #tpu.memory_space<semaphore_mem>>) src(%arg9 : memref<125x32xf32, #tpu.memory_space<vmem>>) dst(%dma_wait3A_30 : memref<125x32xf32, #tpu.memory_space<vmem_shared>>)
      tpu.yield
    }) : () -> ()
    "tpu.region"() ({
      %run_scoped3A = tpu.sem_alloc : memref<!tpu.dma_semaphore, #tpu.memory_space<semaphore_mem>>
      %dma_start3A = arith.constant 0 : i32
      %dma_start3A_25 = arith.constant 0 : i32
      %dma_start3A_26 = tpu.memref_slice %arg3[%add3A, %dma_start3A, %dma_start3A_25] : memref<32x80x125xi32, #tpu.memory_space<hbm>> -> memref<1x80x125xi32, #tpu.memory_space<hbm>>
      %dma_start3A_27 = tpu.memref_squeeze %dma_start3A_26 : memref<1x80x125xi32, #tpu.memory_space<hbm>> -> memref<80x125xi32, #tpu.memory_space<hbm>>
      %dma_start3A_28 = arith.constant 0 : i32
      %dma_start3A_29 = arith.constant 0 : i32
      %dma_start3A_30 = tpu.memref_slice %arg3[%add3A, %dma_start3A_28, %dma_start3A_29] : memref<32x80x125xi32, #tpu.memory_space<hbm>> -> memref<1x80x125xi32, #tpu.memory_space<hbm>>
      %dma_start3A_31 = tpu.memref_squeeze %dma_start3A_30 : memref<1x80x125xi32, #tpu.memory_space<hbm>> -> memref<80x125xi32, #tpu.memory_space<hbm>>
      tpu.enqueue_dma source(%dma_start3A_31 : memref<80x125xi32, #tpu.memory_space<hbm>>) target(%arg6 : memref<80x125xi32, #tpu.memory_space<vmem>>) target_semaphore(%run_scoped3A : memref<!tpu.dma_semaphore, #tpu.memory_space<semaphore_mem>>)
      %dma_wait3A = arith.constant 0 : i32
      %dma_wait3A_32 = arith.constant 0 : i32
      %dma_wait3A_33 = tpu.memref_slice %arg3[%add3A, %dma_wait3A, %dma_wait3A_32] : memref<32x80x125xi32, #tpu.memory_space<hbm>> -> memref<1x80x125xi32, #tpu.memory_space<hbm>>
      %dma_wait3A_34 = tpu.memref_squeeze %dma_wait3A_33 : memref<1x80x125xi32, #tpu.memory_space<hbm>> -> memref<80x125xi32, #tpu.memory_space<hbm>>
      %dma_wait3A_35 = arith.constant 0 : i32
      %dma_wait3A_36 = arith.constant 0 : i32
      %dma_wait3A_37 = tpu.memref_slice %arg3[%add3A, %dma_wait3A_35, %dma_wait3A_36] : memref<32x80x125xi32, #tpu.memory_space<hbm>> -> memref<1x80x125xi32, #tpu.memory_space<hbm>>
      %dma_wait3A_38 = tpu.memref_squeeze %dma_wait3A_37 : memref<1x80x125xi32, #tpu.memory_space<hbm>> -> memref<80x125xi32, #tpu.memory_space<hbm>>
      tpu.wait_dma2 semaphore(%run_scoped3A : memref<!tpu.dma_semaphore, #tpu.memory_space<semaphore_mem>>) src(%dma_wait3A_38 : memref<80x125xi32, #tpu.memory_space<hbm>>) dst(%arg6 : memref<80x125xi32, #tpu.memory_space<vmem>>)
      tpu.yield
    }) : () -> ()
    "tpu.region"() ({
      %run_scoped3A = tpu.sem_alloc : memref<!tpu.dma_semaphore, #tpu.memory_space<semaphore_mem>>
      %dma_start3A = arith.constant 0 : i32
      %dma_start3A_25 = arith.constant 0 : i32
      %dma_start3A_26 = tpu.memref_slice %arg4[%add3A, %dma_start3A, %dma_start3A_25] : memref<32x80x125xi32, #tpu.memory_space<hbm>> -> memref<1x80x125xi32, #tpu.memory_space<hbm>>
      %dma_start3A_27 = tpu.memref_squeeze %dma_start3A_26 : memref<1x80x125xi32, #tpu.memory_space<hbm>> -> memref<80x125xi32, #tpu.memory_space<hbm>>
      %dma_start3A_28 = arith.constant 0 : i32
      %dma_start3A_29 = arith.constant 0 : i32
      %dma_start3A_30 = tpu.memref_slice %arg4[%add3A, %dma_start3A_28, %dma_start3A_29] : memref<32x80x125xi32, #tpu.memory_space<hbm>> -> memref<1x80x125xi32, #tpu.memory_space<hbm>>
      %dma_start3A_31 = tpu.memref_squeeze %dma_start3A_30 : memref<1x80x125xi32, #tpu.memory_space<hbm>> -> memref<80x125xi32, #tpu.memory_space<hbm>>
      tpu.enqueue_dma source(%dma_start3A_31 : memref<80x125xi32, #tpu.memory_space<hbm>>) target(%arg7 : memref<80x125xi32, #tpu.memory_space<vmem>>) target_semaphore(%run_scoped3A : memref<!tpu.dma_semaphore, #tpu.memory_space<semaphore_mem>>)
      %dma_wait3A = arith.constant 0 : i32
      %dma_wait3A_32 = arith.constant 0 : i32
      %dma_wait3A_33 = tpu.memref_slice %arg4[%add3A, %dma_wait3A, %dma_wait3A_32] : memref<32x80x125xi32, #tpu.memory_space<hbm>> -> memref<1x80x125xi32, #tpu.memory_space<hbm>>
      %dma_wait3A_34 = tpu.memref_squeeze %dma_wait3A_33 : memref<1x80x125xi32, #tpu.memory_space<hbm>> -> memref<80x125xi32, #tpu.memory_space<hbm>>
      %dma_wait3A_35 = arith.constant 0 : i32
      %dma_wait3A_36 = arith.constant 0 : i32
      %dma_wait3A_37 = tpu.memref_slice %arg4[%add3A, %dma_wait3A_35, %dma_wait3A_36] : memref<32x80x125xi32, #tpu.memory_space<hbm>> -> memref<1x80x125xi32, #tpu.memory_space<hbm>>
      %dma_wait3A_38 = tpu.memref_squeeze %dma_wait3A_37 : memref<1x80x125xi32, #tpu.memory_space<hbm>> -> memref<80x125xi32, #tpu.memory_space<hbm>>
      tpu.wait_dma2 semaphore(%run_scoped3A : memref<!tpu.dma_semaphore, #tpu.memory_space<semaphore_mem>>) src(%dma_wait3A_38 : memref<80x125xi32, #tpu.memory_space<hbm>>) dst(%arg7 : memref<80x125xi32, #tpu.memory_space<vmem>>)
      tpu.yield
    }) : () -> ()
    %barrier3A = arith.constant 0 : index
    tpu.barrier barrier_id(%barrier3A)
    %scan3A_18 = arith.constant 0 : i32
    %scan3A_19 = arith.constant 0 : i32
    %scan3A_20 = arith.constant 80 : i32
    %scan3A_21 = arith.addi %scan3A_19, %scan3A_20 : i32
    %scan3A_22 = arith.constant 1 : i32
    scf.for %scan3A_25 = %scan3A_19 to %scan3A_21 step %scan3A_22  : i32 {
      %dma_start3A = arith.constant 0 : i32
      %dma_start3A_26 = tpu.memref_slice %arg6[%scan3A_25, %dma_start3A] : memref<80x125xi32, #tpu.memory_space<vmem>> -> memref<1x125xi32, #tpu.memory_space<vmem>>
      %dma_start3A_27 = tpu.memref_squeeze %dma_start3A_26 : memref<1x125xi32, #tpu.memory_space<vmem>> -> memref<125xi32, #tpu.memory_space<vmem>>
      %dma_start3A_28 = arith.constant 0 : i32
      %dma_start3A_29 = arith.constant 0 : i32
      %dma_start3A_30 = tpu.memref_slice %arg2[%dma_start3A_28, %dma_start3A_29] : memref<10000x32xf32, #tpu.memory_space<hbm>> -> memref<10000x32xf32, #tpu.memory_space<hbm>>
      tpu.enqueue_indirect_dma source(%dma_start3A_30 : memref<10000x32xf32, #tpu.memory_space<hbm>>) target(%arg8 : memref<125x32xf32, #tpu.memory_space<vmem>>) offsets(%dma_start3A_27 : memref<125xi32, #tpu.memory_space<vmem>>) semaphore(%arg11 : memref<!tpu.dma_semaphore, #tpu.memory_space<semaphore_mem>>)
      %dma_wait3A = arith.constant 0 : i32
      %dma_wait3A_31 = tpu.memref_slice %arg6[%scan3A_25, %dma_wait3A] : memref<80x125xi32, #tpu.memory_space<vmem>> -> memref<1x125xi32, #tpu.memory_space<vmem>>
      %dma_wait3A_32 = tpu.memref_squeeze %dma_wait3A_31 : memref<1x125xi32, #tpu.memory_space<vmem>> -> memref<125xi32, #tpu.memory_space<vmem>>
      %dma_wait3A_33 = arith.constant 0 : i32
      %dma_wait3A_34 = arith.constant 0 : i32
      %dma_wait3A_35 = tpu.memref_slice %arg2[%dma_wait3A_33, %dma_wait3A_34] : memref<10000x32xf32, #tpu.memory_space<hbm>> -> memref<10000x32xf32, #tpu.memory_space<hbm>>
      tpu.wait_indirect_dma semaphore(%arg11 : memref<!tpu.dma_semaphore, #tpu.memory_space<semaphore_mem>>) src(%dma_wait3A_35 : memref<10000x32xf32, #tpu.memory_space<hbm>>) dst(%arg8 : memref<125x32xf32, #tpu.memory_space<vmem>>)
      "tpu.region"() ({
        %run_scoped3A = tpu.sem_alloc : memref<!tpu.dma_semaphore, #tpu.memory_space<semaphore_mem>>
        %dma_start3A_36 = arith.constant 0 : i32
        %dma_start3A_37 = tpu.memref_slice %arg7[%scan3A_25, %dma_start3A_36] : memref<80x125xi32, #tpu.memory_space<vmem>> -> memref<1x125xi32, #tpu.memory_space<vmem>>
        %dma_start3A_38 = tpu.memref_squeeze %dma_start3A_37 : memref<1x125xi32, #tpu.memory_space<vmem>> -> memref<125xi32, #tpu.memory_space<vmem>>
        %dma_start3A_39 = arith.constant 0 : i32
        %dma_start3A_40 = arith.constant 0 : i32
        %dma_start3A_41 = tpu.memref_slice %arg10[%dma_start3A_39, %dma_start3A_40] : memref<10000x32xf32, #tpu.memory_space<vmem_shared>> -> memref<10000x32xf32, #tpu.memory_space<vmem_shared>>
        tpu.enqueue_indirect_dma source(%arg8 : memref<125x32xf32, #tpu.memory_space<vmem>>) target(%dma_start3A_41 : memref<10000x32xf32, #tpu.memory_space<vmem_shared>>) offsets(%dma_start3A_38 : memref<125xi32, #tpu.memory_space<vmem>>) semaphore(%run_scoped3A : memref<!tpu.dma_semaphore, #tpu.memory_space<semaphore_mem>>) {add = true}
        %dma_wait3A_42 = arith.constant 0 : i32
        %dma_wait3A_43 = tpu.memref_slice %arg7[%scan3A_25, %dma_wait3A_42] : memref<80x125xi32, #tpu.memory_space<vmem>> -> memref<1x125xi32, #tpu.memory_space<vmem>>
        %dma_wait3A_44 = tpu.memref_squeeze %dma_wait3A_43 : memref<1x125xi32, #tpu.memory_space<vmem>> -> memref<125xi32, #tpu.memory_space<vmem>>
        %dma_wait3A_45 = arith.constant 0 : i32
        %dma_wait3A_46 = arith.constant 0 : i32
        %dma_wait3A_47 = tpu.memref_slice %arg10[%dma_wait3A_45, %dma_wait3A_46] : memref<10000x32xf32, #tpu.memory_space<vmem_shared>> -> memref<10000x32xf32, #tpu.memory_space<vmem_shared>>
        tpu.wait_indirect_dma semaphore(%run_scoped3A : memref<!tpu.dma_semaphore, #tpu.memory_space<semaphore_mem>>) src(%arg8 : memref<125x32xf32, #tpu.memory_space<vmem>>) dst(%dma_wait3A_47 : memref<10000x32xf32, #tpu.memory_space<vmem_shared>>)
        tpu.yield
      }) : () -> ()
    }
    %scan3A_23 = arith.constant 80 : i32
    %barrier3A_24 = arith.constant 0 : index
    tpu.barrier barrier_id(%barrier3A_24)
    "tpu.region"() ({
      %run_scoped3A = tpu.sem_alloc : memref<!tpu.dma_semaphore, #tpu.memory_space<semaphore_mem>>
      %dma_start3A = arith.constant 0 : i32
      %dma_start3A_25 = arith.constant 0 : i32
      %dma_start3A_26 = tpu.memref_slice %arg5[%arg0, %arg1, %dma_start3A, %dma_start3A_25] : memref<2x16x625x32xf32, #tpu.memory_space<hbm>> -> memref<1x1x625x32xf32, #tpu.memory_space<hbm>>
      %dma_start3A_27 = tpu.memref_squeeze %dma_start3A_26 : memref<1x1x625x32xf32, #tpu.memory_space<hbm>> -> memref<625x32xf32, #tpu.memory_space<hbm>>
      %dma_start3A_28 = arith.constant 0 : i32
      %dma_start3A_29 = tpu.memref_slice %arg10[%mul3A_2, %dma_start3A_28] : memref<10000x32xf32, #tpu.memory_space<vmem_shared>> -> memref<625x32xf32, #tpu.memory_space<vmem_shared>>
      tpu.enqueue_dma source(%dma_start3A_29 : memref<625x32xf32, #tpu.memory_space<vmem_shared>>) target(%dma_start3A_27 : memref<625x32xf32, #tpu.memory_space<hbm>>) target_semaphore(%run_scoped3A : memref<!tpu.dma_semaphore, #tpu.memory_space<semaphore_mem>>)
      %dma_wait3A = arith.constant 0 : i32
      %dma_wait3A_30 = arith.constant 0 : i32
      %dma_wait3A_31 = tpu.memref_slice %arg5[%arg0, %arg1, %dma_wait3A, %dma_wait3A_30] : memref<2x16x625x32xf32, #tpu.memory_space<hbm>> -> memref<1x1x625x32xf32, #tpu.memory_space<hbm>>
      %dma_wait3A_32 = tpu.memref_squeeze %dma_wait3A_31 : memref<1x1x625x32xf32, #tpu.memory_space<hbm>> -> memref<625x32xf32, #tpu.memory_space<hbm>>
      %dma_wait3A_33 = arith.constant 0 : i32
      %dma_wait3A_34 = tpu.memref_slice %arg10[%mul3A_2, %dma_wait3A_33] : memref<10000x32xf32, #tpu.memory_space<vmem_shared>> -> memref<625x32xf32, #tpu.memory_space<vmem_shared>>
      tpu.wait_dma2 semaphore(%run_scoped3A : memref<!tpu.dma_semaphore, #tpu.memory_space<semaphore_mem>>) src(%dma_wait3A_34 : memref<625x32xf32, #tpu.memory_space<vmem_shared>>) dst(%dma_wait3A_32 : memref<625x32xf32, #tpu.memory_space<hbm>>)
      tpu.yield
    }) : () -> ()
    return
  }
}

module attributes {stable_mosaic.version = 14 : i64} {
  func.func @_t1_body(%arg0: i32, %arg1: memref<2x1000x16xf32, #tpu.memory_space<vmem>>, %arg2: memref<1000x128xf32, #tpu.memory_space<vmem>>, %arg3: memref<128x16xf32, #tpu.memory_space<vmem>>, %arg4: memref<1000x1xf32, #tpu.memory_space<vmem>>, %arg5: memref<1000x16xf32, #tpu.memory_space<vmem>>) attributes {dimension_semantics = [#tpu.dimension_semantics<arbitrary>], iteration_bounds = array<i64: 10>, scalar_prefetch = 0 : i64, scratch_operands = 0 : i64, tpu.core_type = #tpu.core_type<tc>, window_params = [{transform_indices = @transform_0, window_bounds = array<i64: 2, 1000, 16>}, {transform_indices = @transform_1, window_bounds = array<i64: 1000, 128>}, {pipeline_mode = #tpu.pipeline_mode<synchronous>, transform_indices = @transform_2, window_bounds = array<i64: 128, 16>}, {transform_indices = @transform_3, window_bounds = array<i64: 1000, 1>}, {transform_indices = @transform_4, window_bounds = array<i64: 1000, 16>}]} {
    %get3A = arith.constant 0 : index
    %get3A_0 = arith.constant 0 : index
    %get3A_1 = arith.constant 0 : index
    %get3A_2 = vector.load %arg1[%get3A, %get3A_0, %get3A_1] : memref<2x1000x16xf32, #tpu.memory_space<vmem>>, vector<1x1000x1xf32>
    %get3A_3 = vector.shape_cast %get3A_2 : vector<1x1000x1xf32> to vector<1000x1xf32>
    %get3A_4 = arith.constant 1 : index
    %get3A_5 = arith.constant 0 : index
    %get3A_6 = arith.constant 0 : index
    %get3A_7 = vector.load %arg1[%get3A_4, %get3A_5, %get3A_6] : memref<2x1000x16xf32, #tpu.memory_space<vmem>>, vector<1x1000x1xf32>
    %get3A_8 = vector.shape_cast %get3A_7 : vector<1x1000x1xf32> to vector<1000x1xf32>
    %add3A = arith.addf %get3A_3, %get3A_8 : vector<1000x1xf32>
    %add3A_9 = arith.constant 1.000000e+00 : f32
    %add3A_10 = vector.broadcast %add3A_9 : f32 to vector<1000x1xf32>
    %add3A_11 = arith.addf %add3A, %add3A_10 : vector<1000x1xf32>
    %rsqrt3A = math.rsqrt %add3A_11 : vector<1000x1xf32>
    %swap3A = arith.constant 0 : index
    %swap3A_12 = arith.constant 0 : index
    %swap3A_13 = vector.load %arg4[%swap3A, %swap3A_12] : memref<1000x1xf32, #tpu.memory_space<vmem>>, vector<1000x1xf32>
    tpu.vector_store %arg4[%swap3A, %swap3A_12], %rsqrt3A {strides = array<i32>} : memref<1000x1xf32, #tpu.memory_space<vmem>>, vector<1000x1xf32>,
    %get3A_14 = arith.constant 0 : index
    %get3A_15 = arith.constant 0 : index
    %get3A_16 = vector.load %arg2[%get3A_14, %get3A_15] : memref<1000x128xf32, #tpu.memory_space<vmem>>, vector<1000x128xf32>
    %get3A_17 = arith.constant 0 : index
    %get3A_18 = arith.constant 0 : index
    %get3A_19 = vector.load %arg3[%get3A_17, %get3A_18] : memref<128x16xf32, #tpu.memory_space<vmem>>, vector<128x16xf32>
    %dot_general3A = arith.constant dense<0.000000e+00> : vector<1000x16xf32>
    %dot_general3A_20 = tpu.matmul %get3A_16, %get3A_19, %dot_general3A {dimension_numbers = #tpu.dot_dimension_numbers<[1], [0], [0], [1], [0, 0, 1, 1], [], []>, transpose_lhs_hint = false} : vector<1000x128xf32>, vector<128x16xf32>, vector<1000x16xf32> -> vector<1000x16xf32>
    %mul3A = vector.broadcast %rsqrt3A : vector<1000x1xf32> to vector<1000x16xf32>
    %mul3A_21 = arith.mulf %mul3A, %dot_general3A_20 : vector<1000x16xf32>
    %swap3A_22 = arith.constant 0 : index
    %swap3A_23 = arith.constant 0 : index
    %swap3A_24 = vector.load %arg5[%swap3A_22, %swap3A_23] : memref<1000x16xf32, #tpu.memory_space<vmem>>, vector<1000x16xf32>
    tpu.vector_store %arg5[%swap3A_22, %swap3A_23], %mul3A_21 {strides = array<i32>} : memref<1000x16xf32, #tpu.memory_space<vmem>>, vector<1000x16xf32>,
    return
  }
  func.func @transform_0(%arg0: i32) -> (i32, i32, i32) {
    %c0_i32 = arith.constant 0 : i32
    %c0_i32_0 = arith.constant 0 : i32
    %c0_i32_1 = arith.constant 0 : i32
    return %c0_i32, %arg0, %c0_i32_0 : i32, i32, i32
  }
  func.func @transform_1(%arg0: i32) -> (i32, i32) {
    %c0_i32 = arith.constant 0 : i32
    %c0_i32_0 = arith.constant 0 : i32
    return %arg0, %c0_i32 : i32, i32
  }
  func.func @transform_2(%arg0: i32) -> (i32, i32) {
    %c0_i32 = arith.constant 0 : i32
    %c0_i32_0 = arith.constant 0 : i32
    %c0_i32_1 = arith.constant 0 : i32
    return %c0_i32, %c0_i32_0 : i32, i32
  }
  func.func @transform_3(%arg0: i32) -> (i32, i32) {
    %c0_i32 = arith.constant 0 : i32
    %c0_i32_0 = arith.constant 0 : i32
    return %arg0, %c0_i32 : i32, i32
  }
  func.func @transform_4(%arg0: i32) -> (i32, i32) {
    %c0_i32 = arith.constant 0 : i32
    %c0_i32_0 = arith.constant 0 : i32
    return %arg0, %c0_i32 : i32, i32
  }
}

module attributes {stable_mosaic.version = 14 : i64} {
  func.func @_t2_body(%arg0: i32, %arg1: memref<2x1000x16xf32, #tpu.memory_space<vmem>>, %arg2: memref<1000x16xf32, #tpu.memory_space<vmem>>, %arg3: memref<1000x1xf32, #tpu.memory_space<vmem>>, %arg4: memref<1x16xf32, #tpu.memory_space<vmem>>, %arg5: memref<1000x16xf32, #tpu.memory_space<vmem>>) attributes {dimension_semantics = [#tpu.dimension_semantics<arbitrary>], iteration_bounds = array<i64: 10>, scalar_prefetch = 0 : i64, scratch_operands = 0 : i64, tpu.core_type = #tpu.core_type<tc>, window_params = [{transform_indices = @transform_0, window_bounds = array<i64: 2, 1000, 16>}, {transform_indices = @transform_1, window_bounds = array<i64: 1000, 16>}, {transform_indices = @transform_2, window_bounds = array<i64: 1000, 1>}, {pipeline_mode = #tpu.pipeline_mode<synchronous>, transform_indices = @transform_3, window_bounds = array<i64: 1, 16>}, {transform_indices = @transform_4, window_bounds = array<i64: 1000, 16>}]} {
    %get3A = arith.constant 0 : index
    %get3A_0 = arith.constant 0 : index
    %get3A_1 = vector.load %arg3[%get3A, %get3A_0] : memref<1000x1xf32, #tpu.memory_space<vmem>>, vector<1000x1xf32>
    %get3A_2 = arith.constant 0 : index
    %get3A_3 = arith.constant 0 : index
    %get3A_4 = arith.constant 0 : index
    %get3A_5 = vector.load %arg1[%get3A_2, %get3A_3, %get3A_4] : memref<2x1000x16xf32, #tpu.memory_space<vmem>>, vector<1x1000x16xf32>
    %get3A_6 = vector.shape_cast %get3A_5 : vector<1x1000x16xf32> to vector<1000x16xf32>
    %get3A_7 = arith.constant 1 : index
    %get3A_8 = arith.constant 0 : index
    %get3A_9 = arith.constant 0 : index
    %get3A_10 = vector.load %arg1[%get3A_7, %get3A_8, %get3A_9] : memref<2x1000x16xf32, #tpu.memory_space<vmem>>, vector<1x1000x16xf32>
    %get3A_11 = vector.shape_cast %get3A_10 : vector<1x1000x16xf32> to vector<1000x16xf32>
    %add3A = arith.addf %get3A_6, %get3A_11 : vector<1000x16xf32>
    %get3A_12 = arith.constant 0 : index
    %get3A_13 = arith.constant 0 : index
    %get3A_14 = vector.load %arg2[%get3A_12, %get3A_13] : memref<1000x16xf32, #tpu.memory_space<vmem>>, vector<1000x16xf32>
    %add3A_15 = arith.addf %add3A, %get3A_14 : vector<1000x16xf32>
    %mul3A = vector.broadcast %get3A_1 : vector<1000x1xf32> to vector<1000x16xf32>
    %mul3A_16 = arith.mulf %mul3A, %add3A_15 : vector<1000x16xf32>
    %get3A_17 = arith.constant 0 : index
    %get3A_18 = arith.constant 0 : index
    %get3A_19 = vector.load %arg4[%get3A_17, %get3A_18] : memref<1x16xf32, #tpu.memory_space<vmem>>, vector<1x16xf32>
    %add3A_20 = vector.broadcast %get3A_19 : vector<1x16xf32> to vector<1000x16xf32>
    %add3A_21 = arith.addf %mul3A_16, %add3A_20 : vector<1000x16xf32>
    %gt3A = arith.constant 0.000000e+00 : f32
    %gt3A_22 = vector.broadcast %gt3A : f32 to vector<1000x16xf32>
    %gt3A_23 = arith.cmpf ogt, %add3A_21, %gt3A_22 : vector<1000x16xf32>
    %exp3A = math.exp %add3A_21 : vector<1000x16xf32>
    %sub3A = arith.constant 1.000000e+00 : f32
    %sub3A_24 = vector.broadcast %sub3A : f32 to vector<1000x16xf32>
    %sub3A_25 = arith.subf %exp3A, %sub3A_24 : vector<1000x16xf32>
    %mul3A_26 = arith.constant 1.67326319 : f32
    %mul3A_27 = vector.broadcast %mul3A_26 : f32 to vector<1000x16xf32>
    %mul3A_28 = arith.mulf %mul3A_27, %sub3A_25 : vector<1000x16xf32>
    %select_n3A = arith.select %gt3A_23, %add3A_21, %mul3A_28 : vector<1000x16xi1>, vector<1000x16xf32>
    %mul3A_29 = arith.constant 1.05070102 : f32
    %mul3A_30 = vector.broadcast %mul3A_29 : f32 to vector<1000x16xf32>
    %mul3A_31 = arith.mulf %mul3A_30, %select_n3A : vector<1000x16xf32>
    %mul3A_32 = vector.broadcast %get3A_1 : vector<1000x1xf32> to vector<1000x16xf32>
    %mul3A_33 = arith.mulf %mul3A_32, %mul3A_31 : vector<1000x16xf32>
    %swap3A = arith.constant 0 : index
    %swap3A_34 = arith.constant 0 : index
    %swap3A_35 = vector.load %arg5[%swap3A, %swap3A_34] : memref<1000x16xf32, #tpu.memory_space<vmem>>, vector<1000x16xf32>
    tpu.vector_store %arg5[%swap3A, %swap3A_34], %mul3A_33 {strides = array<i32>} : memref<1000x16xf32, #tpu.memory_space<vmem>>, vector<1000x16xf32>,
    return
  }
  func.func @transform_0(%arg0: i32) -> (i32, i32, i32) {
    %c0_i32 = arith.constant 0 : i32
    %c0_i32_0 = arith.constant 0 : i32
    %c0_i32_1 = arith.constant 0 : i32
    return %c0_i32, %arg0, %c0_i32_0 : i32, i32, i32
  }
  func.func @transform_1(%arg0: i32) -> (i32, i32) {
    %c0_i32 = arith.constant 0 : i32
    %c0_i32_0 = arith.constant 0 : i32
    return %arg0, %c0_i32 : i32, i32
  }
  func.func @transform_2(%arg0: i32) -> (i32, i32) {
    %c0_i32 = arith.constant 0 : i32
    %c0_i32_0 = arith.constant 0 : i32
    return %arg0, %c0_i32 : i32, i32
  }
  func.func @transform_3(%arg0: i32) -> (i32, i32) {
    %c0_i32 = arith.constant 0 : i32
    %c0_i32_0 = arith.constant 0 : i32
    %c0_i32_1 = arith.constant 0 : i32
    return %c0_i32, %c0_i32_0 : i32, i32
  }
  func.func @transform_4(%arg0: i32) -> (i32, i32) {
    %c0_i32 = arith.constant 0 : i32
    %c0_i32_0 = arith.constant 0 : i32
    return %arg0, %c0_i32 : i32, i32
  }
}

module attributes {stable_mosaic.version = 14 : i64} {
  func.func @_t3_body(%arg0: i32, %arg1: memref<2x1000x16xf32, #tpu.memory_space<vmem>>, %arg2: memref<1000x16xf32, #tpu.memory_space<vmem>>, %arg3: memref<1000x1xf32, #tpu.memory_space<vmem>>, %arg4: memref<16x32xf32, #tpu.memory_space<vmem>>, %arg5: memref<1x32xf32, #tpu.memory_space<vmem>>, %arg6: memref<1000x32xf32, #tpu.memory_space<vmem>>) attributes {dimension_semantics = [#tpu.dimension_semantics<arbitrary>], iteration_bounds = array<i64: 10>, scalar_prefetch = 0 : i64, scratch_operands = 0 : i64, tpu.core_type = #tpu.core_type<tc>, window_params = [{transform_indices = @transform_0, window_bounds = array<i64: 2, 1000, 16>}, {transform_indices = @transform_1, window_bounds = array<i64: 1000, 16>}, {transform_indices = @transform_2, window_bounds = array<i64: 1000, 1>}, {pipeline_mode = #tpu.pipeline_mode<synchronous>, transform_indices = @transform_3, window_bounds = array<i64: 16, 32>}, {pipeline_mode = #tpu.pipeline_mode<synchronous>, transform_indices = @transform_4, window_bounds = array<i64: 1, 32>}, {transform_indices = @transform_5, window_bounds = array<i64: 1000, 32>}]} {
    %get3A = arith.constant 0 : index
    %get3A_0 = arith.constant 0 : index
    %get3A_1 = vector.load %arg3[%get3A, %get3A_0] : memref<1000x1xf32, #tpu.memory_space<vmem>>, vector<1000x1xf32>
    %get3A_2 = arith.constant 0 : index
    %get3A_3 = arith.constant 0 : index
    %get3A_4 = arith.constant 0 : index
    %get3A_5 = vector.load %arg1[%get3A_2, %get3A_3, %get3A_4] : memref<2x1000x16xf32, #tpu.memory_space<vmem>>, vector<1x1000x16xf32>
    %get3A_6 = vector.shape_cast %get3A_5 : vector<1x1000x16xf32> to vector<1000x16xf32>
    %get3A_7 = arith.constant 1 : index
    %get3A_8 = arith.constant 0 : index
    %get3A_9 = arith.constant 0 : index
    %get3A_10 = vector.load %arg1[%get3A_7, %get3A_8, %get3A_9] : memref<2x1000x16xf32, #tpu.memory_space<vmem>>, vector<1x1000x16xf32>
    %get3A_11 = vector.shape_cast %get3A_10 : vector<1x1000x16xf32> to vector<1000x16xf32>
    %add3A = arith.addf %get3A_6, %get3A_11 : vector<1000x16xf32>
    %get3A_12 = arith.constant 0 : index
    %get3A_13 = arith.constant 0 : index
    %get3A_14 = vector.load %arg2[%get3A_12, %get3A_13] : memref<1000x16xf32, #tpu.memory_space<vmem>>, vector<1000x16xf32>
    %add3A_15 = arith.addf %add3A, %get3A_14 : vector<1000x16xf32>
    %mul3A = vector.broadcast %get3A_1 : vector<1000x1xf32> to vector<1000x16xf32>
    %mul3A_16 = arith.mulf %mul3A, %add3A_15 : vector<1000x16xf32>
    %get3A_17 = arith.constant 0 : index
    %get3A_18 = arith.constant 0 : index
    %get3A_19 = vector.load %arg4[%get3A_17, %get3A_18] : memref<16x32xf32, #tpu.memory_space<vmem>>, vector<16x32xf32>
    %dot_general3A = arith.constant dense<0.000000e+00> : vector<1000x32xf32>
    %dot_general3A_20 = tpu.matmul %mul3A_16, %get3A_19, %dot_general3A {dimension_numbers = #tpu.dot_dimension_numbers<[1], [0], [0], [1], [0, 0, 1, 1], [], []>, transpose_lhs_hint = false} : vector<1000x16xf32>, vector<16x32xf32>, vector<1000x32xf32> -> vector<1000x32xf32>
    %get3A_21 = arith.constant 0 : index
    %get3A_22 = arith.constant 0 : index
    %get3A_23 = vector.load %arg5[%get3A_21, %get3A_22] : memref<1x32xf32, #tpu.memory_space<vmem>>, vector<1x32xf32>
    %add3A_24 = vector.broadcast %get3A_23 : vector<1x32xf32> to vector<1000x32xf32>
    %add3A_25 = arith.addf %dot_general3A_20, %add3A_24 : vector<1000x32xf32>
    %gt3A = arith.constant 0.000000e+00 : f32
    %gt3A_26 = vector.broadcast %gt3A : f32 to vector<1000x32xf32>
    %gt3A_27 = arith.cmpf ogt, %add3A_25, %gt3A_26 : vector<1000x32xf32>
    %exp3A = math.exp %add3A_25 : vector<1000x32xf32>
    %sub3A = arith.constant 1.000000e+00 : f32
    %sub3A_28 = vector.broadcast %sub3A : f32 to vector<1000x32xf32>
    %sub3A_29 = arith.subf %exp3A, %sub3A_28 : vector<1000x32xf32>
    %mul3A_30 = arith.constant 1.67326319 : f32
    %mul3A_31 = vector.broadcast %mul3A_30 : f32 to vector<1000x32xf32>
    %mul3A_32 = arith.mulf %mul3A_31, %sub3A_29 : vector<1000x32xf32>
    %select_n3A = arith.select %gt3A_27, %add3A_25, %mul3A_32 : vector<1000x32xi1>, vector<1000x32xf32>
    %mul3A_33 = arith.constant 1.05070102 : f32
    %mul3A_34 = vector.broadcast %mul3A_33 : f32 to vector<1000x32xf32>
    %mul3A_35 = arith.mulf %mul3A_34, %select_n3A : vector<1000x32xf32>
    %mul3A_36 = vector.broadcast %get3A_1 : vector<1000x1xf32> to vector<1000x32xf32>
    %mul3A_37 = arith.mulf %mul3A_36, %mul3A_35 : vector<1000x32xf32>
    %swap3A = arith.constant 0 : index
    %swap3A_38 = arith.constant 0 : index
    %swap3A_39 = vector.load %arg6[%swap3A, %swap3A_38] : memref<1000x32xf32, #tpu.memory_space<vmem>>, vector<1000x32xf32>
    tpu.vector_store %arg6[%swap3A, %swap3A_38], %mul3A_37 {strides = array<i32>} : memref<1000x32xf32, #tpu.memory_space<vmem>>, vector<1000x32xf32>,
    return
  }
  func.func @transform_0(%arg0: i32) -> (i32, i32, i32) {
    %c0_i32 = arith.constant 0 : i32
    %c0_i32_0 = arith.constant 0 : i32
    %c0_i32_1 = arith.constant 0 : i32
    return %c0_i32, %arg0, %c0_i32_0 : i32, i32, i32
  }
  func.func @transform_1(%arg0: i32) -> (i32, i32) {
    %c0_i32 = arith.constant 0 : i32
    %c0_i32_0 = arith.constant 0 : i32
    return %arg0, %c0_i32 : i32, i32
  }
  func.func @transform_2(%arg0: i32) -> (i32, i32) {
    %c0_i32 = arith.constant 0 : i32
    %c0_i32_0 = arith.constant 0 : i32
    return %arg0, %c0_i32 : i32, i32
  }
  func.func @transform_3(%arg0: i32) -> (i32, i32) {
    %c0_i32 = arith.constant 0 : i32
    %c0_i32_0 = arith.constant 0 : i32
    %c0_i32_1 = arith.constant 0 : i32
    return %c0_i32, %c0_i32_0 : i32, i32
  }
  func.func @transform_4(%arg0: i32) -> (i32, i32) {
    %c0_i32 = arith.constant 0 : i32
    %c0_i32_0 = arith.constant 0 : i32
    %c0_i32_1 = arith.constant 0 : i32
    return %c0_i32, %c0_i32_0 : i32, i32
  }
  func.func @transform_5(%arg0: i32) -> (i32, i32) {
    %c0_i32 = arith.constant 0 : i32
    %c0_i32_0 = arith.constant 0 : i32
    return %arg0, %c0_i32 : i32, i32
  }
}

module attributes {stable_mosaic.version = 14 : i64} {
  func.func @_t3_body(%arg0: i32, %arg1: memref<2x1000x32xf32, #tpu.memory_space<vmem>>, %arg2: memref<1000x32xf32, #tpu.memory_space<vmem>>, %arg3: memref<1000x1xf32, #tpu.memory_space<vmem>>, %arg4: memref<32x32xf32, #tpu.memory_space<vmem>>, %arg5: memref<1x32xf32, #tpu.memory_space<vmem>>, %arg6: memref<1000x32xf32, #tpu.memory_space<vmem>>) attributes {dimension_semantics = [#tpu.dimension_semantics<arbitrary>], iteration_bounds = array<i64: 10>, scalar_prefetch = 0 : i64, scratch_operands = 0 : i64, tpu.core_type = #tpu.core_type<tc>, window_params = [{transform_indices = @transform_0, window_bounds = array<i64: 2, 1000, 32>}, {transform_indices = @transform_1, window_bounds = array<i64: 1000, 32>}, {transform_indices = @transform_2, window_bounds = array<i64: 1000, 1>}, {pipeline_mode = #tpu.pipeline_mode<synchronous>, transform_indices = @transform_3, window_bounds = array<i64: 32, 32>}, {pipeline_mode = #tpu.pipeline_mode<synchronous>, transform_indices = @transform_4, window_bounds = array<i64: 1, 32>}, {transform_indices = @transform_5, window_bounds = array<i64: 1000, 32>}]} {
    %get3A = arith.constant 0 : index
    %get3A_0 = arith.constant 0 : index
    %get3A_1 = vector.load %arg3[%get3A, %get3A_0] : memref<1000x1xf32, #tpu.memory_space<vmem>>, vector<1000x1xf32>
    %get3A_2 = arith.constant 0 : index
    %get3A_3 = arith.constant 0 : index
    %get3A_4 = arith.constant 0 : index
    %get3A_5 = vector.load %arg1[%get3A_2, %get3A_3, %get3A_4] : memref<2x1000x32xf32, #tpu.memory_space<vmem>>, vector<1x1000x32xf32>
    %get3A_6 = vector.shape_cast %get3A_5 : vector<1x1000x32xf32> to vector<1000x32xf32>
    %get3A_7 = arith.constant 1 : index
    %get3A_8 = arith.constant 0 : index
    %get3A_9 = arith.constant 0 : index
    %get3A_10 = vector.load %arg1[%get3A_7, %get3A_8, %get3A_9] : memref<2x1000x32xf32, #tpu.memory_space<vmem>>, vector<1x1000x32xf32>
    %get3A_11 = vector.shape_cast %get3A_10 : vector<1x1000x32xf32> to vector<1000x32xf32>
    %add3A = arith.addf %get3A_6, %get3A_11 : vector<1000x32xf32>
    %get3A_12 = arith.constant 0 : index
    %get3A_13 = arith.constant 0 : index
    %get3A_14 = vector.load %arg2[%get3A_12, %get3A_13] : memref<1000x32xf32, #tpu.memory_space<vmem>>, vector<1000x32xf32>
    %add3A_15 = arith.addf %add3A, %get3A_14 : vector<1000x32xf32>
    %mul3A = vector.broadcast %get3A_1 : vector<1000x1xf32> to vector<1000x32xf32>
    %mul3A_16 = arith.mulf %mul3A, %add3A_15 : vector<1000x32xf32>
    %get3A_17 = arith.constant 0 : index
    %get3A_18 = arith.constant 0 : index
    %get3A_19 = vector.load %arg4[%get3A_17, %get3A_18] : memref<32x32xf32, #tpu.memory_space<vmem>>, vector<32x32xf32>
    %dot_general3A = arith.constant dense<0.000000e+00> : vector<1000x32xf32>
    %dot_general3A_20 = tpu.matmul %mul3A_16, %get3A_19, %dot_general3A {dimension_numbers = #tpu.dot_dimension_numbers<[1], [0], [0], [1], [0, 0, 1, 1], [], []>, transpose_lhs_hint = false} : vector<1000x32xf32>, vector<32x32xf32>, vector<1000x32xf32> -> vector<1000x32xf32>
    %get3A_21 = arith.constant 0 : index
    %get3A_22 = arith.constant 0 : index
    %get3A_23 = vector.load %arg5[%get3A_21, %get3A_22] : memref<1x32xf32, #tpu.memory_space<vmem>>, vector<1x32xf32>
    %add3A_24 = vector.broadcast %get3A_23 : vector<1x32xf32> to vector<1000x32xf32>
    %add3A_25 = arith.addf %dot_general3A_20, %add3A_24 : vector<1000x32xf32>
    %gt3A = arith.constant 0.000000e+00 : f32
    %gt3A_26 = vector.broadcast %gt3A : f32 to vector<1000x32xf32>
    %gt3A_27 = arith.cmpf ogt, %add3A_25, %gt3A_26 : vector<1000x32xf32>
    %exp3A = math.exp %add3A_25 : vector<1000x32xf32>
    %sub3A = arith.constant 1.000000e+00 : f32
    %sub3A_28 = vector.broadcast %sub3A : f32 to vector<1000x32xf32>
    %sub3A_29 = arith.subf %exp3A, %sub3A_28 : vector<1000x32xf32>
    %mul3A_30 = arith.constant 1.67326319 : f32
    %mul3A_31 = vector.broadcast %mul3A_30 : f32 to vector<1000x32xf32>
    %mul3A_32 = arith.mulf %mul3A_31, %sub3A_29 : vector<1000x32xf32>
    %select_n3A = arith.select %gt3A_27, %add3A_25, %mul3A_32 : vector<1000x32xi1>, vector<1000x32xf32>
    %mul3A_33 = arith.constant 1.05070102 : f32
    %mul3A_34 = vector.broadcast %mul3A_33 : f32 to vector<1000x32xf32>
    %mul3A_35 = arith.mulf %mul3A_34, %select_n3A : vector<1000x32xf32>
    %mul3A_36 = vector.broadcast %get3A_1 : vector<1000x1xf32> to vector<1000x32xf32>
    %mul3A_37 = arith.mulf %mul3A_36, %mul3A_35 : vector<1000x32xf32>
    %swap3A = arith.constant 0 : index
    %swap3A_38 = arith.constant 0 : index
    %swap3A_39 = vector.load %arg6[%swap3A, %swap3A_38] : memref<1000x32xf32, #tpu.memory_space<vmem>>, vector<1000x32xf32>
    tpu.vector_store %arg6[%swap3A, %swap3A_38], %mul3A_37 {strides = array<i32>} : memref<1000x32xf32, #tpu.memory_space<vmem>>, vector<1000x32xf32>,
    return
  }
  func.func @transform_0(%arg0: i32) -> (i32, i32, i32) {
    %c0_i32 = arith.constant 0 : i32
    %c0_i32_0 = arith.constant 0 : i32
    %c0_i32_1 = arith.constant 0 : i32
    return %c0_i32, %arg0, %c0_i32_0 : i32, i32, i32
  }
  func.func @transform_1(%arg0: i32) -> (i32, i32) {
    %c0_i32 = arith.constant 0 : i32
    %c0_i32_0 = arith.constant 0 : i32
    return %arg0, %c0_i32 : i32, i32
  }
  func.func @transform_2(%arg0: i32) -> (i32, i32) {
    %c0_i32 = arith.constant 0 : i32
    %c0_i32_0 = arith.constant 0 : i32
    return %arg0, %c0_i32 : i32, i32
  }
  func.func @transform_3(%arg0: i32) -> (i32, i32) {
    %c0_i32 = arith.constant 0 : i32
    %c0_i32_0 = arith.constant 0 : i32
    %c0_i32_1 = arith.constant 0 : i32
    return %c0_i32, %c0_i32_0 : i32, i32
  }
  func.func @transform_4(%arg0: i32) -> (i32, i32) {
    %c0_i32 = arith.constant 0 : i32
    %c0_i32_0 = arith.constant 0 : i32
    %c0_i32_1 = arith.constant 0 : i32
    return %c0_i32, %c0_i32_0 : i32, i32
  }
  func.func @transform_5(%arg0: i32) -> (i32, i32) {
    %c0_i32 = arith.constant 0 : i32
    %c0_i32_0 = arith.constant 0 : i32
    return %arg0, %c0_i32 : i32, i32
  }
}

module attributes {stable_mosaic.version = 14 : i64} {
  func.func @_t3_body(%arg0: i32, %arg1: memref<2x1000x32xf32, #tpu.memory_space<vmem>>, %arg2: memref<1000x32xf32, #tpu.memory_space<vmem>>, %arg3: memref<1000x1xf32, #tpu.memory_space<vmem>>, %arg4: memref<32x36xf32, #tpu.memory_space<vmem>>, %arg5: memref<1x36xf32, #tpu.memory_space<vmem>>, %arg6: memref<1000x36xf32, #tpu.memory_space<vmem>>) attributes {dimension_semantics = [#tpu.dimension_semantics<arbitrary>], iteration_bounds = array<i64: 10>, scalar_prefetch = 0 : i64, scratch_operands = 0 : i64, tpu.core_type = #tpu.core_type<tc>, window_params = [{transform_indices = @transform_0, window_bounds = array<i64: 2, 1000, 32>}, {transform_indices = @transform_1, window_bounds = array<i64: 1000, 32>}, {transform_indices = @transform_2, window_bounds = array<i64: 1000, 1>}, {pipeline_mode = #tpu.pipeline_mode<synchronous>, transform_indices = @transform_3, window_bounds = array<i64: 32, 36>}, {pipeline_mode = #tpu.pipeline_mode<synchronous>, transform_indices = @transform_4, window_bounds = array<i64: 1, 36>}, {transform_indices = @transform_5, window_bounds = array<i64: 1000, 36>}]} {
    %get3A = arith.constant 0 : index
    %get3A_0 = arith.constant 0 : index
    %get3A_1 = vector.load %arg3[%get3A, %get3A_0] : memref<1000x1xf32, #tpu.memory_space<vmem>>, vector<1000x1xf32>
    %get3A_2 = arith.constant 0 : index
    %get3A_3 = arith.constant 0 : index
    %get3A_4 = arith.constant 0 : index
    %get3A_5 = vector.load %arg1[%get3A_2, %get3A_3, %get3A_4] : memref<2x1000x32xf32, #tpu.memory_space<vmem>>, vector<1x1000x32xf32>
    %get3A_6 = vector.shape_cast %get3A_5 : vector<1x1000x32xf32> to vector<1000x32xf32>
    %get3A_7 = arith.constant 1 : index
    %get3A_8 = arith.constant 0 : index
    %get3A_9 = arith.constant 0 : index
    %get3A_10 = vector.load %arg1[%get3A_7, %get3A_8, %get3A_9] : memref<2x1000x32xf32, #tpu.memory_space<vmem>>, vector<1x1000x32xf32>
    %get3A_11 = vector.shape_cast %get3A_10 : vector<1x1000x32xf32> to vector<1000x32xf32>
    %add3A = arith.addf %get3A_6, %get3A_11 : vector<1000x32xf32>
    %get3A_12 = arith.constant 0 : index
    %get3A_13 = arith.constant 0 : index
    %get3A_14 = vector.load %arg2[%get3A_12, %get3A_13] : memref<1000x32xf32, #tpu.memory_space<vmem>>, vector<1000x32xf32>
    %add3A_15 = arith.addf %add3A, %get3A_14 : vector<1000x32xf32>
    %mul3A = vector.broadcast %get3A_1 : vector<1000x1xf32> to vector<1000x32xf32>
    %mul3A_16 = arith.mulf %mul3A, %add3A_15 : vector<1000x32xf32>
    %get3A_17 = arith.constant 0 : index
    %get3A_18 = arith.constant 0 : index
    %get3A_19 = vector.load %arg4[%get3A_17, %get3A_18] : memref<32x36xf32, #tpu.memory_space<vmem>>, vector<32x36xf32>
    %dot_general3A = arith.constant dense<0.000000e+00> : vector<1000x36xf32>
    %dot_general3A_20 = tpu.matmul %mul3A_16, %get3A_19, %dot_general3A {dimension_numbers = #tpu.dot_dimension_numbers<[1], [0], [0], [1], [0, 0, 1, 1], [], []>, transpose_lhs_hint = false} : vector<1000x32xf32>, vector<32x36xf32>, vector<1000x36xf32> -> vector<1000x36xf32>
    %get3A_21 = arith.constant 0 : index
    %get3A_22 = arith.constant 0 : index
    %get3A_23 = vector.load %arg5[%get3A_21, %get3A_22] : memref<1x36xf32, #tpu.memory_space<vmem>>, vector<1x36xf32>
    %add3A_24 = vector.broadcast %get3A_23 : vector<1x36xf32> to vector<1000x36xf32>
    %add3A_25 = arith.addf %dot_general3A_20, %add3A_24 : vector<1000x36xf32>
    %gt3A = arith.constant 0.000000e+00 : f32
    %gt3A_26 = vector.broadcast %gt3A : f32 to vector<1000x36xf32>
    %gt3A_27 = arith.cmpf ogt, %add3A_25, %gt3A_26 : vector<1000x36xf32>
    %exp3A = math.exp %add3A_25 : vector<1000x36xf32>
    %sub3A = arith.constant 1.000000e+00 : f32
    %sub3A_28 = vector.broadcast %sub3A : f32 to vector<1000x36xf32>
    %sub3A_29 = arith.subf %exp3A, %sub3A_28 : vector<1000x36xf32>
    %mul3A_30 = arith.constant 1.67326319 : f32
    %mul3A_31 = vector.broadcast %mul3A_30 : f32 to vector<1000x36xf32>
    %mul3A_32 = arith.mulf %mul3A_31, %sub3A_29 : vector<1000x36xf32>
    %select_n3A = arith.select %gt3A_27, %add3A_25, %mul3A_32 : vector<1000x36xi1>, vector<1000x36xf32>
    %mul3A_33 = arith.constant 1.05070102 : f32
    %mul3A_34 = vector.broadcast %mul3A_33 : f32 to vector<1000x36xf32>
    %mul3A_35 = arith.mulf %mul3A_34, %select_n3A : vector<1000x36xf32>
    %swap3A = arith.constant 0 : index
    %swap3A_36 = arith.constant 0 : index
    %swap3A_37 = vector.load %arg6[%swap3A, %swap3A_36] : memref<1000x36xf32, #tpu.memory_space<vmem>>, vector<1000x36xf32>
    tpu.vector_store %arg6[%swap3A, %swap3A_36], %mul3A_35 {strides = array<i32>} : memref<1000x36xf32, #tpu.memory_space<vmem>>, vector<1000x36xf32>,
    return
  }
  func.func @transform_0(%arg0: i32) -> (i32, i32, i32) {
    %c0_i32 = arith.constant 0 : i32
    %c0_i32_0 = arith.constant 0 : i32
    %c0_i32_1 = arith.constant 0 : i32
    return %c0_i32, %arg0, %c0_i32_0 : i32, i32, i32
  }
  func.func @transform_1(%arg0: i32) -> (i32, i32) {
    %c0_i32 = arith.constant 0 : i32
    %c0_i32_0 = arith.constant 0 : i32
    return %arg0, %c0_i32 : i32, i32
  }
  func.func @transform_2(%arg0: i32) -> (i32, i32) {
    %c0_i32 = arith.constant 0 : i32
    %c0_i32_0 = arith.constant 0 : i32
    return %arg0, %c0_i32 : i32, i32
  }
  func.func @transform_3(%arg0: i32) -> (i32, i32) {
    %c0_i32 = arith.constant 0 : i32
    %c0_i32_0 = arith.constant 0 : i32
    %c0_i32_1 = arith.constant 0 : i32
    return %c0_i32, %c0_i32_0 : i32, i32
  }
  func.func @transform_4(%arg0: i32) -> (i32, i32) {
    %c0_i32 = arith.constant 0 : i32
    %c0_i32_0 = arith.constant 0 : i32
    %c0_i32_1 = arith.constant 0 : i32
    return %c0_i32, %c0_i32_0 : i32, i32
  }
  func.func @transform_5(%arg0: i32) -> (i32, i32) {
    %c0_i32 = arith.constant 0 : i32
    %c0_i32_0 = arith.constant 0 : i32
    return %arg0, %c0_i32 : i32, i32
  }
}

</mosaic_0001>

<sc_bundles>
// kernel: kernel.12.cloned.1.call-start
scs
__scs_entry_jumppad:
0x0: {  	(pc) =	sbr.rel $0x88, $3  }
0x1: {  	(tag) =	ssettag $0x0;
	lr =	simm.s32 $0x1  }
0x2: {  	[smem:$0x3F97] =	sst lr;
	_ =	strace $0xD0000000  }
0x3: {  	_ = 	snop  }
0x4: {  	_ = 	snop  }
0x5: {  	_ = 	snop  }
0x6: {  	_ = 	snop  }
0x7: {  	_ = 	snop  }
__scs_overlays_trampoline_lowered:
0x8: {  	[smem:$0x3FA6] =	sst s0  }
0x9: {  	[smem:$0x3FA7] =	sst s1  }
0xa: {  	[smem:$0x3FA8] =	sst s2  }
0xb: {  	[smem:$0x3FA9] =	sst s3  }
0xc: {  	[smem:$0x3FAA] =	sst s4  }
0xd: {  	[smem:$0x3FAB] =	sst s5  }
0xe: {  	[smem:$0x3FAC] =	sst s6  }
0xf: {  	[smem:$0x3FAD] =	sst s7  }
0x10: {  	[smem:$0x3FAE] =	sst s8  }
0x11: {  	[smem:$0x3FAF] =	sst s9;
	s0 =	simm.s32 @!p0 $0x0  }
0x12: {  	s1 =	sld [smem:$0x3F95];
	s0 =	simm.s32 @p0 $0x1  }
0x13: {  	[smem:$0x3FB0] =	sst s0;
	s0 =	simm.s32 @!p1 $0x0  }
0x14: {  	s2 =	sld [smem:$0x3F94];
	s0 =	simm.s32 @p1 $0x1  }
0x15: {  	[smem:$0x3FB1] =	sst s0;
	s0 =	simm.s32 @!p2 $0x0  }
0x16: {  	s3 =	sld [smem:$0x3FDB];
	s0 =	simm.s32 @p2 $0x1  }
0x17: {  	s4 =	simm.s32 $0x1BF5;
	[smem:$0x3FB3] =	sst s0  }
0x18: {  	s0 =	sld [smem:$0x3F96];
	_ =	swait.ge [sflag:s4], $0x0  }
0x19: {  	s7 =	sld [smem:$0x3F97]  }
0x1a: {  	s8 =	sadd.s32 $0xFFFFE003, lr  }
0x1b: {  	s9 =	sadd.s32 $0xFFFFFEF7, lr;
	s5 =	simm.s32 $0xFFFFFFFF;
	p2 =	slt.u32 s8, $0xFFFFF086  }
0x1c: {  	p1 =	slt.u32 s9, $0xF7A;
	s5 =	simm.s32 @!p2 $0x0  }
0x1d: {  	s5 =	simm.s32 @p1 $0x1;
	p0 =	seq.s32 s7, s2  }
0x1e: {  	s7 =	smul.u32 @!p0 $0xF7A, s2;
	p2 =	seq.s32 @!p0 s5, $0x0  }
0x1f: {  	s9 =	smul.u32 $0xF7A, s1;
	s8 =	simm.s32 @!p0 $0x1BF5;
	p2 =	por !p2, p0  }
0x20: {  	[sflag:s8] =	ssyncset.s32 @!p0 $0xFFFFF086;
	s6 =	sadd.s32 @!p0 s3, s7;
	s7 =	simm.s32 @!p0 $0x108  }
0x21: {  	s3 =	sadd.s32 s3, s9;
	s6 =	sadd.s32 @!p0 $0x88, s6;
	s7 =	simm.s32 @p2 $0x1082  }
0x22: {  	[simem:s7], [sflag:s8] =	dma.local @!p0 [hbm:s6], $0xF7A  }
0x23: {  	s9 =	sor.u32 $0xD0000000, s2;
	s6 =	simm.s32 $0x108;
	_ =	swait.ge @!p0 [sflag:s8], $0x0  }
0x24: {  	s3 =	sadd.s32 $0x88, s3;
	s6 =	simm.s32 @!p1 $0x1082;
	[sflag:s4] =	ssyncset.s32 $0xFFFFF086  }
0x25: {  	[simem:s6], [sflag:s4] =	dma.local [hbm:s3], $0xF7A  }
0x26: {  	[smem:$0x3F97] =	sst s1;
	(tag) =	ssettag s2;
	_ =	strace s9  }
0x27: {  	s1 =	sld [smem:$0x3FA7]  }
0x28: {  	s2 =	sld [smem:$0x3FA8]  }
0x29: {  	s4 =	sld [smem:$0x3FAA]  }
0x2a: {  	p0 =	seq.s32 s5, $0x0;
	s5 =	sld [smem:$0x3FAB]  }
0x2b: {  	s6 =	sld [smem:$0x3FAC]  }
0x2c: {  	s7 =	sld [smem:$0x3FAD]  }
0x2d: {  	s3 =	simm.s32 $0x108;
	s8 =	sld [smem:$0x3FAE]  }
0x2e: {  	s3 =	simm.s32 @!p0 $0x1082;
	s9 =	sld [smem:$0x3FAF]  }
0x2f: {  	lr =	sadd.s32 s0, s3;
	s0 =	sld [smem:$0x3FA6]  }
0x30: {  	s3 =	sld [smem:$0x3FA9]  }
0x31: {  	[smem:$0x3FB2] =	sst s10  }
0x32: {  	s10 =	sld [smem:$0x3FB0];
	_ =	sdelay $0x3  }
0x33: {  	p0 =	seq.s32 s10, $0x1;
	s10 =	sld [smem:$0x3FB2];
	_ =	sdelay $0x3  }
0x34: {  	[smem:$0x3FB2] =	sst s10  }
0x35: {  	s10 =	sld [smem:$0x3FB1];
	_ =	sdelay $0x3  }
0x36: {  	p1 =	seq.s32 s10, $0x1;
	s10 =	sld [smem:$0x3FB2];
	_ =	sdelay $0x3  }
0x37: {  	[smem:$0x3FB2] =	sst s10  }
0x38: {  	s10 =	sld [smem:$0x3FB3]  }
0x39: {  	_ = 	snop;
	(pc) =	sbr.ind lr, $3  }
0x3a: {  	_ = 	snop  }
0x3b: {  	_ = 	snop  }
0x3c: {  	p2 =	seq.s32 s10, $0x1;
	s10 =	sld [smem:$0x3FB2]  }
0x3d: {  	_ =	shalt  }
0x3e: {  	_ =	shalt  }
0x3f: {  	_ =	shalt  }
0x40: {  	_ =	shalt  }
0x41: {  	_ =	shalt  }
0x42: {  	_ =	shalt  }
0x43: {  	_ =	shalt  }
0x44: {  	_ =	shalt  }
0x45: {  	_ =	shalt  }
0x46: {  	_ =	shalt  }
0x47: {  	_ =	shalt  }
0x48: {  	_ =	shalt  }
0x49: {  	_ =	shalt  }
0x4a: {  	_ =	shalt  }
0x4b: {  	_ =	shalt  }
0x4c: {  	_ =	shalt  }
0x4d: {  	_ =	shalt  }
0x4e: {  	_ =	shalt  }
0x4f: {  	_ =	shalt  }
0x50: {  	_ =	shalt  }
0x51: {  	_ =	shalt  }
0x52: {  	_ =	shalt  }
0x53: {  	_ =	shalt  }
0x54: {  	_ =	shalt  }
0x55: {  	_ =	shalt  }
0x56: {  	_ =	shalt  }
0x57: {  	_ =	shalt  }
0x58: {  	_ =	shalt  }
0x59: {  	_ =	shalt  }
0x5a: {  	_ =	shalt  }
0x5b: {  	_ =	shalt  }
0x5c: {  	_ =	shalt  }
0x5d: {  	_ =	shalt  }
0x5e: {  	_ =	shalt  }
0x5f: {  	_ =	shalt  }
0x60: {  	_ =	shalt  }
0x61: {  	_ =	shalt  }
0x62: {  	_ =	shalt  }
0x63: {  	_ =	shalt  }
0x64: {  	_ =	shalt  }
0x65: {  	_ =	shalt  }
0x66: {  	_ =	shalt  }
0x67: {  	_ =	shalt  }
0x68: {  	_ =	shalt  }
0x69: {  	_ =	shalt  }
0x6a: {  	_ =	shalt  }
0x6b: {  	_ =	shalt  }
0x6c: {  	_ =	shalt  }
0x6d: {  	_ =	shalt  }
0x6e: {  	_ =	shalt  }
0x6f: {  	_ =	shalt  }
0x70: {  	_ =	shalt  }
0x71: {  	_ =	shalt  }
0x72: {  	_ =	shalt  }
0x73: {  	_ =	shalt  }
0x74: {  	_ =	shalt  }
0x75: {  	_ =	shalt  }
0x76: {  	_ =	shalt  }
0x77: {  	_ =	shalt  }
0x78: {  	_ =	shalt  }
0x79: {  	_ =	shalt  }
0x7a: {  	_ =	shalt  }
0x7b: {  	_ =	shalt  }
0x7c: {  	_ =	shalt  }
0x7d: {  	_ =	shalt  }
0x7e: {  	_ =	shalt  }
0x7f: {  	_ =	shalt  }
0x80: {  	_ =	shalt  }
0x81: {  	_ =	shalt  }
0x82: {  	_ =	shalt  }
0x83: {  	_ =	shalt  }
0x84: {  	_ =	shalt  }
0x85: {  	_ =	shalt  }
0x86: {  	_ =	shalt  }
0x87: {  	_ =	shalt  }
.Lfunc_end0:
.L_simem_size_0:
called_computation_lowered:
.L_overlay_start_0:
0x88: {  	s2 =	sld [smem:$0x3FD9]  }
0x89: {  	s3 =	sld [smem:$0x3FFE];
	_ =	sdelay $0x1  }
0x8a: {  	s1 =	srdreg.scid  }
0x8b: {  	s0 =	sand.u32 $0x1, s1  }
0x8c: {  	s17 =	sshll.u32 s0, $0xA;
	s2 =	sadd.s32 s3, s2  }
0x8d: {  	s2 =	sadd.s32 s2, s17  }
0x8e: {  	[smem:$0x3FBE] =	sst s2  }
0x8f: {  	_ = 	snop  }
0x90: {  	s2 =	sld [smem:$0x3FD0];
	(tm) =	ssettm $0x1  }
0x91: {  	s18 =	sld [smem:$0x3FFB];
	_ =	sdelay $0x3  }
0x92: {  	_ =	strace s18  }
0x93: {  	s3 =	sld [smem:$0x3FFC];
	_ =	sdelay $0x3  }
0x94: {  	_ =	strace s3  }
0x95: {  	s3 =	sld [smem:$0x3FFD];
	_ =	sdelay $0x3  }
0x96: {  	_ =	strace s3  }
0x97: {  	_ =	strace $0x8FFFFFFF  }
0x98: {  	s19 =	sld [smem:$0x3FDB];
	_ =	sdelay $0x1  }
0x99: {  	s4 =	simm.s32 $_scs_section_size  }
0x9a: {  	s5 =	simm.s32 $_size__tile_overlayer_lowered;
	s6 =	simm.s32 $_tile_overlayer_lowered  }
0x9b: {  	s22 =	simm.s32 $0x1BFF;
	s21 =	sshll.u32 s6, $0x1;
	s3 =	sadd.s32 s4, s19  }
0x9c: {  	s7 =	simm.s32 $0x0;
	s20 =	sshll.u32 s5, $0x1;
	s5 =	sadd.s32 s21, s3  }
0x9d: {  	[timem:s7], [sflag:s22] =	dma.local [hbm:s5], s20  }
0x9e: {  	_ =	swait.ge [sflag:s22], s20  }
0x9f: {  	s4 =	ssub.s32 $0x0, s20;
	[sflag:s22] =	ssyncset.done $0x0  }
0xa0: {  	[sflag:s22] =	ssyncadd.s32 s4;
	_ =	sdelay $0x1  }
0xa1: {  	s23 =	simm.s32 $0x1B8B  }
0xa2: {  	_ =	swait.ge [sflag:s23], $0x1  }
0xa3: {  	[sflag:s23] =	ssyncset.done $0x0  }
0xa4: {  	s25 =	simm.s32 $0x1B8E;
	s24 =	sld [smem:$0x3FFE];
	[sflag:s23] =	ssyncadd.s32 $0xFFFFFFFF  }
0xa5: {  	s26 =	simm.s32 $execute0_lowered;
	[smem:$0x3FD2] =	sst s25  }
0xa6: {  	s5 =	sshll.u32 s26, $0x1;
	_ =	strace $0x80000046;
	[dreg:$0x1] =	wrdreg $0xFFFFFFFF  }
0xa7: {  	s28 =	simm.s32 $_size_execute0_lowered;
	s3 =	sadd.s32 s3, s5;
	[dreg:$0x0] =	wrdreg $0x0  }
0xa8: {  	s5 =	sshll.u32 s28, $0x1;
	[dreg:$0x2] =	wrdreg s3  }
0xa9: {  	[dreg:$0x3] =	wrdreg s5  }
0xaa: {  	[dreg:$0x4] =	wrdreg $0xC0  }
0xab: {  	_ =	task [dreg:s7], $0x5FFFF  }
0xac: {  	[dreg:$0x1] =	wrdreg $0xFFFFFFFF  }
0xad: {  	[dreg:$0x0] =	wrdreg $0x60  }
0xae: {  	[dreg:$0x2] =	wrdreg s2  }
0xaf: {  	[dreg:$0x3] =	wrdreg s24  }
0xb0: {  	[dreg:$0x4] =	wrdreg $0x2FD00  }
0xb1: {  	[dreg:$0x5] =	wrdreg $0x9  }
0xb2: {  	_ =	task.clear_ibuf [dreg:s7], $0x6FFFF;
	_ =	strace $0x90000046  }
0xb3: {  	s29 =	simm.s32 $0x9;
	_ =	strace $0x80000048  }
0xb4: {  	_ =	swait.ge [sflag:s29], $0x1  }
0xb5: {  	[sflag:s29] =	ssyncadd.s32 $0xFFFFFFFF  }
0xb6: {  	_ =	strace $0x90000048  }
0xb7: {  	_ =	sfence  }
0xb8: {  	s30 =	sld [smem:$0x0];
	_ =	sdelay $0x2  }
0xb9: {  	s31 =	sshll.u32 s1, $0xD;
	s1 =	sshrl.u32 s1, $0x2  }
0xba: {  	s3 =	sand.u32 $0x4000, s31;
	s1 =	sadd.s32 s1, s30  }
0xbb: {  	s0 =	sor.u32 s3, s0;
	s1 =	sshll.u32 s1, $0x11  }
0xbc: {  	s0 =	sor.u32 s1, s0  }
0xbd: {  	s0 =	sadd.s32 $0x8F2B, s0  }
0xbe: {  	[sflag:s0] =	ssyncadd.remote.s32 $0x1  }
0xbf: {  	_ =	sfence.sel $0xFFFF  }
0xc0: {  	[dreg:$0x0] =	wrdreg $0xFFFFFFFF;
	(pc) =	sbr.abs _section_cstart, $3  }
0xc1: {  	[dreg:$0x1] =	wrdreg $0xFFFFFFFF  }
0xc2: {  	_ =	task.clear_ibuf [dreg:s7], $0x2FFFF;
	_ =	strace $0x9FFFFFFF  }
0xc3: {  	(tm) =	ssettm $0x7FFFFFFF  }
tec
execute0_lowered:
.L_overlay_start_1:
0x0: {  	(tag) =	ssettag $0x1  }
0x1: {  	s9 =	rddreg [dreg:$0x0]  }
0x2: {  	s6 =	rddreg [dreg:$0x1]  }
0x3: {  	s0 =	srdreg.scid;
	s2 =	rddreg [dreg:$0x2]  }
0x4: {  	s1 =	rddreg [dreg:$0x3];
	s3 =	simm.s32 $0x0;
	s4 =	sand.u32 $0x1, s0  }
0x5: {  	s13 =	simm.s32 $0x1;
	s0 =	stileid.u32;
	s5 =	smul.u32 $0x27100, s4  }
0x6: {  	s14 =	simm.s32 $0x7D;
	[smem:$0x7FF] =	sst s3;
	s7 =	smul.u32 $0x2710, s0  }
0x7: {  	s28 =	smul.u32 $0x9C40, s0;
	_ =	strace $0x80000047;
	s29 =	ssub.s32 $0x2, s4  }
0x8: {  	s4 =	sshll.u32 s4, $0x4;
	s15 =	sshll.u32 s0, $0x6;
	s31 =	sshrl.u32 s29, $0x1  }
0x9: {  	s8 =	sor.u32 s0, s4;
	s15 =	sor.u32 $0x1C01, s15;
	s5 =	sadd.s32 s7, s5  }
0xa: {  	s30 =	sshrl.u32 s28, $0x2;
	s11 =	ssub.s32 s29, s31;
	s12 =	smul.u32 $0x500, s8  }
0xb: {  	s5 =	sshrl.u32 s5, $0x3;
	s4 =	sadd.s32 s30, s2;
	s11 =	smax.u32 s11, $0x1  }
0xc: {  	s10 =	sadd.s32 s5, s6;
	s5 =	sadd.s32 $0x7D0, s4;
	s6 =	sadd.s32 $0xFA0, s4  }
0xd: {  	s7 =	sadd.s32 $0x1770, s4;
	s8 =	sadd.s32 $0x1F40, s4;
	s9 =	sadd.s32 s9, s12  }
0xe: {  	v0 =	vimm.f32 $0.0e+00;
	v1 =	vimm.f32 $1.000000000e+00;
	s12 =	simm.s32 $0x2800;
	s16 =	sshrl.u32 s4, $0x3;
	s10 =	sadd.s32 $0x2600, s10  }
.LBB2_1:
0xf: {  	s17 =	simm.s32 $0x40;
	s18 =	simm.s32 $0x0  }
.LBB2_2:
0x10: {  	p0 =	sne.s32 s17, $0x1F00;
	[tilespmem:s18+$0x2800] =	vst v0;
	s18 =	smov.u32 s17;
	s17 =	sadd.s32 $0x40, s17  }
.Ltmp0:
0x11: {  	(pc) =	sbr.rel @p0 .LBB2_2-.Ltmp0, $2  }
0x12: {  	_ =	sdelay $0x2  }
0x13: {  	s18 =	sshra.s32 s18, $0x2  }
0x14: {  	[tilespmem:s18+$0x2800] =	vst v0  }
0x15: {  	[spmem:s4] =	stream.linear.scatter [tilespmem:s12], [sflag:$0x1], $0x7D0, $0x38;
	[tilespmem:$0x56E0] =	vst v63  }
0x16: {  	_ =	swait.ge [sflag:s13], $0x7D0  }
0x17: {  	[sflag:s13] =	ssyncset.done $0x0  }
0x18: {  	[sflag:s13] =	ssyncadd.s32 $0xFFFFF830  }
0x19: {  	[spmem:s5] =	stream.linear.scatter [tilespmem:s12], [sflag:$0x1], $0x7D0, $0x38;
	[tilespmem:$0x56E0] =	vst v63  }
0x1a: {  	_ =	swait.ge [sflag:s13], $0x7D0  }
0x1b: {  	[sflag:s13] =	ssyncset.done $0x0  }
0x1c: {  	[sflag:s13] =	ssyncadd.s32 $0xFFFFF830  }
0x1d: {  	[spmem:s6] =	stream.linear.scatter [tilespmem:s12], [sflag:$0x1], $0x7D0, $0x38;
	[tilespmem:$0x56E0] =	vst v63  }
0x1e: {  	_ =	swait.ge [sflag:s13], $0x7D0  }
0x1f: {  	[sflag:s13] =	ssyncset.done $0x0  }
0x20: {  	[sflag:s13] =	ssyncadd.s32 $0xFFFFF830  }
0x21: {  	[spmem:s7] =	stream.linear.scatter [tilespmem:s12], [sflag:$0x1], $0x7D0, $0x38;
	[tilespmem:$0x56E0] =	vst v63  }
0x22: {  	_ =	swait.ge [sflag:s13], $0x7D0  }
0x23: {  	[sflag:s13] =	ssyncset.done $0x0  }
0x24: {  	[sflag:s13] =	ssyncadd.s32 $0xFFFFF830  }
0x25: {  	[spmem:s8] =	stream.linear.scatter [tilespmem:s12], [sflag:$0x1], $0x7D0, $0x38;
	[tilespmem:$0x56E0] =	vst v63  }
0x26: {  	_ =	swait.ge [sflag:s13], $0x7D0  }
0x27: {  	[sflag:s13] =	ssyncset.done $0x0  }
0x28: {  	s17 =	simm.s32 $0x40;
	s18 =	simm.s32 $0x0;
	[sflag:s13] =	ssyncadd.s32 $0xFFFFF830  }
.LBB2_4:
0x29: {  	p0 =	sne.s32 s17, $0x1F00;
	[tilespmem:s18+$0x2800] =	vst v1;
	s18 =	smov.u32 s17;
	s17 =	sadd.s32 $0x40, s17  }
.Ltmp1:
0x2a: {  	(pc) =	sbr.rel @p0 .LBB2_4-.Ltmp1, $2  }
0x2b: {  	_ =	sdelay $0x2  }
0x2c: {  	s18 =	sshra.s32 s18, $0x2  }
0x2d: {  	[tilespmem:s18+$0x2800] =	vst v1;
	s17 =	simm.s32 $0x0  }
0x2e: {  	[tilespmem:s17], [sflag:$0x1] =	stream.linear.gather [hbm4b:s9+s17], $0x2800, $0x38;
	[tilespmem:$0x56E0] =	vst v63  }
0x2f: {  	_ =	swait.ge [sflag:s13], $0x2800  }
0x30: {  	[sflag:s13] =	ssyncset.done $0x0  }
0x31: {  	[sflag:s13] =	ssyncadd.s32 $0xFFFFD800  }
0x32: {  	s31 =	simm.s32 $0x0;
	[bflag:$0x0] =	sbarrier.arrive $0xFFFF  }
0x33: {  	[spmem:s2] =	stream.indirect.scatter.add.f32 [tilespmem:s12], [sflag:$0x1], $0x10, s31, s14, $0xb8;
	[tilespmem:$0x56E0] =	vst v63  }
0x34: {  	_ =	swait.ge [sflag:s13], $0x7D0  }
0x35: {  	s17 =	simm.s32 $0x200;
	[sflag:s13] =	ssyncset.done $0x0  }
.LBB2_6:
0x36: {  	s18 =	sshra.s32 s17, $0x2;
	[sflag:s13] =	ssyncadd.s32 $0xFFFFF830;
	p0 =	sne.s32 s17, $0x9E00  }
0x37: {  	[spmem:s2] =	stream.indirect.scatter.add.f32 [tilespmem:s12], [sflag:$0x1], $0x10, s18, s14, $0xb8;
	[tilespmem:$0x56E0] =	vst v63  }
.Ltmp2:
0x38: {  	_ = 	snop;
	(pc) =	sbr.rel @p0 .LBB2_6-.Ltmp2, $4  }
0x39: {  	_ = 	snop  }
0x3a: {  	s17 =	sadd.s32 $0x200, s17  }
0x3b: {  	_ =	swait.ge [sflag:s13], $0x7D0  }
0x3c: {  	[sflag:s13] =	ssyncset.done $0x0  }
0x3d: {  	s3 =	sadd.s32 $0x1, s3  }
0x3e: {  	[sflag:s13] =	ssyncadd.s32 $0xFFFFF830;
	p0 =	sne.s32 s3, s11  }
.Ltmp3:
0x3f: {  	[bflag:$0x0] =	sbarrier.arrive $0xFFFF;
	(pc) =	sbr.rel @p0 .LBB2_1-.Ltmp3, $4  }
0x40: {  	[hbm:s10], [sflag:s15] =	dma.local [spmem:s16], $0x4E2  }
0x41: {  	_ =	swait.ge [sflag:s13], $0x4E2  }
0x42: {  	[sflag:s13] =	ssyncset.done $0x0  }
0x43: {  	[sflag:s13] =	ssyncadd.s32 $0xFFFFFB1E  }
0x44: {  	_ =	sfence.sel $0x180000  }
0x45: {  	[bflag:$0x0] =	sbarrier.arrive $0xFFFF  }
0x46: {  	p0 =	sne.s32 s0, $0x0;
	_ =	strace $0x90000047  }
0x47: {  	s0 =	sadd.s32 @!p0 $0x100000, s1;
	[bflag:$0x2] =	sbarrier.arrive $0xFFFF  }
0x48: {  	[sflag:s0] =	ssyncadd.tile.s32 @!p0 $0x1;
	_ =	shalt  }
.Lfunc_end2:
_tile_overlayer_lowered:
.L_overlay_start_2:
0x49: {  	(tag) =	ssettag $0x2  }
0x4a: {  	s0 =	rddreg [dreg:$0x0];
	s2 =	stileid.u32  }
0x4b: {  	s1 =	rddreg [dreg:$0x1];
	p0 =	sne.s32 s2, $0x0  }
0x4c: {  	s3 =	rddreg [dreg:$0x2];
	[bflag:$0x3] =	sbarrier.arrive $0xFFFF;
	s2 =	simm.s32 @!p0 $0x1C01  }
0x4d: {  	[timem:s3], [sflag:s2] =	dma.local @!p0 [hbm:s0], s1  }
0x4e: {  	s0 =	simm.s32 @!p0 $0x1  }
0x4f: {  	_ =	swait.ge @!p0 [sflag:s0], s1  }
0x50: {  	s1 =	ssub.s32 @!p0 $0x0, s1;
	[sflag:s0] =	ssyncset.done @!p0 $0x0  }
0x51: {  	[sflag:s0] =	ssyncadd.s32 @!p0 s1  }
0x52: {  	[bflag:$0x3] =	sbarrier.arrive $0xFFFF  }
0x53: {  	_ =	shalt  }

// kernel: kernel.15.cloned.1.call-start
scs
__scs_entry_jumppad:
0x0: {  	(pc) =	sbr.rel $0x88, $3  }
0x1: {  	(tag) =	ssettag $0x0;
	lr =	simm.s32 $0x1  }
0x2: {  	[smem:$0x3F97] =	sst lr;
	_ =	strace $0xD0000000  }
0x3: {  	_ = 	snop  }
0x4: {  	_ = 	snop  }
0x5: {  	_ = 	snop  }
0x6: {  	_ = 	snop  }
0x7: {  	_ = 	snop  }
__scs_overlays_trampoline_lowered:
0x8: {  	[smem:$0x3FA6] =	sst s0  }
0x9: {  	[smem:$0x3FA7] =	sst s1  }
0xa: {  	[smem:$0x3FA8] =	sst s2  }
0xb: {  	[smem:$0x3FA9] =	sst s3  }
0xc: {  	[smem:$0x3FAA] =	sst s4  }
0xd: {  	[smem:$0x3FAB] =	sst s5  }
0xe: {  	[smem:$0x3FAC] =	sst s6  }
0xf: {  	[smem:$0x3FAD] =	sst s7  }
0x10: {  	[smem:$0x3FAE] =	sst s8  }
0x11: {  	[smem:$0x3FAF] =	sst s9;
	s0 =	simm.s32 @!p0 $0x0  }
0x12: {  	s1 =	sld [smem:$0x3F95];
	s0 =	simm.s32 @p0 $0x1  }
0x13: {  	[smem:$0x3FB0] =	sst s0;
	s0 =	simm.s32 @!p1 $0x0  }
0x14: {  	s2 =	sld [smem:$0x3F94];
	s0 =	simm.s32 @p1 $0x1  }
0x15: {  	[smem:$0x3FB1] =	sst s0;
	s0 =	simm.s32 @!p2 $0x0  }
0x16: {  	s3 =	sld [smem:$0x3FDB];
	s0 =	simm.s32 @p2 $0x1  }
0x17: {  	s4 =	simm.s32 $0x1BF5;
	[smem:$0x3FB3] =	sst s0  }
0x18: {  	s0 =	sld [smem:$0x3F96];
	_ =	swait.ge [sflag:s4], $0x0  }
0x19: {  	s7 =	sld [smem:$0x3F97]  }
0x1a: {  	s8 =	sadd.s32 $0xFFFFE003, lr  }
0x1b: {  	s9 =	sadd.s32 $0xFFFFFEF7, lr;
	s5 =	simm.s32 $0xFFFFFFFF;
	p2 =	slt.u32 s8, $0xFFFFF086  }
0x1c: {  	p1 =	slt.u32 s9, $0xF7A;
	s5 =	simm.s32 @!p2 $0x0  }
0x1d: {  	s5 =	simm.s32 @p1 $0x1;
	p0 =	seq.s32 s7, s2  }
0x1e: {  	s7 =	smul.u32 @!p0 $0xF7A, s2;
	p2 =	seq.s32 @!p0 s5, $0x0  }
0x1f: {  	s9 =	smul.u32 $0xF7A, s1;
	s8 =	simm.s32 @!p0 $0x1BF5;
	p2 =	por !p2, p0  }
0x20: {  	[sflag:s8] =	ssyncset.s32 @!p0 $0xFFFFF086;
	s6 =	sadd.s32 @!p0 s3, s7;
	s7 =	simm.s32 @!p0 $0x108  }
0x21: {  	s3 =	sadd.s32 s3, s9;
	s6 =	sadd.s32 @!p0 $0x88, s6;
	s7 =	simm.s32 @p2 $0x1082  }
0x22: {  	[simem:s7], [sflag:s8] =	dma.local @!p0 [hbm:s6], $0xF7A  }
0x23: {  	s9 =	sor.u32 $0xD0000000, s2;
	s6 =	simm.s32 $0x108;
	_ =	swait.ge @!p0 [sflag:s8], $0x0  }
0x24: {  	s3 =	sadd.s32 $0x88, s3;
	s6 =	simm.s32 @!p1 $0x1082;
	[sflag:s4] =	ssyncset.s32 $0xFFFFF086  }
0x25: {  	[simem:s6], [sflag:s4] =	dma.local [hbm:s3], $0xF7A  }
0x26: {  	[smem:$0x3F97] =	sst s1;
	(tag) =	ssettag s2;
	_ =	strace s9  }
0x27: {  	s1 =	sld [smem:$0x3FA7]  }
0x28: {  	s2 =	sld [smem:$0x3FA8]  }
0x29: {  	s4 =	sld [smem:$0x3FAA]  }
0x2a: {  	p0 =	seq.s32 s5, $0x0;
	s5 =	sld [smem:$0x3FAB]  }
0x2b: {  	s6 =	sld [smem:$0x3FAC]  }
0x2c: {  	s7 =	sld [smem:$0x3FAD]  }
0x2d: {  	s3 =	simm.s32 $0x108;
	s8 =	sld [smem:$0x3FAE]  }
0x2e: {  	s3 =	simm.s32 @!p0 $0x1082;
	s9 =	sld [smem:$0x3FAF]  }
0x2f: {  	lr =	sadd.s32 s0, s3;
	s0 =	sld [smem:$0x3FA6]  }
0x30: {  	s3 =	sld [smem:$0x3FA9]  }
0x31: {  	[smem:$0x3FB2] =	sst s10  }
0x32: {  	s10 =	sld [smem:$0x3FB0];
	_ =	sdelay $0x3  }
0x33: {  	p0 =	seq.s32 s10, $0x1;
	s10 =	sld [smem:$0x3FB2];
	_ =	sdelay $0x3  }
0x34: {  	[smem:$0x3FB2] =	sst s10  }
0x35: {  	s10 =	sld [smem:$0x3FB1];
	_ =	sdelay $0x3  }
0x36: {  	p1 =	seq.s32 s10, $0x1;
	s10 =	sld [smem:$0x3FB2];
	_ =	sdelay $0x3  }
0x37: {  	[smem:$0x3FB2] =	sst s10  }
0x38: {  	s10 =	sld [smem:$0x3FB3]  }
0x39: {  	_ = 	snop;
	(pc) =	sbr.ind lr, $3  }
0x3a: {  	_ = 	snop  }
0x3b: {  	_ = 	snop  }
0x3c: {  	p2 =	seq.s32 s10, $0x1;
	s10 =	sld [smem:$0x3FB2]  }
0x3d: {  	_ =	shalt  }
0x3e: {  	_ =	shalt  }
0x3f: {  	_ =	shalt  }
0x40: {  	_ =	shalt  }
0x41: {  	_ =	shalt  }
0x42: {  	_ =	shalt  }
0x43: {  	_ =	shalt  }
0x44: {  	_ =	shalt  }
0x45: {  	_ =	shalt  }
0x46: {  	_ =	shalt  }
0x47: {  	_ =	shalt  }
0x48: {  	_ =	shalt  }
0x49: {  	_ =	shalt  }
0x4a: {  	_ =	shalt  }
0x4b: {  	_ =	shalt  }
0x4c: {  	_ =	shalt  }
0x4d: {  	_ =	shalt  }
0x4e: {  	_ =	shalt  }
0x4f: {  	_ =	shalt  }
0x50: {  	_ =	shalt  }
0x51: {  	_ =	shalt  }
0x52: {  	_ =	shalt  }
0x53: {  	_ =	shalt  }
0x54: {  	_ =	shalt  }
0x55: {  	_ =	shalt  }
0x56: {  	_ =	shalt  }
0x57: {  	_ =	shalt  }
0x58: {  	_ =	shalt  }
0x59: {  	_ =	shalt  }
0x5a: {  	_ =	shalt  }
0x5b: {  	_ =	shalt  }
0x5c: {  	_ =	shalt  }
0x5d: {  	_ =	shalt  }
0x5e: {  	_ =	shalt  }
0x5f: {  	_ =	shalt  }
0x60: {  	_ =	shalt  }
0x61: {  	_ =	shalt  }
0x62: {  	_ =	shalt  }
0x63: {  	_ =	shalt  }
0x64: {  	_ =	shalt  }
0x65: {  	_ =	shalt  }
0x66: {  	_ =	shalt  }
0x67: {  	_ =	shalt  }
0x68: {  	_ =	shalt  }
0x69: {  	_ =	shalt  }
0x6a: {  	_ =	shalt  }
0x6b: {  	_ =	shalt  }
0x6c: {  	_ =	shalt  }
0x6d: {  	_ =	shalt  }
0x6e: {  	_ =	shalt  }
0x6f: {  	_ =	shalt  }
0x70: {  	_ =	shalt  }
0x71: {  	_ =	shalt  }
0x72: {  	_ =	shalt  }
0x73: {  	_ =	shalt  }
0x74: {  	_ =	shalt  }
0x75: {  	_ =	shalt  }
0x76: {  	_ =	shalt  }
0x77: {  	_ =	shalt  }
0x78: {  	_ =	shalt  }
0x79: {  	_ =	shalt  }
0x7a: {  	_ =	shalt  }
0x7b: {  	_ =	shalt  }
0x7c: {  	_ =	shalt  }
0x7d: {  	_ =	shalt  }
0x7e: {  	_ =	shalt  }
0x7f: {  	_ =	shalt  }
0x80: {  	_ =	shalt  }
0x81: {  	_ =	shalt  }
0x82: {  	_ =	shalt  }
0x83: {  	_ =	shalt  }
0x84: {  	_ =	shalt  }
0x85: {  	_ =	shalt  }
0x86: {  	_ =	shalt  }
0x87: {  	_ =	shalt  }
.Lfunc_end0:
.L_simem_size_0:
called_computation.1_lowered:
.L_overlay_start_0:
0x88: {  	s2 =	sld [smem:$0x3FD9]  }
0x89: {  	s3 =	sld [smem:$0x3FFE];
	_ =	sdelay $0x1  }
0x8a: {  	s1 =	srdreg.scid  }
0x8b: {  	s0 =	sand.u32 $0x1, s1  }
0x8c: {  	s17 =	sshll.u32 s0, $0xA;
	s2 =	sadd.s32 s3, s2  }
0x8d: {  	s2 =	sadd.s32 s2, s17  }
0x8e: {  	[smem:$0x3FBE] =	sst s2  }
0x8f: {  	_ = 	snop  }
0x90: {  	s2 =	sld [smem:$0x3FD0];
	(tm) =	ssettm $0x1  }
0x91: {  	s18 =	sld [smem:$0x3FFB];
	_ =	sdelay $0x3  }
0x92: {  	_ =	strace s18  }
0x93: {  	s3 =	sld [smem:$0x3FFC];
	_ =	sdelay $0x3  }
0x94: {  	_ =	strace s3  }
0x95: {  	s3 =	sld [smem:$0x3FFD];
	_ =	sdelay $0x3  }
0x96: {  	_ =	strace s3  }
0x97: {  	_ =	strace $0x8FFFFFFF  }
0x98: {  	s19 =	sld [smem:$0x3FDB];
	_ =	sdelay $0x1  }
0x99: {  	s4 =	simm.s32 $_scs_section_size  }
0x9a: {  	s5 =	simm.s32 $_size__tile_overlayer_lowered;
	s6 =	simm.s32 $_tile_overlayer_lowered  }
0x9b: {  	s22 =	simm.s32 $0x1BFF;
	s21 =	sshll.u32 s6, $0x1;
	s3 =	sadd.s32 s4, s19  }
0x9c: {  	s7 =	simm.s32 $0x0;
	s20 =	sshll.u32 s5, $0x1;
	s5 =	sadd.s32 s21, s3  }
0x9d: {  	[timem:s7], [sflag:s22] =	dma.local [hbm:s5], s20  }
0x9e: {  	_ =	swait.ge [sflag:s22], s20  }
0x9f: {  	s4 =	ssub.s32 $0x0, s20;
	[sflag:s22] =	ssyncset.done $0x0  }
0xa0: {  	[sflag:s22] =	ssyncadd.s32 s4;
	_ =	sdelay $0x1  }
0xa1: {  	s23 =	simm.s32 $0x1B8B  }
0xa2: {  	_ =	swait.ge [sflag:s23], $0x1  }
0xa3: {  	[sflag:s23] =	ssyncset.done $0x0  }
0xa4: {  	s25 =	simm.s32 $0x1B8E;
	s24 =	sld [smem:$0x3FFE];
	[sflag:s23] =	ssyncadd.s32 $0xFFFFFFFF  }
0xa5: {  	s26 =	simm.s32 $execute0_lowered;
	[smem:$0x3FD2] =	sst s25  }
0xa6: {  	s5 =	sshll.u32 s26, $0x1;
	_ =	strace $0x80000049;
	[dreg:$0x1] =	wrdreg $0xFFFFFFFF  }
0xa7: {  	s28 =	simm.s32 $_size_execute0_lowered;
	s3 =	sadd.s32 s3, s5;
	[dreg:$0x0] =	wrdreg $0x0  }
0xa8: {  	s5 =	sshll.u32 s28, $0x1;
	[dreg:$0x2] =	wrdreg s3  }
0xa9: {  	[dreg:$0x3] =	wrdreg s5  }
0xaa: {  	[dreg:$0x4] =	wrdreg $0xC0  }
0xab: {  	_ =	task [dreg:s7], $0x5FFFF  }
0xac: {  	[dreg:$0x1] =	wrdreg $0xFFFFFFFF  }
0xad: {  	[dreg:$0x0] =	wrdreg $0x60  }
0xae: {  	[dreg:$0x2] =	wrdreg s24  }
0xaf: {  	[dreg:$0x3] =	wrdreg s2  }
0xb0: {  	[dreg:$0x4] =	wrdreg $0x5FA00  }
0xb1: {  	[dreg:$0x5] =	wrdreg $0x9  }
0xb2: {  	_ =	task.clear_ibuf [dreg:s7], $0x6FFFF;
	_ =	strace $0x90000049  }
0xb3: {  	s29 =	simm.s32 $0x9;
	_ =	strace $0x8000004B  }
0xb4: {  	_ =	swait.ge [sflag:s29], $0x1  }
0xb5: {  	[sflag:s29] =	ssyncadd.s32 $0xFFFFFFFF  }
0xb6: {  	_ =	strace $0x9000004B  }
0xb7: {  	_ =	sfence  }
0xb8: {  	s30 =	sld [smem:$0x0];
	_ =	sdelay $0x2  }
0xb9: {  	s31 =	sshll.u32 s1, $0xD;
	s1 =	sshrl.u32 s1, $0x2  }
0xba: {  	s3 =	sand.u32 $0x4000, s31;
	s1 =	sadd.s32 s1, s30  }
0xbb: {  	s0 =	sor.u32 s3, s0;
	s1 =	sshll.u32 s1, $0x11  }
0xbc: {  	s0 =	sor.u32 s1, s0  }
0xbd: {  	s0 =	sadd.s32 $0x8F2B, s0  }
0xbe: {  	[sflag:s0] =	ssyncadd.remote.s32 $0x1  }
0xbf: {  	_ =	sfence.sel $0xFFFF  }
0xc0: {  	[dreg:$0x0] =	wrdreg $0xFFFFFFFF;
	(pc) =	sbr.abs _section_cstart, $3  }
0xc1: {  	[dreg:$0x1] =	wrdreg $0xFFFFFFFF  }
0xc2: {  	_ =	task.clear_ibuf [dreg:s7], $0x2FFFF;
	_ =	strace $0x9FFFFFFF  }
0xc3: {  	(tm) =	ssettm $0x7FFFFFFF  }
tec
execute0_lowered:
.L_overlay_start_1:
0x0: {  	(tag) =	ssettag $0x1  }
0x1: {  	s6 =	rddreg [dreg:$0x0]  }
0x2: {  	s11 =	rddreg [dreg:$0x1]  }
0x3: {  	s0 =	srdreg.scid;
	s2 =	rddreg [dreg:$0x2]  }
0x4: {  	s3 =	simm.s32 $0x0;
	s15 =	simm.s32 $0x2;
	s16 =	simm.s32 $0x2800  }
0x5: {  	s17 =	simm.s32 $0x7D;
	s18 =	simm.s32 $0x5000;
	s5 =	sand.u32 $0x1, s0  }
0x6: {  	s19 =	simm.s32 $0x1;
	s0 =	stileid.u32;
	s7 =	smul.u32 $0x27100, s5  }
0x7: {  	[smem:$0x7FF] =	sst s3;
	s4 =	sadd.s32 $0x2600, s6;
	s8 =	smul.u32 $0x2710, s0  }
0x8: {  	s1 =	sshll.u32 s5, $0x4;
	s9 =	smul.u32 $0x9C40, s0;
	s29 =	ssub.s32 $0x2, s5  }
0x9: {  	s20 =	sshll.u32 s0, $0x6;
	s1 =	sor.u32 s0, s1;
	s31 =	sshrl.u32 s29, $0x1  }
0xa: {  	s20 =	sor.u32 $0x1C02, s20;
	s12 =	smul.u32 $0x500, s1;
	s1 =	rddreg [dreg:$0x3]  }
0xb: {  	_ =	strace $0x8000004A;
	s7 =	sadd.s32 s8, s7;
	s30 =	sshrl.u32 s9, $0x2  }
0xc: {  	s14 =	ssub.s32 s29, s31;
	s7 =	sshrl.u32 s7, $0x3;
	s5 =	sadd.s32 s30, s2  }
0xd: {  	s10 =	sadd.s32 s12, s6;
	s13 =	sadd.s32 s7, s6;
	s6 =	sadd.s32 $0x7D0, s5  }
0xe: {  	s7 =	sadd.s32 $0xFA0, s5;
	s8 =	sadd.s32 $0x1770, s5;
	s9 =	sadd.s32 $0x1F40, s5  }
0xf: {  	s11 =	sadd.s32 s11, s12;
	s21 =	sshrl.u32 s5, $0x3;
	s10 =	sadd.s32 $0xC400, s10  }
0x10: {  	v0 =	vimm.f32 $0.0e+00;
	s12 =	sadd.s32 $0x16400, s13;
	s13 =	smax.u32 s14, $0x1;
	s14 =	simm.s32 $0x57D0  }
.LBB2_1:
0x11: {  	s22 =	simm.s32 $0x40;
	s23 =	simm.s32 $0x0  }
.LBB2_2:
0x12: {  	p0 =	sne.s32 s22, $0x1F00;
	[tilespmem:s23+$0x57D0] =	vst v0;
	s23 =	smov.u32 s22;
	s22 =	sadd.s32 $0x40, s22  }
.Ltmp0:
0x13: {  	(pc) =	sbr.rel @p0 .LBB2_2-.Ltmp0, $2  }
0x14: {  	_ =	sdelay $0x2  }
0x15: {  	s23 =	sshra.s32 s23, $0x2  }
0x16: {  	[tilespmem:s23+$0x57D0] =	vst v0  }
0x17: {  	[spmem:s5] =	stream.linear.scatter [tilespmem:s14], [sflag:$0x2], $0x7D0, $0x38;
	[tilespmem:$0x86B0] =	vst v63  }
0x18: {  	_ =	swait.ge [sflag:s15], $0x7D0  }
0x19: {  	[sflag:s15] =	ssyncset.done $0x0  }
0x1a: {  	[sflag:s15] =	ssyncadd.s32 $0xFFFFF830  }
0x1b: {  	[spmem:s6] =	stream.linear.scatter [tilespmem:s14], [sflag:$0x2], $0x7D0, $0x38;
	[tilespmem:$0x86B0] =	vst v63  }
0x1c: {  	_ =	swait.ge [sflag:s15], $0x7D0  }
0x1d: {  	[sflag:s15] =	ssyncset.done $0x0  }
0x1e: {  	[sflag:s15] =	ssyncadd.s32 $0xFFFFF830  }
0x1f: {  	[spmem:s7] =	stream.linear.scatter [tilespmem:s14], [sflag:$0x2], $0x7D0, $0x38;
	[tilespmem:$0x86B0] =	vst v63  }
0x20: {  	_ =	swait.ge [sflag:s15], $0x7D0  }
0x21: {  	[sflag:s15] =	ssyncset.done $0x0  }
0x22: {  	[sflag:s15] =	ssyncadd.s32 $0xFFFFF830  }
0x23: {  	[spmem:s8] =	stream.linear.scatter [tilespmem:s14], [sflag:$0x2], $0x7D0, $0x38;
	[tilespmem:$0x86B0] =	vst v63  }
0x24: {  	_ =	swait.ge [sflag:s15], $0x7D0  }
0x25: {  	[sflag:s15] =	ssyncset.done $0x0  }
0x26: {  	[sflag:s15] =	ssyncadd.s32 $0xFFFFF830  }
0x27: {  	[spmem:s9] =	stream.linear.scatter [tilespmem:s14], [sflag:$0x2], $0x7D0, $0x38;
	[tilespmem:$0x86B0] =	vst v63  }
0x28: {  	_ =	swait.ge [sflag:s15], $0x7D0  }
0x29: {  	[sflag:s15] =	ssyncset.done $0x0  }
0x2a: {  	s22 =	simm.s32 $0x0;
	[sflag:s15] =	ssyncadd.s32 $0xFFFFF830  }
0x2b: {  	[tilespmem:s22], [sflag:$0x2] =	stream.linear.gather [hbm4b:s10+s22], $0x2800, $0x38;
	[tilespmem:$0x86B0] =	vst v63  }
0x2c: {  	_ =	swait.ge [sflag:s15], $0x2800  }
0x2d: {  	[sflag:s15] =	ssyncset.done $0x0  }
0x2e: {  	[sflag:s15] =	ssyncadd.s32 $0xFFFFD800  }
0x2f: {  	[tilespmem:s16], [sflag:$0x2] =	stream.linear.gather [hbm4b:s11+s22], $0x2800, $0x38;
	[tilespmem:$0x86B0] =	vst v63  }
0x30: {  	_ =	swait.ge [sflag:s15], $0x2800  }
0x31: {  	[sflag:s15] =	ssyncset.done $0x0  }
0x32: {  	[sflag:s15] =	ssyncadd.s32 $0xFFFFD800  }
0x33: {  	s30 =	simm.s32 $0x0;
	[bflag:$0x0] =	sbarrier.arrive $0xFFFF  }
0x34: {  	[tilespmem:s18], [sflag:$0x1] =	stream.indirect.gather [hbm4b:s4+s17], $0x10, s30, s17, $0xb8;
	[tilespmem:$0x86B0] =	vst v63  }
0x35: {  	_ =	swait.ge [sflag:s19], $0x7D0  }
0x36: {  	[sflag:s19] =	ssyncset.done $0x0  }
0x37: {  	s31 =	simm.s32 $0x2800;
	[sflag:s19] =	ssyncadd.s32 $0xFFFFF830  }
0x38: {  	[spmem:s2] =	stream.indirect.scatter.add.f32 [tilespmem:s18], [sflag:$0x2], $0x10, s31, s17, $0xb8;
	[tilespmem:$0x86B0] =	vst v63  }
0x39: {  	_ =	swait.ge [sflag:s15], $0x7D0  }
0x3a: {  	s23 =	simm.s32 $0x400;
	s22 =	simm.s32 $0x200;
	[sflag:s15] =	ssyncset.done $0x0  }
.LBB2_4:
0x3b: {  	s24 =	sshra.s32 s22, $0x2  }
0x3c: {  	[sflag:s15] =	ssyncadd.s32 $0xFFFFF830;
	s22 =	smov.u32 s23;
	s25 =	sadd.s32 $0x200, s23  }
0x3d: {  	[tilespmem:s18], [sflag:$0x1] =	stream.indirect.gather [hbm4b:s4+s17], $0x10, s24, s17, $0xb8;
	[tilespmem:$0x86B0] =	vst v63  }
0x3e: {  	p0 =	sne.s32 s23, $0x9E00;
	_ =	swait.ge [sflag:s19], $0x7D0  }
.Ltmp1:
0x3f: {  	[sflag:s19] =	ssyncset.done $0x0;
	(pc) =	sbr.rel @p0 .LBB2_4-.Ltmp1, $4  }
0x40: {  	s23 =	sadd.s32 $0x2800, s24;
	[sflag:s19] =	ssyncadd.s32 $0xFFFFF830  }
0x41: {  	[spmem:s2] =	stream.indirect.scatter.add.f32 [tilespmem:s18], [sflag:$0x2], $0x10, s23, s17, $0xb8;
	[tilespmem:$0x86B0] =	vst v63  }
0x42: {  	_ =	swait.ge [sflag:s15], $0x7D0  }
0x43: {  	s23 =	smov.u32 s25;
	[sflag:s15] =	ssyncset.done $0x0  }
0x44: {  	s22 =	sshra.s32 s22, $0x2;
	[sflag:s15] =	ssyncadd.s32 $0xFFFFF830  }
0x45: {  	[tilespmem:s18], [sflag:$0x1] =	stream.indirect.gather [hbm4b:s4+s17], $0x10, s22, s17, $0xb8;
	[tilespmem:$0x86B0] =	vst v63  }
0x46: {  	_ =	swait.ge [sflag:s19], $0x7D0  }
0x47: {  	[sflag:s19] =	ssyncset.done $0x0  }
0x48: {  	s22 =	sadd.s32 $0x2800, s22;
	[sflag:s19] =	ssyncadd.s32 $0xFFFFF830  }
0x49: {  	[spmem:s2] =	stream.indirect.scatter.add.f32 [tilespmem:s18], [sflag:$0x2], $0x10, s22, s17, $0xb8;
	[tilespmem:$0x86B0] =	vst v63  }
0x4a: {  	_ =	swait.ge [sflag:s15], $0x7D0  }
0x4b: {  	s3 =	sadd.s32 $0x1, s3;
	[sflag:s15] =	ssyncset.done $0x0  }
0x4c: {  	p0 =	sne.s32 s3, s13;
	[sflag:s15] =	ssyncadd.s32 $0xFFFFF830  }
.Ltmp2:
0x4d: {  	[bflag:$0x0] =	sbarrier.arrive $0xFFFF;
	(pc) =	sbr.rel @p0 .LBB2_1-.Ltmp2, $4  }
0x4e: {  	[hbm:s12], [sflag:s20] =	dma.local [spmem:s21], $0x4E2  }
0x4f: {  	_ =	swait.ge [sflag:s15], $0x4E2  }
0x50: {  	[sflag:s15] =	ssyncset.done $0x0  }
0x51: {  	[sflag:s15] =	ssyncadd.s32 $0xFFFFFB1E  }
0x52: {  	_ =	sfence.sel $0x180000  }
0x53: {  	[bflag:$0x0] =	sbarrier.arrive $0xFFFF  }
0x54: {  	p0 =	sne.s32 s0, $0x0;
	_ =	strace $0x9000004A  }
0x55: {  	s0 =	sadd.s32 @!p0 $0x100000, s1;
	[bflag:$0x2] =	sbarrier.arrive $0xFFFF  }
0x56: {  	[sflag:s0] =	ssyncadd.tile.s32 @!p0 $0x1;
	_ =	shalt  }
.Lfunc_end2:
_tile_overlayer_lowered:
.L_overlay_start_2:
0x57: {  	(tag) =	ssettag $0x2  }
0x58: {  	s0 =	rddreg [dreg:$0x0];
	s2 =	stileid.u32  }
0x59: {  	s1 =	rddreg [dreg:$0x1];
	p0 =	sne.s32 s2, $0x0  }
0x5a: {  	s3 =	rddreg [dreg:$0x2];
	[bflag:$0x3] =	sbarrier.arrive $0xFFFF;
	s2 =	simm.s32 @!p0 $0x1C02  }
0x5b: {  	[timem:s3], [sflag:s2] =	dma.local @!p0 [hbm:s0], s1  }
0x5c: {  	s0 =	simm.s32 @!p0 $0x2  }
0x5d: {  	_ =	swait.ge @!p0 [sflag:s0], s1  }
0x5e: {  	s1 =	ssub.s32 @!p0 $0x0, s1;
	[sflag:s0] =	ssyncset.done @!p0 $0x0  }
0x5f: {  	[sflag:s0] =	ssyncadd.s32 @!p0 s1  }
0x60: {  	[bflag:$0x3] =	sbarrier.arrive $0xFFFF  }
0x61: {  	_ =	shalt  }

// kernel: kernel.18.cloned.1.call-start
scs
__scs_entry_jumppad:
0x0: {  	(pc) =	sbr.rel $0x88, $3  }
0x1: {  	(tag) =	ssettag $0x0;
	lr =	simm.s32 $0x1  }
0x2: {  	[smem:$0x3F97] =	sst lr;
	_ =	strace $0xD0000000  }
0x3: {  	_ = 	snop  }
0x4: {  	_ = 	snop  }
0x5: {  	_ = 	snop  }
0x6: {  	_ = 	snop  }
0x7: {  	_ = 	snop  }
__scs_overlays_trampoline_lowered:
0x8: {  	[smem:$0x3FA6] =	sst s0  }
0x9: {  	[smem:$0x3FA7] =	sst s1  }
0xa: {  	[smem:$0x3FA8] =	sst s2  }
0xb: {  	[smem:$0x3FA9] =	sst s3  }
0xc: {  	[smem:$0x3FAA] =	sst s4  }
0xd: {  	[smem:$0x3FAB] =	sst s5  }
0xe: {  	[smem:$0x3FAC] =	sst s6  }
0xf: {  	[smem:$0x3FAD] =	sst s7  }
0x10: {  	[smem:$0x3FAE] =	sst s8  }
0x11: {  	[smem:$0x3FAF] =	sst s9;
	s0 =	simm.s32 @!p0 $0x0  }
0x12: {  	s1 =	sld [smem:$0x3F95];
	s0 =	simm.s32 @p0 $0x1  }
0x13: {  	[smem:$0x3FB0] =	sst s0;
	s0 =	simm.s32 @!p1 $0x0  }
0x14: {  	s2 =	sld [smem:$0x3F94];
	s0 =	simm.s32 @p1 $0x1  }
0x15: {  	[smem:$0x3FB1] =	sst s0;
	s0 =	simm.s32 @!p2 $0x0  }
0x16: {  	s3 =	sld [smem:$0x3FDB];
	s0 =	simm.s32 @p2 $0x1  }
0x17: {  	s4 =	simm.s32 $0x1BF5;
	[smem:$0x3FB3] =	sst s0  }
0x18: {  	s0 =	sld [smem:$0x3F96];
	_ =	swait.ge [sflag:s4], $0x0  }
0x19: {  	s7 =	sld [smem:$0x3F97]  }
0x1a: {  	s8 =	sadd.s32 $0xFFFFE003, lr  }
0x1b: {  	s9 =	sadd.s32 $0xFFFFFEF7, lr;
	s5 =	simm.s32 $0xFFFFFFFF;
	p2 =	slt.u32 s8, $0xFFFFF086  }
0x1c: {  	p1 =	slt.u32 s9, $0xF7A;
	s5 =	simm.s32 @!p2 $0x0  }
0x1d: {  	s5 =	simm.s32 @p1 $0x1;
	p0 =	seq.s32 s7, s2  }
0x1e: {  	s7 =	smul.u32 @!p0 $0xF7A, s2;
	p2 =	seq.s32 @!p0 s5, $0x0  }
0x1f: {  	s9 =	smul.u32 $0xF7A, s1;
	s8 =	simm.s32 @!p0 $0x1BF5;
	p2 =	por !p2, p0  }
0x20: {  	[sflag:s8] =	ssyncset.s32 @!p0 $0xFFFFF086;
	s6 =	sadd.s32 @!p0 s3, s7;
	s7 =	simm.s32 @!p0 $0x108  }
0x21: {  	s3 =	sadd.s32 s3, s9;
	s6 =	sadd.s32 @!p0 $0x88, s6;
	s7 =	simm.s32 @p2 $0x1082  }
0x22: {  	[simem:s7], [sflag:s8] =	dma.local @!p0 [hbm:s6], $0xF7A  }
0x23: {  	s9 =	sor.u32 $0xD0000000, s2;
	s6 =	simm.s32 $0x108;
	_ =	swait.ge @!p0 [sflag:s8], $0x0  }
0x24: {  	s3 =	sadd.s32 $0x88, s3;
	s6 =	simm.s32 @!p1 $0x1082;
	[sflag:s4] =	ssyncset.s32 $0xFFFFF086  }
0x25: {  	[simem:s6], [sflag:s4] =	dma.local [hbm:s3], $0xF7A  }
0x26: {  	[smem:$0x3F97] =	sst s1;
	(tag) =	ssettag s2;
	_ =	strace s9  }
0x27: {  	s1 =	sld [smem:$0x3FA7]  }
0x28: {  	s2 =	sld [smem:$0x3FA8]  }
0x29: {  	s4 =	sld [smem:$0x3FAA]  }
0x2a: {  	p0 =	seq.s32 s5, $0x0;
	s5 =	sld [smem:$0x3FAB]  }
0x2b: {  	s6 =	sld [smem:$0x3FAC]  }
0x2c: {  	s7 =	sld [smem:$0x3FAD]  }
0x2d: {  	s3 =	simm.s32 $0x108;
	s8 =	sld [smem:$0x3FAE]  }
0x2e: {  	s3 =	simm.s32 @!p0 $0x1082;
	s9 =	sld [smem:$0x3FAF]  }
0x2f: {  	lr =	sadd.s32 s0, s3;
	s0 =	sld [smem:$0x3FA6]  }
0x30: {  	s3 =	sld [smem:$0x3FA9]  }
0x31: {  	[smem:$0x3FB2] =	sst s10  }
0x32: {  	s10 =	sld [smem:$0x3FB0];
	_ =	sdelay $0x3  }
0x33: {  	p0 =	seq.s32 s10, $0x1;
	s10 =	sld [smem:$0x3FB2];
	_ =	sdelay $0x3  }
0x34: {  	[smem:$0x3FB2] =	sst s10  }
0x35: {  	s10 =	sld [smem:$0x3FB1];
	_ =	sdelay $0x3  }
0x36: {  	p1 =	seq.s32 s10, $0x1;
	s10 =	sld [smem:$0x3FB2];
	_ =	sdelay $0x3  }
0x37: {  	[smem:$0x3FB2] =	sst s10  }
0x38: {  	s10 =	sld [smem:$0x3FB3]  }
0x39: {  	_ = 	snop;
	(pc) =	sbr.ind lr, $3  }
0x3a: {  	_ = 	snop  }
0x3b: {  	_ = 	snop  }
0x3c: {  	p2 =	seq.s32 s10, $0x1;
	s10 =	sld [smem:$0x3FB2]  }
0x3d: {  	_ =	shalt  }
0x3e: {  	_ =	shalt  }
0x3f: {  	_ =	shalt  }
0x40: {  	_ =	shalt  }
0x41: {  	_ =	shalt  }
0x42: {  	_ =	shalt  }
0x43: {  	_ =	shalt  }
0x44: {  	_ =	shalt  }
0x45: {  	_ =	shalt  }
0x46: {  	_ =	shalt  }
0x47: {  	_ =	shalt  }
0x48: {  	_ =	shalt  }
0x49: {  	_ =	shalt  }
0x4a: {  	_ =	shalt  }
0x4b: {  	_ =	shalt  }
0x4c: {  	_ =	shalt  }
0x4d: {  	_ =	shalt  }
0x4e: {  	_ =	shalt  }
0x4f: {  	_ =	shalt  }
0x50: {  	_ =	shalt  }
0x51: {  	_ =	shalt  }
0x52: {  	_ =	shalt  }
0x53: {  	_ =	shalt  }
0x54: {  	_ =	shalt  }
0x55: {  	_ =	shalt  }
0x56: {  	_ =	shalt  }
0x57: {  	_ =	shalt  }
0x58: {  	_ =	shalt  }
0x59: {  	_ =	shalt  }
0x5a: {  	_ =	shalt  }
0x5b: {  	_ =	shalt  }
0x5c: {  	_ =	shalt  }
0x5d: {  	_ =	shalt  }
0x5e: {  	_ =	shalt  }
0x5f: {  	_ =	shalt  }
0x60: {  	_ =	shalt  }
0x61: {  	_ =	shalt  }
0x62: {  	_ =	shalt  }
0x63: {  	_ =	shalt  }
0x64: {  	_ =	shalt  }
0x65: {  	_ =	shalt  }
0x66: {  	_ =	shalt  }
0x67: {  	_ =	shalt  }
0x68: {  	_ =	shalt  }
0x69: {  	_ =	shalt  }
0x6a: {  	_ =	shalt  }
0x6b: {  	_ =	shalt  }
0x6c: {  	_ =	shalt  }
0x6d: {  	_ =	shalt  }
0x6e: {  	_ =	shalt  }
0x6f: {  	_ =	shalt  }
0x70: {  	_ =	shalt  }
0x71: {  	_ =	shalt  }
0x72: {  	_ =	shalt  }
0x73: {  	_ =	shalt  }
0x74: {  	_ =	shalt  }
0x75: {  	_ =	shalt  }
0x76: {  	_ =	shalt  }
0x77: {  	_ =	shalt  }
0x78: {  	_ =	shalt  }
0x79: {  	_ =	shalt  }
0x7a: {  	_ =	shalt  }
0x7b: {  	_ =	shalt  }
0x7c: {  	_ =	shalt  }
0x7d: {  	_ =	shalt  }
0x7e: {  	_ =	shalt  }
0x7f: {  	_ =	shalt  }
0x80: {  	_ =	shalt  }
0x81: {  	_ =	shalt  }
0x82: {  	_ =	shalt  }
0x83: {  	_ =	shalt  }
0x84: {  	_ =	shalt  }
0x85: {  	_ =	shalt  }
0x86: {  	_ =	shalt  }
0x87: {  	_ =	shalt  }
.Lfunc_end0:
.L_simem_size_0:
called_computation.2_lowered:
.L_overlay_start_0:
0x88: {  	s2 =	sld [smem:$0x3FD9]  }
0x89: {  	s3 =	sld [smem:$0x3FFE];
	_ =	sdelay $0x1  }
0x8a: {  	s1 =	srdreg.scid  }
0x8b: {  	s0 =	sand.u32 $0x1, s1  }
0x8c: {  	s17 =	sshll.u32 s0, $0xA;
	s2 =	sadd.s32 s3, s2  }
0x8d: {  	s2 =	sadd.s32 s2, s17  }
0x8e: {  	[smem:$0x3FBE] =	sst s2  }
0x8f: {  	_ = 	snop  }
0x90: {  	s2 =	sld [smem:$0x3FD0];
	(tm) =	ssettm $0x1  }
0x91: {  	s18 =	sld [smem:$0x3FFB];
	_ =	sdelay $0x3  }
0x92: {  	_ =	strace s18  }
0x93: {  	s3 =	sld [smem:$0x3FFC];
	_ =	sdelay $0x3  }
0x94: {  	_ =	strace s3  }
0x95: {  	s3 =	sld [smem:$0x3FFD];
	_ =	sdelay $0x3  }
0x96: {  	_ =	strace s3  }
0x97: {  	_ =	strace $0x8FFFFFFF  }
0x98: {  	s19 =	sld [smem:$0x3FDB];
	_ =	sdelay $0x1  }
0x99: {  	s4 =	simm.s32 $_scs_section_size  }
0x9a: {  	s5 =	simm.s32 $_size__tile_overlayer_lowered;
	s6 =	simm.s32 $_tile_overlayer_lowered  }
0x9b: {  	s22 =	simm.s32 $0x1BFF;
	s21 =	sshll.u32 s6, $0x1;
	s3 =	sadd.s32 s4, s19  }
0x9c: {  	s7 =	simm.s32 $0x0;
	s20 =	sshll.u32 s5, $0x1;
	s5 =	sadd.s32 s21, s3  }
0x9d: {  	[timem:s7], [sflag:s22] =	dma.local [hbm:s5], s20  }
0x9e: {  	_ =	swait.ge [sflag:s22], s20  }
0x9f: {  	s4 =	ssub.s32 $0x0, s20;
	[sflag:s22] =	ssyncset.done $0x0  }
0xa0: {  	[sflag:s22] =	ssyncadd.s32 s4;
	_ =	sdelay $0x1  }
0xa1: {  	s23 =	simm.s32 $0x1B8B  }
0xa2: {  	_ =	swait.ge [sflag:s23], $0x1  }
0xa3: {  	[sflag:s23] =	ssyncset.done $0x0  }
0xa4: {  	s25 =	simm.s32 $0x1B8E;
	s24 =	sld [smem:$0x3FFE];
	[sflag:s23] =	ssyncadd.s32 $0xFFFFFFFF  }
0xa5: {  	s26 =	simm.s32 $execute0_lowered;
	[smem:$0x3FD2] =	sst s25  }
0xa6: {  	s5 =	sshll.u32 s26, $0x1;
	_ =	strace $0x8000004C;
	[dreg:$0x1] =	wrdreg $0xFFFFFFFF  }
0xa7: {  	s28 =	simm.s32 $_size_execute0_lowered;
	s3 =	sadd.s32 s3, s5;
	[dreg:$0x0] =	wrdreg $0x0  }
0xa8: {  	s5 =	sshll.u32 s28, $0x1;
	[dreg:$0x2] =	wrdreg s3  }
0xa9: {  	[dreg:$0x3] =	wrdreg s5  }
0xaa: {  	[dreg:$0x4] =	wrdreg $0xC0  }
0xab: {  	_ =	task [dreg:s7], $0x5FFFF  }
0xac: {  	[dreg:$0x1] =	wrdreg $0xFFFFFFFF  }
0xad: {  	[dreg:$0x0] =	wrdreg $0x60  }
0xae: {  	[dreg:$0x2] =	wrdreg s24  }
0xaf: {  	[dreg:$0x3] =	wrdreg s2  }
0xb0: {  	[dreg:$0x4] =	wrdreg $0x5FA00  }
0xb1: {  	[dreg:$0x5] =	wrdreg $0x9  }
0xb2: {  	_ =	task.clear_ibuf [dreg:s7], $0x6FFFF;
	_ =	strace $0x9000004C  }
0xb3: {  	s29 =	simm.s32 $0x9;
	_ =	strace $0x8000004E  }
0xb4: {  	_ =	swait.ge [sflag:s29], $0x1  }
0xb5: {  	[sflag:s29] =	ssyncadd.s32 $0xFFFFFFFF  }
0xb6: {  	_ =	strace $0x9000004E  }
0xb7: {  	_ =	sfence  }
0xb8: {  	s30 =	sld [smem:$0x0];
	_ =	sdelay $0x2  }
0xb9: {  	s31 =	sshll.u32 s1, $0xD;
	s1 =	sshrl.u32 s1, $0x2  }
0xba: {  	s3 =	sand.u32 $0x4000, s31;
	s1 =	sadd.s32 s1, s30  }
0xbb: {  	s0 =	sor.u32 s3, s0;
	s1 =	sshll.u32 s1, $0x11  }
0xbc: {  	s0 =	sor.u32 s1, s0  }
0xbd: {  	s0 =	sadd.s32 $0x8F2B, s0  }
0xbe: {  	[sflag:s0] =	ssyncadd.remote.s32 $0x1  }
0xbf: {  	_ =	sfence.sel $0xFFFF  }
0xc0: {  	[dreg:$0x0] =	wrdreg $0xFFFFFFFF;
	(pc) =	sbr.abs _section_cstart, $3  }
0xc1: {  	[dreg:$0x1] =	wrdreg $0xFFFFFFFF  }
0xc2: {  	_ =	task.clear_ibuf [dreg:s7], $0x2FFFF;
	_ =	strace $0x9FFFFFFF  }
0xc3: {  	(tm) =	ssettm $0x7FFFFFFF  }
tec
execute0_lowered:
.L_overlay_start_1:
0x0: {  	(tag) =	ssettag $0x1  }
0x1: {  	s6 =	rddreg [dreg:$0x0]  }
0x2: {  	s11 =	rddreg [dreg:$0x1]  }
0x3: {  	s0 =	srdreg.scid;
	s2 =	rddreg [dreg:$0x2]  }
0x4: {  	s3 =	simm.s32 $0x0;
	s15 =	simm.s32 $0x2;
	s16 =	simm.s32 $0x2800  }
0x5: {  	s17 =	simm.s32 $0x7D;
	s18 =	simm.s32 $0x5000;
	s5 =	sand.u32 $0x1, s0  }
0x6: {  	s19 =	simm.s32 $0x1;
	s0 =	stileid.u32;
	s7 =	smul.u32 $0x27100, s5  }
0x7: {  	[smem:$0x7FF] =	sst s3;
	s4 =	sadd.s32 $0x2600, s6;
	s8 =	smul.u32 $0x2710, s0  }
0x8: {  	s1 =	sshll.u32 s5, $0x4;
	s9 =	smul.u32 $0x9C40, s0;
	s29 =	ssub.s32 $0x2, s5  }
0x9: {  	s20 =	sshll.u32 s0, $0x6;
	s1 =	sor.u32 s0, s1;
	s31 =	sshrl.u32 s29, $0x1  }
0xa: {  	s20 =	sor.u32 $0x1C02, s20;
	s12 =	smul.u32 $0x500, s1;
	s1 =	rddreg [dreg:$0x3]  }
0xb: {  	_ =	strace $0x8000004D;
	s7 =	sadd.s32 s8, s7;
	s30 =	sshrl.u32 s9, $0x2  }
0xc: {  	s14 =	ssub.s32 s29, s31;
	s7 =	sshrl.u32 s7, $0x3;
	s5 =	sadd.s32 s30, s2  }
0xd: {  	s10 =	sadd.s32 s12, s6;
	s13 =	sadd.s32 s7, s6;
	s6 =	sadd.s32 $0x7D0, s5  }
0xe: {  	s7 =	sadd.s32 $0xFA0, s5;
	s8 =	sadd.s32 $0x1770, s5;
	s9 =	sadd.s32 $0x1F40, s5  }
0xf: {  	s11 =	sadd.s32 s11, s12;
	s21 =	sshrl.u32 s5, $0x3;
	s10 =	sadd.s32 $0xC400, s10  }
0x10: {  	v0 =	vimm.f32 $0.0e+00;
	s12 =	sadd.s32 $0x16400, s13;
	s13 =	smax.u32 s14, $0x1;
	s14 =	simm.s32 $0x57D0  }
.LBB2_1:
0x11: {  	s22 =	simm.s32 $0x40;
	s23 =	simm.s32 $0x0  }
.LBB2_2:
0x12: {  	p0 =	sne.s32 s22, $0x1F00;
	[tilespmem:s23+$0x57D0] =	vst v0;
	s23 =	smov.u32 s22;
	s22 =	sadd.s32 $0x40, s22  }
.Ltmp0:
0x13: {  	(pc) =	sbr.rel @p0 .LBB2_2-.Ltmp0, $2  }
0x14: {  	_ =	sdelay $0x2  }
0x15: {  	s23 =	sshra.s32 s23, $0x2  }
0x16: {  	[tilespmem:s23+$0x57D0] =	vst v0  }
0x17: {  	[spmem:s5] =	stream.linear.scatter [tilespmem:s14], [sflag:$0x2], $0x7D0, $0x38;
	[tilespmem:$0x86B0] =	vst v63  }
0x18: {  	_ =	swait.ge [sflag:s15], $0x7D0  }
0x19: {  	[sflag:s15] =	ssyncset.done $0x0  }
0x1a: {  	[sflag:s15] =	ssyncadd.s32 $0xFFFFF830  }
0x1b: {  	[spmem:s6] =	stream.linear.scatter [tilespmem:s14], [sflag:$0x2], $0x7D0, $0x38;
	[tilespmem:$0x86B0] =	vst v63  }
0x1c: {  	_ =	swait.ge [sflag:s15], $0x7D0  }
0x1d: {  	[sflag:s15] =	ssyncset.done $0x0  }
0x1e: {  	[sflag:s15] =	ssyncadd.s32 $0xFFFFF830  }
0x1f: {  	[spmem:s7] =	stream.linear.scatter [tilespmem:s14], [sflag:$0x2], $0x7D0, $0x38;
	[tilespmem:$0x86B0] =	vst v63  }
0x20: {  	_ =	swait.ge [sflag:s15], $0x7D0  }
0x21: {  	[sflag:s15] =	ssyncset.done $0x0  }
0x22: {  	[sflag:s15] =	ssyncadd.s32 $0xFFFFF830  }
0x23: {  	[spmem:s8] =	stream.linear.scatter [tilespmem:s14], [sflag:$0x2], $0x7D0, $0x38;
	[tilespmem:$0x86B0] =	vst v63  }
0x24: {  	_ =	swait.ge [sflag:s15], $0x7D0  }
0x25: {  	[sflag:s15] =	ssyncset.done $0x0  }
0x26: {  	[sflag:s15] =	ssyncadd.s32 $0xFFFFF830  }
0x27: {  	[spmem:s9] =	stream.linear.scatter [tilespmem:s14], [sflag:$0x2], $0x7D0, $0x38;
	[tilespmem:$0x86B0] =	vst v63  }
0x28: {  	_ =	swait.ge [sflag:s15], $0x7D0  }
0x29: {  	[sflag:s15] =	ssyncset.done $0x0  }
0x2a: {  	s22 =	simm.s32 $0x0;
	[sflag:s15] =	ssyncadd.s32 $0xFFFFF830  }
0x2b: {  	[tilespmem:s22], [sflag:$0x2] =	stream.linear.gather [hbm4b:s10+s22], $0x2800, $0x38;
	[tilespmem:$0x86B0] =	vst v63  }
0x2c: {  	_ =	swait.ge [sflag:s15], $0x2800  }
0x2d: {  	[sflag:s15] =	ssyncset.done $0x0  }
0x2e: {  	[sflag:s15] =	ssyncadd.s32 $0xFFFFD800  }
0x2f: {  	[tilespmem:s16], [sflag:$0x2] =	stream.linear.gather [hbm4b:s11+s22], $0x2800, $0x38;
	[tilespmem:$0x86B0] =	vst v63  }
0x30: {  	_ =	swait.ge [sflag:s15], $0x2800  }
0x31: {  	[sflag:s15] =	ssyncset.done $0x0  }
0x32: {  	[sflag:s15] =	ssyncadd.s32 $0xFFFFD800  }
0x33: {  	s30 =	simm.s32 $0x0;
	[bflag:$0x0] =	sbarrier.arrive $0xFFFF  }
0x34: {  	[tilespmem:s18], [sflag:$0x1] =	stream.indirect.gather [hbm4b:s4+s17], $0x10, s30, s17, $0xb8;
	[tilespmem:$0x86B0] =	vst v63  }
0x35: {  	_ =	swait.ge [sflag:s19], $0x7D0  }
0x36: {  	[sflag:s19] =	ssyncset.done $0x0  }
0x37: {  	s31 =	simm.s32 $0x2800;
	[sflag:s19] =	ssyncadd.s32 $0xFFFFF830  }
0x38: {  	[spmem:s2] =	stream.indirect.scatter.add.f32 [tilespmem:s18], [sflag:$0x2], $0x10, s31, s17, $0xb8;
	[tilespmem:$0x86B0] =	vst v63  }
0x39: {  	_ =	swait.ge [sflag:s15], $0x7D0  }
0x3a: {  	s23 =	simm.s32 $0x400;
	s22 =	simm.s32 $0x200;
	[sflag:s15] =	ssyncset.done $0x0  }
.LBB2_4:
0x3b: {  	s24 =	sshra.s32 s22, $0x2  }
0x3c: {  	[sflag:s15] =	ssyncadd.s32 $0xFFFFF830;
	s22 =	smov.u32 s23;
	s25 =	sadd.s32 $0x200, s23  }
0x3d: {  	[tilespmem:s18], [sflag:$0x1] =	stream.indirect.gather [hbm4b:s4+s17], $0x10, s24, s17, $0xb8;
	[tilespmem:$0x86B0] =	vst v63  }
0x3e: {  	p0 =	sne.s32 s23, $0x9E00;
	_ =	swait.ge [sflag:s19], $0x7D0  }
.Ltmp1:
0x3f: {  	[sflag:s19] =	ssyncset.done $0x0;
	(pc) =	sbr.rel @p0 .LBB2_4-.Ltmp1, $4  }
0x40: {  	s23 =	sadd.s32 $0x2800, s24;
	[sflag:s19] =	ssyncadd.s32 $0xFFFFF830  }
0x41: {  	[spmem:s2] =	stream.indirect.scatter.add.f32 [tilespmem:s18], [sflag:$0x2], $0x10, s23, s17, $0xb8;
	[tilespmem:$0x86B0] =	vst v63  }
0x42: {  	_ =	swait.ge [sflag:s15], $0x7D0  }
0x43: {  	s23 =	smov.u32 s25;
	[sflag:s15] =	ssyncset.done $0x0  }
0x44: {  	s22 =	sshra.s32 s22, $0x2;
	[sflag:s15] =	ssyncadd.s32 $0xFFFFF830  }
0x45: {  	[tilespmem:s18], [sflag:$0x1] =	stream.indirect.gather [hbm4b:s4+s17], $0x10, s22, s17, $0xb8;
	[tilespmem:$0x86B0] =	vst v63  }
0x46: {  	_ =	swait.ge [sflag:s19], $0x7D0  }
0x47: {  	[sflag:s19] =	ssyncset.done $0x0  }
0x48: {  	s22 =	sadd.s32 $0x2800, s22;
	[sflag:s19] =	ssyncadd.s32 $0xFFFFF830  }
0x49: {  	[spmem:s2] =	stream.indirect.scatter.add.f32 [tilespmem:s18], [sflag:$0x2], $0x10, s22, s17, $0xb8;
	[tilespmem:$0x86B0] =	vst v63  }
0x4a: {  	_ =	swait.ge [sflag:s15], $0x7D0  }
0x4b: {  	s3 =	sadd.s32 $0x1, s3;
	[sflag:s15] =	ssyncset.done $0x0  }
0x4c: {  	p0 =	sne.s32 s3, s13;
	[sflag:s15] =	ssyncadd.s32 $0xFFFFF830  }
.Ltmp2:
0x4d: {  	[bflag:$0x0] =	sbarrier.arrive $0xFFFF;
	(pc) =	sbr.rel @p0 .LBB2_1-.Ltmp2, $4  }
0x4e: {  	[hbm:s12], [sflag:s20] =	dma.local [spmem:s21], $0x4E2  }
0x4f: {  	_ =	swait.ge [sflag:s15], $0x4E2  }
0x50: {  	[sflag:s15] =	ssyncset.done $0x0  }
0x51: {  	[sflag:s15] =	ssyncadd.s32 $0xFFFFFB1E  }
0x52: {  	_ =	sfence.sel $0x180000  }
0x53: {  	[bflag:$0x0] =	sbarrier.arrive $0xFFFF  }
0x54: {  	p0 =	sne.s32 s0, $0x0;
	_ =	strace $0x9000004D  }
0x55: {  	s0 =	sadd.s32 @!p0 $0x100000, s1;
	[bflag:$0x2] =	sbarrier.arrive $0xFFFF  }
0x56: {  	[sflag:s0] =	ssyncadd.tile.s32 @!p0 $0x1;
	_ =	shalt  }
.Lfunc_end2:
_tile_overlayer_lowered:
.L_overlay_start_2:
0x57: {  	(tag) =	ssettag $0x2  }
0x58: {  	s0 =	rddreg [dreg:$0x0];
	s2 =	stileid.u32  }
0x59: {  	s1 =	rddreg [dreg:$0x1];
	p0 =	sne.s32 s2, $0x0  }
0x5a: {  	s3 =	rddreg [dreg:$0x2];
	[bflag:$0x3] =	sbarrier.arrive $0xFFFF;
	s2 =	simm.s32 @!p0 $0x1C02  }
0x5b: {  	[timem:s3], [sflag:s2] =	dma.local @!p0 [hbm:s0], s1  }
0x5c: {  	s0 =	simm.s32 @!p0 $0x2  }
0x5d: {  	_ =	swait.ge @!p0 [sflag:s0], s1  }
0x5e: {  	s1 =	ssub.s32 @!p0 $0x0, s1;
	[sflag:s0] =	ssyncset.done @!p0 $0x0  }
0x5f: {  	[sflag:s0] =	ssyncadd.s32 @!p0 s1  }
0x60: {  	[bflag:$0x3] =	sbarrier.arrive $0xFFFF  }
0x61: {  	_ =	shalt  }

// kernel: kernel.21.cloned.1.call-start
scs
__scs_entry_jumppad:
0x0: {  	(pc) =	sbr.rel $0x88, $3  }
0x1: {  	(tag) =	ssettag $0x0;
	lr =	simm.s32 $0x1  }
0x2: {  	[smem:$0x3F97] =	sst lr;
	_ =	strace $0xD0000000  }
0x3: {  	_ = 	snop  }
0x4: {  	_ = 	snop  }
0x5: {  	_ = 	snop  }
0x6: {  	_ = 	snop  }
0x7: {  	_ = 	snop  }
__scs_overlays_trampoline_lowered:
0x8: {  	[smem:$0x3FA6] =	sst s0  }
0x9: {  	[smem:$0x3FA7] =	sst s1  }
0xa: {  	[smem:$0x3FA8] =	sst s2  }
0xb: {  	[smem:$0x3FA9] =	sst s3  }
0xc: {  	[smem:$0x3FAA] =	sst s4  }
0xd: {  	[smem:$0x3FAB] =	sst s5  }
0xe: {  	[smem:$0x3FAC] =	sst s6  }
0xf: {  	[smem:$0x3FAD] =	sst s7  }
0x10: {  	[smem:$0x3FAE] =	sst s8  }
0x11: {  	[smem:$0x3FAF] =	sst s9;
	s0 =	simm.s32 @!p0 $0x0  }
0x12: {  	s1 =	sld [smem:$0x3F95];
	s0 =	simm.s32 @p0 $0x1  }
0x13: {  	[smem:$0x3FB0] =	sst s0;
	s0 =	simm.s32 @!p1 $0x0  }
0x14: {  	s2 =	sld [smem:$0x3F94];
	s0 =	simm.s32 @p1 $0x1  }
0x15: {  	[smem:$0x3FB1] =	sst s0;
	s0 =	simm.s32 @!p2 $0x0  }
0x16: {  	s3 =	sld [smem:$0x3FDB];
	s0 =	simm.s32 @p2 $0x1  }
0x17: {  	s4 =	simm.s32 $0x1BF5;
	[smem:$0x3FB3] =	sst s0  }
0x18: {  	s0 =	sld [smem:$0x3F96];
	_ =	swait.ge [sflag:s4], $0x0  }
0x19: {  	s7 =	sld [smem:$0x3F97]  }
0x1a: {  	s8 =	sadd.s32 $0xFFFFE003, lr  }
0x1b: {  	s9 =	sadd.s32 $0xFFFFFEF7, lr;
	s5 =	simm.s32 $0xFFFFFFFF;
	p2 =	slt.u32 s8, $0xFFFFF086  }
0x1c: {  	p1 =	slt.u32 s9, $0xF7A;
	s5 =	simm.s32 @!p2 $0x0  }
0x1d: {  	s5 =	simm.s32 @p1 $0x1;
	p0 =	seq.s32 s7, s2  }
0x1e: {  	s7 =	smul.u32 @!p0 $0xF7A, s2;
	p2 =	seq.s32 @!p0 s5, $0x0  }
0x1f: {  	s9 =	smul.u32 $0xF7A, s1;
	s8 =	simm.s32 @!p0 $0x1BF5;
	p2 =	por !p2, p0  }
0x20: {  	[sflag:s8] =	ssyncset.s32 @!p0 $0xFFFFF086;
	s6 =	sadd.s32 @!p0 s3, s7;
	s7 =	simm.s32 @!p0 $0x108  }
0x21: {  	s3 =	sadd.s32 s3, s9;
	s6 =	sadd.s32 @!p0 $0x88, s6;
	s7 =	simm.s32 @p2 $0x1082  }
0x22: {  	[simem:s7], [sflag:s8] =	dma.local @!p0 [hbm:s6], $0xF7A  }
0x23: {  	s9 =	sor.u32 $0xD0000000, s2;
	s6 =	simm.s32 $0x108;
	_ =	swait.ge @!p0 [sflag:s8], $0x0  }
0x24: {  	s3 =	sadd.s32 $0x88, s3;
	s6 =	simm.s32 @!p1 $0x1082;
	[sflag:s4] =	ssyncset.s32 $0xFFFFF086  }
0x25: {  	[simem:s6], [sflag:s4] =	dma.local [hbm:s3], $0xF7A  }
0x26: {  	[smem:$0x3F97] =	sst s1;
	(tag) =	ssettag s2;
	_ =	strace s9  }
0x27: {  	s1 =	sld [smem:$0x3FA7]  }
0x28: {  	s2 =	sld [smem:$0x3FA8]  }
0x29: {  	s4 =	sld [smem:$0x3FAA]  }
0x2a: {  	p0 =	seq.s32 s5, $0x0;
	s5 =	sld [smem:$0x3FAB]  }
0x2b: {  	s6 =	sld [smem:$0x3FAC]  }
0x2c: {  	s7 =	sld [smem:$0x3FAD]  }
0x2d: {  	s3 =	simm.s32 $0x108;
	s8 =	sld [smem:$0x3FAE]  }
0x2e: {  	s3 =	simm.s32 @!p0 $0x1082;
	s9 =	sld [smem:$0x3FAF]  }
0x2f: {  	lr =	sadd.s32 s0, s3;
	s0 =	sld [smem:$0x3FA6]  }
0x30: {  	s3 =	sld [smem:$0x3FA9]  }
0x31: {  	[smem:$0x3FB2] =	sst s10  }
0x32: {  	s10 =	sld [smem:$0x3FB0];
	_ =	sdelay $0x3  }
0x33: {  	p0 =	seq.s32 s10, $0x1;
	s10 =	sld [smem:$0x3FB2];
	_ =	sdelay $0x3  }
0x34: {  	[smem:$0x3FB2] =	sst s10  }
0x35: {  	s10 =	sld [smem:$0x3FB1];
	_ =	sdelay $0x3  }
0x36: {  	p1 =	seq.s32 s10, $0x1;
	s10 =	sld [smem:$0x3FB2];
	_ =	sdelay $0x3  }
0x37: {  	[smem:$0x3FB2] =	sst s10  }
0x38: {  	s10 =	sld [smem:$0x3FB3]  }
0x39: {  	_ = 	snop;
	(pc) =	sbr.ind lr, $3  }
0x3a: {  	_ = 	snop  }
0x3b: {  	_ = 	snop  }
0x3c: {  	p2 =	seq.s32 s10, $0x1;
	s10 =	sld [smem:$0x3FB2]  }
0x3d: {  	_ =	shalt  }
0x3e: {  	_ =	shalt  }
0x3f: {  	_ =	shalt  }
0x40: {  	_ =	shalt  }
0x41: {  	_ =	shalt  }
0x42: {  	_ =	shalt  }
0x43: {  	_ =	shalt  }
0x44: {  	_ =	shalt  }
0x45: {  	_ =	shalt  }
0x46: {  	_ =	shalt  }
0x47: {  	_ =	shalt  }
0x48: {  	_ =	shalt  }
0x49: {  	_ =	shalt  }
0x4a: {  	_ =	shalt  }
0x4b: {  	_ =	shalt  }
0x4c: {  	_ =	shalt  }
0x4d: {  	_ =	shalt  }
0x4e: {  	_ =	shalt  }
0x4f: {  	_ =	shalt  }
0x50: {  	_ =	shalt  }
0x51: {  	_ =	shalt  }
0x52: {  	_ =	shalt  }
0x53: {  	_ =	shalt  }
0x54: {  	_ =	shalt  }
0x55: {  	_ =	shalt  }
0x56: {  	_ =	shalt  }
0x57: {  	_ =	shalt  }
0x58: {  	_ =	shalt  }
0x59: {  	_ =	shalt  }
0x5a: {  	_ =	shalt  }
0x5b: {  	_ =	shalt  }
0x5c: {  	_ =	shalt  }
0x5d: {  	_ =	shalt  }
0x5e: {  	_ =	shalt  }
0x5f: {  	_ =	shalt  }
0x60: {  	_ =	shalt  }
0x61: {  	_ =	shalt  }
0x62: {  	_ =	shalt  }
0x63: {  	_ =	shalt  }
0x64: {  	_ =	shalt  }
0x65: {  	_ =	shalt  }
0x66: {  	_ =	shalt  }
0x67: {  	_ =	shalt  }
0x68: {  	_ =	shalt  }
0x69: {  	_ =	shalt  }
0x6a: {  	_ =	shalt  }
0x6b: {  	_ =	shalt  }
0x6c: {  	_ =	shalt  }
0x6d: {  	_ =	shalt  }
0x6e: {  	_ =	shalt  }
0x6f: {  	_ =	shalt  }
0x70: {  	_ =	shalt  }
0x71: {  	_ =	shalt  }
0x72: {  	_ =	shalt  }
0x73: {  	_ =	shalt  }
0x74: {  	_ =	shalt  }
0x75: {  	_ =	shalt  }
0x76: {  	_ =	shalt  }
0x77: {  	_ =	shalt  }
0x78: {  	_ =	shalt  }
0x79: {  	_ =	shalt  }
0x7a: {  	_ =	shalt  }
0x7b: {  	_ =	shalt  }
0x7c: {  	_ =	shalt  }
0x7d: {  	_ =	shalt  }
0x7e: {  	_ =	shalt  }
0x7f: {  	_ =	shalt  }
0x80: {  	_ =	shalt  }
0x81: {  	_ =	shalt  }
0x82: {  	_ =	shalt  }
0x83: {  	_ =	shalt  }
0x84: {  	_ =	shalt  }
0x85: {  	_ =	shalt  }
0x86: {  	_ =	shalt  }
0x87: {  	_ =	shalt  }
.Lfunc_end0:
.L_simem_size_0:
called_computation.3_lowered:
.L_overlay_start_0:
0x88: {  	s2 =	sld [smem:$0x3FD9]  }
0x89: {  	s3 =	sld [smem:$0x3FFE];
	_ =	sdelay $0x1  }
0x8a: {  	s1 =	srdreg.scid  }
0x8b: {  	s0 =	sand.u32 $0x1, s1  }
0x8c: {  	s17 =	sshll.u32 s0, $0xA;
	s2 =	sadd.s32 s3, s2  }
0x8d: {  	s2 =	sadd.s32 s2, s17  }
0x8e: {  	[smem:$0x3FBE] =	sst s2  }
0x8f: {  	_ = 	snop  }
0x90: {  	s2 =	sld [smem:$0x3FD0];
	(tm) =	ssettm $0x1  }
0x91: {  	s18 =	sld [smem:$0x3FFB];
	_ =	sdelay $0x3  }
0x92: {  	_ =	strace s18  }
0x93: {  	s3 =	sld [smem:$0x3FFC];
	_ =	sdelay $0x3  }
0x94: {  	_ =	strace s3  }
0x95: {  	s3 =	sld [smem:$0x3FFD];
	_ =	sdelay $0x3  }
0x96: {  	_ =	strace s3  }
0x97: {  	_ =	strace $0x8FFFFFFF  }
0x98: {  	s19 =	sld [smem:$0x3FDB];
	_ =	sdelay $0x1  }
0x99: {  	s4 =	simm.s32 $_scs_section_size  }
0x9a: {  	s5 =	simm.s32 $_size__tile_overlayer_lowered;
	s6 =	simm.s32 $_tile_overlayer_lowered  }
0x9b: {  	s22 =	simm.s32 $0x1BFF;
	s21 =	sshll.u32 s6, $0x1;
	s3 =	sadd.s32 s4, s19  }
0x9c: {  	s7 =	simm.s32 $0x0;
	s20 =	sshll.u32 s5, $0x1;
	s5 =	sadd.s32 s21, s3  }
0x9d: {  	[timem:s7], [sflag:s22] =	dma.local [hbm:s5], s20  }
0x9e: {  	_ =	swait.ge [sflag:s22], s20  }
0x9f: {  	s4 =	ssub.s32 $0x0, s20;
	[sflag:s22] =	ssyncset.done $0x0  }
0xa0: {  	[sflag:s22] =	ssyncadd.s32 s4;
	_ =	sdelay $0x1  }
0xa1: {  	s23 =	simm.s32 $0x1B8B  }
0xa2: {  	_ =	swait.ge [sflag:s23], $0x1  }
0xa3: {  	[sflag:s23] =	ssyncset.done $0x0  }
0xa4: {  	s25 =	simm.s32 $0x1B8E;
	s24 =	sld [smem:$0x3FFE];
	[sflag:s23] =	ssyncadd.s32 $0xFFFFFFFF  }
0xa5: {  	s26 =	simm.s32 $execute0_lowered;
	[smem:$0x3FD2] =	sst s25  }
0xa6: {  	s5 =	sshll.u32 s26, $0x1;
	_ =	strace $0x8000004F;
	[dreg:$0x1] =	wrdreg $0xFFFFFFFF  }
0xa7: {  	s28 =	simm.s32 $_size_execute0_lowered;
	s3 =	sadd.s32 s3, s5;
	[dreg:$0x0] =	wrdreg $0x0  }
0xa8: {  	s5 =	sshll.u32 s28, $0x1;
	[dreg:$0x2] =	wrdreg s3  }
0xa9: {  	[dreg:$0x3] =	wrdreg s5  }
0xaa: {  	[dreg:$0x4] =	wrdreg $0xC0  }
0xab: {  	_ =	task [dreg:s7], $0x5FFFF  }
0xac: {  	[dreg:$0x1] =	wrdreg $0xFFFFFFFF  }
0xad: {  	[dreg:$0x0] =	wrdreg $0x60  }
0xae: {  	[dreg:$0x2] =	wrdreg s24  }
0xaf: {  	[dreg:$0x3] =	wrdreg s2  }
0xb0: {  	[dreg:$0x4] =	wrdreg $0x6F400  }
0xb1: {  	[dreg:$0x5] =	wrdreg $0x9  }
0xb2: {  	_ =	task.clear_ibuf [dreg:s7], $0x6FFFF;
	_ =	strace $0x9000004F  }
0xb3: {  	s29 =	simm.s32 $0x9;
	_ =	strace $0x80000051  }
0xb4: {  	_ =	swait.ge [sflag:s29], $0x1  }
0xb5: {  	[sflag:s29] =	ssyncadd.s32 $0xFFFFFFFF  }
0xb6: {  	_ =	strace $0x90000051  }
0xb7: {  	_ =	sfence  }
0xb8: {  	s30 =	sld [smem:$0x0];
	_ =	sdelay $0x2  }
0xb9: {  	s31 =	sshll.u32 s1, $0xD;
	s1 =	sshrl.u32 s1, $0x2  }
0xba: {  	s3 =	sand.u32 $0x4000, s31;
	s1 =	sadd.s32 s1, s30  }
0xbb: {  	s0 =	sor.u32 s3, s0;
	s1 =	sshll.u32 s1, $0x11  }
0xbc: {  	s0 =	sor.u32 s1, s0  }
0xbd: {  	s0 =	sadd.s32 $0x8F2B, s0  }
0xbe: {  	[sflag:s0] =	ssyncadd.remote.s32 $0x1  }
0xbf: {  	_ =	sfence.sel $0xFFFF  }
0xc0: {  	[dreg:$0x0] =	wrdreg $0xFFFFFFFF;
	(pc) =	sbr.abs _section_cstart, $3  }
0xc1: {  	[dreg:$0x1] =	wrdreg $0xFFFFFFFF  }
0xc2: {  	_ =	task.clear_ibuf [dreg:s7], $0x2FFFF;
	_ =	strace $0x9FFFFFFF  }
0xc3: {  	(tm) =	ssettm $0x7FFFFFFF  }
tec
execute0_lowered:
.L_overlay_start_1:
0x0: {  	(tag) =	ssettag $0x1  }
0x1: {  	s6 =	rddreg [dreg:$0x0]  }
0x2: {  	s11 =	rddreg [dreg:$0x1]  }
0x3: {  	s0 =	srdreg.scid;
	s2 =	rddreg [dreg:$0x2]  }
0x4: {  	s3 =	simm.s32 $0x0;
	s15 =	simm.s32 $0x2;
	s16 =	simm.s32 $0x2800  }
0x5: {  	s17 =	simm.s32 $0x7D;
	s18 =	simm.s32 $0x5000;
	s5 =	sand.u32 $0x1, s0  }
0x6: {  	s19 =	simm.s32 $0x1;
	s0 =	stileid.u32;
	s7 =	smul.u32 $0x4E200, s5  }
0x7: {  	[smem:$0x7FF] =	sst s3;
	s4 =	sadd.s32 $0x2600, s6;
	s8 =	smul.u32 $0x4E20, s0  }
0x8: {  	s1 =	sshll.u32 s5, $0x4;
	s9 =	smul.u32 $0x13880, s0;
	s29 =	ssub.s32 $0x2, s5  }
0x9: {  	s20 =	sshll.u32 s0, $0x6;
	s1 =	sor.u32 s0, s1;
	s31 =	sshrl.u32 s29, $0x1  }
0xa: {  	s20 =	sor.u32 $0x1C02, s20;
	s12 =	smul.u32 $0x500, s1;
	s1 =	rddreg [dreg:$0x3]  }
0xb: {  	_ =	strace $0x80000050;
	s7 =	sadd.s32 s8, s7;
	s30 =	sshrl.u32 s9, $0x2  }
0xc: {  	s14 =	ssub.s32 s29, s31;
	s7 =	sshrl.u32 s7, $0x3;
	s5 =	sadd.s32 s30, s2  }
0xd: {  	s10 =	sadd.s32 s12, s6;
	s13 =	sadd.s32 s7, s6;
	s6 =	sadd.s32 $0xFA0, s5  }
0xe: {  	s7 =	sadd.s32 $0x1F40, s5;
	s8 =	sadd.s32 $0x2EE0, s5;
	s9 =	sadd.s32 $0x3E80, s5  }
0xf: {  	s11 =	sadd.s32 s11, s12;
	s21 =	sshrl.u32 s5, $0x3;
	s10 =	sadd.s32 $0xC400, s10  }
0x10: {  	v0 =	vimm.f32 $0.0e+00;
	s12 =	sadd.s32 $0x16400, s13;
	s13 =	smax.u32 s14, $0x1;
	s14 =	simm.s32 $0x5FA0  }
.LBB2_1:
0x11: {  	s22 =	simm.s32 $0x80;
	s23 =	simm.s32 $0x0  }
.LBB2_2:
0x12: {  	p0 =	sne.s32 s22, $0x3E00;
	[tilespmem:s23+$0x5FA0] =	vst v0;
	s24 =	smov.u32 s22;
	s22 =	sadd.s32 $0x80, s22  }
.Ltmp0:
0x13: {  	[tilespmem:s23+$0x5FB0] =	vst v0;
	(pc) =	sbr.rel @p0 .LBB2_2-.Ltmp0, $2  }
0x14: {  	_ =	sdelay $0x2  }
0x15: {  	s23 =	sshra.s32 s24, $0x2  }
0x16: {  	[tilespmem:s23+$0x5FA0] =	vst v0  }
0x17: {  	[tilespmem:s23+$0x5FB0] =	vst v0  }
0x18: {  	[spmem:s5] =	stream.linear.scatter [tilespmem:s14], [sflag:$0x2], $0xFA0, $0x38;
	[tilespmem:$0xBD60] =	vst v63  }
0x19: {  	_ =	swait.ge [sflag:s15], $0xFA0  }
0x1a: {  	[sflag:s15] =	ssyncset.done $0x0  }
0x1b: {  	[sflag:s15] =	ssyncadd.s32 $0xFFFFF060  }
0x1c: {  	[spmem:s6] =	stream.linear.scatter [tilespmem:s14], [sflag:$0x2], $0xFA0, $0x38;
	[tilespmem:$0xBD60] =	vst v63  }
0x1d: {  	_ =	swait.ge [sflag:s15], $0xFA0  }
0x1e: {  	[sflag:s15] =	ssyncset.done $0x0  }
0x1f: {  	[sflag:s15] =	ssyncadd.s32 $0xFFFFF060  }
0x20: {  	[spmem:s7] =	stream.linear.scatter [tilespmem:s14], [sflag:$0x2], $0xFA0, $0x38;
	[tilespmem:$0xBD60] =	vst v63  }
0x21: {  	_ =	swait.ge [sflag:s15], $0xFA0  }
0x22: {  	[sflag:s15] =	ssyncset.done $0x0  }
0x23: {  	[sflag:s15] =	ssyncadd.s32 $0xFFFFF060  }
0x24: {  	[spmem:s8] =	stream.linear.scatter [tilespmem:s14], [sflag:$0x2], $0xFA0, $0x38;
	[tilespmem:$0xBD60] =	vst v63  }
0x25: {  	_ =	swait.ge [sflag:s15], $0xFA0  }
0x26: {  	[sflag:s15] =	ssyncset.done $0x0  }
0x27: {  	[sflag:s15] =	ssyncadd.s32 $0xFFFFF060  }
0x28: {  	[spmem:s9] =	stream.linear.scatter [tilespmem:s14], [sflag:$0x2], $0xFA0, $0x38;
	[tilespmem:$0xBD60] =	vst v63  }
0x29: {  	_ =	swait.ge [sflag:s15], $0xFA0  }
0x2a: {  	[sflag:s15] =	ssyncset.done $0x0  }
0x2b: {  	s22 =	simm.s32 $0x0;
	[sflag:s15] =	ssyncadd.s32 $0xFFFFF060  }
0x2c: {  	[tilespmem:s22], [sflag:$0x2] =	stream.linear.gather [hbm4b:s10+s22], $0x2800, $0x38;
	[tilespmem:$0xBD60] =	vst v63  }
0x2d: {  	_ =	swait.ge [sflag:s15], $0x2800  }
0x2e: {  	[sflag:s15] =	ssyncset.done $0x0  }
0x2f: {  	[sflag:s15] =	ssyncadd.s32 $0xFFFFD800  }
0x30: {  	[tilespmem:s16], [sflag:$0x2] =	stream.linear.gather [hbm4b:s11+s22], $0x2800, $0x38;
	[tilespmem:$0xBD60] =	vst v63  }
0x31: {  	_ =	swait.ge [sflag:s15], $0x2800  }
0x32: {  	[sflag:s15] =	ssyncset.done $0x0  }
0x33: {  	[sflag:s15] =	ssyncadd.s32 $0xFFFFD800  }
0x34: {  	s30 =	simm.s32 $0x0;
	[bflag:$0x0] =	sbarrier.arrive $0xFFFF  }
0x35: {  	[tilespmem:s18], [sflag:$0x1] =	stream.indirect.gather [hbm4b:s4+s17], $0x20, s30, s17, $0xb8;
	[tilespmem:$0xBD60] =	vst v63  }
0x36: {  	_ =	swait.ge [sflag:s19], $0xFA0  }
0x37: {  	[sflag:s19] =	ssyncset.done $0x0  }
0x38: {  	s31 =	simm.s32 $0x2800;
	[sflag:s19] =	ssyncadd.s32 $0xFFFFF060  }
0x39: {  	[spmem:s2] =	stream.indirect.scatter.add.f32 [tilespmem:s18], [sflag:$0x2], $0x20, s31, s17, $0xb8;
	[tilespmem:$0xBD60] =	vst v63  }
0x3a: {  	_ =	swait.ge [sflag:s15], $0xFA0  }
0x3b: {  	s23 =	simm.s32 $0x400;
	s22 =	simm.s32 $0x200;
	[sflag:s15] =	ssyncset.done $0x0  }
.LBB2_4:
0x3c: {  	s24 =	sshra.s32 s22, $0x2  }
0x3d: {  	[sflag:s15] =	ssyncadd.s32 $0xFFFFF060;
	s22 =	smov.u32 s23;
	s25 =	sadd.s32 $0x200, s23  }
0x3e: {  	[tilespmem:s18], [sflag:$0x1] =	stream.indirect.gather [hbm4b:s4+s17], $0x20, s24, s17, $0xb8;
	[tilespmem:$0xBD60] =	vst v63  }
0x3f: {  	p0 =	sne.s32 s23, $0x9E00;
	_ =	swait.ge [sflag:s19], $0xFA0  }
.Ltmp1:
0x40: {  	[sflag:s19] =	ssyncset.done $0x0;
	(pc) =	sbr.rel @p0 .LBB2_4-.Ltmp1, $4  }
0x41: {  	s23 =	sadd.s32 $0x2800, s24;
	[sflag:s19] =	ssyncadd.s32 $0xFFFFF060  }
0x42: {  	[spmem:s2] =	stream.indirect.scatter.add.f32 [tilespmem:s18], [sflag:$0x2], $0x20, s23, s17, $0xb8;
	[tilespmem:$0xBD60] =	vst v63  }
0x43: {  	_ =	swait.ge [sflag:s15], $0xFA0  }
0x44: {  	s23 =	smov.u32 s25;
	[sflag:s15] =	ssyncset.done $0x0  }
0x45: {  	s22 =	sshra.s32 s22, $0x2;
	[sflag:s15] =	ssyncadd.s32 $0xFFFFF060  }
0x46: {  	[tilespmem:s18], [sflag:$0x1] =	stream.indirect.gather [hbm4b:s4+s17], $0x20, s22, s17, $0xb8;
	[tilespmem:$0xBD60] =	vst v63  }
0x47: {  	_ =	swait.ge [sflag:s19], $0xFA0  }
0x48: {  	[sflag:s19] =	ssyncset.done $0x0  }
0x49: {  	s22 =	sadd.s32 $0x2800, s22;
	[sflag:s19] =	ssyncadd.s32 $0xFFFFF060  }
0x4a: {  	[spmem:s2] =	stream.indirect.scatter.add.f32 [tilespmem:s18], [sflag:$0x2], $0x20, s22, s17, $0xb8;
	[tilespmem:$0xBD60] =	vst v63  }
0x4b: {  	_ =	swait.ge [sflag:s15], $0xFA0  }
0x4c: {  	s3 =	sadd.s32 $0x1, s3;
	[sflag:s15] =	ssyncset.done $0x0  }
0x4d: {  	p0 =	sne.s32 s3, s13;
	[sflag:s15] =	ssyncadd.s32 $0xFFFFF060  }
.Ltmp2:
0x4e: {  	[bflag:$0x0] =	sbarrier.arrive $0xFFFF;
	(pc) =	sbr.rel @p0 .LBB2_1-.Ltmp2, $4  }
0x4f: {  	[hbm:s12], [sflag:s20] =	dma.local [spmem:s21], $0x9C4  }
0x50: {  	_ =	swait.ge [sflag:s15], $0x9C4  }
0x51: {  	[sflag:s15] =	ssyncset.done $0x0  }
0x52: {  	[sflag:s15] =	ssyncadd.s32 $0xFFFFF63C  }
0x53: {  	_ =	sfence.sel $0x180000  }
0x54: {  	[bflag:$0x0] =	sbarrier.arrive $0xFFFF  }
0x55: {  	p0 =	sne.s32 s0, $0x0;
	_ =	strace $0x90000050  }
0x56: {  	s0 =	sadd.s32 @!p0 $0x100000, s1;
	[bflag:$0x2] =	sbarrier.arrive $0xFFFF  }
0x57: {  	[sflag:s0] =	ssyncadd.tile.s32 @!p0 $0x1;
	_ =	shalt  }
.Lfunc_end2:
_tile_overlayer_lowered:
.L_overlay_start_2:
0x58: {  	(tag) =	ssettag $0x2  }
0x59: {  	s0 =	rddreg [dreg:$0x0];
	s2 =	stileid.u32  }
0x5a: {  	s1 =	rddreg [dreg:$0x1];
	p0 =	sne.s32 s2, $0x0  }
0x5b: {  	s3 =	rddreg [dreg:$0x2];
	[bflag:$0x3] =	sbarrier.arrive $0xFFFF;
	s2 =	simm.s32 @!p0 $0x1C02  }
0x5c: {  	[timem:s3], [sflag:s2] =	dma.local @!p0 [hbm:s0], s1  }
0x5d: {  	s0 =	simm.s32 @!p0 $0x2  }
0x5e: {  	_ =	swait.ge @!p0 [sflag:s0], s1  }
0x5f: {  	s1 =	ssub.s32 @!p0 $0x0, s1;
	[sflag:s0] =	ssyncset.done @!p0 $0x0  }
0x60: {  	[sflag:s0] =	ssyncadd.s32 @!p0 s1  }
0x61: {  	[bflag:$0x3] =	sbarrier.arrive $0xFFFF  }
0x62: {  	_ =	shalt  }

// kernel: kernel.24.cloned.1.call-start
scs
__scs_entry_jumppad:
0x0: {  	(pc) =	sbr.rel $0x88, $3  }
0x1: {  	(tag) =	ssettag $0x0;
	lr =	simm.s32 $0x1  }
0x2: {  	[smem:$0x3F97] =	sst lr;
	_ =	strace $0xD0000000  }
0x3: {  	_ = 	snop  }
0x4: {  	_ = 	snop  }
0x5: {  	_ = 	snop  }
0x6: {  	_ = 	snop  }
0x7: {  	_ = 	snop  }
__scs_overlays_trampoline_lowered:
0x8: {  	[smem:$0x3FA6] =	sst s0  }
0x9: {  	[smem:$0x3FA7] =	sst s1  }
0xa: {  	[smem:$0x3FA8] =	sst s2  }
0xb: {  	[smem:$0x3FA9] =	sst s3  }
0xc: {  	[smem:$0x3FAA] =	sst s4  }
0xd: {  	[smem:$0x3FAB] =	sst s5  }
0xe: {  	[smem:$0x3FAC] =	sst s6  }
0xf: {  	[smem:$0x3FAD] =	sst s7  }
0x10: {  	[smem:$0x3FAE] =	sst s8  }
0x11: {  	[smem:$0x3FAF] =	sst s9;
	s0 =	simm.s32 @!p0 $0x0  }
0x12: {  	s1 =	sld [smem:$0x3F95];
	s0 =	simm.s32 @p0 $0x1  }
0x13: {  	[smem:$0x3FB0] =	sst s0;
	s0 =	simm.s32 @!p1 $0x0  }
0x14: {  	s2 =	sld [smem:$0x3F94];
	s0 =	simm.s32 @p1 $0x1  }
0x15: {  	[smem:$0x3FB1] =	sst s0;
	s0 =	simm.s32 @!p2 $0x0  }
0x16: {  	s3 =	sld [smem:$0x3FDB];
	s0 =	simm.s32 @p2 $0x1  }
0x17: {  	s4 =	simm.s32 $0x1BF5;
	[smem:$0x3FB3] =	sst s0  }
0x18: {  	s0 =	sld [smem:$0x3F96];
	_ =	swait.ge [sflag:s4], $0x0  }
0x19: {  	s7 =	sld [smem:$0x3F97]  }
0x1a: {  	s8 =	sadd.s32 $0xFFFFE003, lr  }
0x1b: {  	s9 =	sadd.s32 $0xFFFFFEF7, lr;
	s5 =	simm.s32 $0xFFFFFFFF;
	p2 =	slt.u32 s8, $0xFFFFF086  }
0x1c: {  	p1 =	slt.u32 s9, $0xF7A;
	s5 =	simm.s32 @!p2 $0x0  }
0x1d: {  	s5 =	simm.s32 @p1 $0x1;
	p0 =	seq.s32 s7, s2  }
0x1e: {  	s7 =	smul.u32 @!p0 $0xF7A, s2;
	p2 =	seq.s32 @!p0 s5, $0x0  }
0x1f: {  	s9 =	smul.u32 $0xF7A, s1;
	s8 =	simm.s32 @!p0 $0x1BF5;
	p2 =	por !p2, p0  }
0x20: {  	[sflag:s8] =	ssyncset.s32 @!p0 $0xFFFFF086;
	s6 =	sadd.s32 @!p0 s3, s7;
	s7 =	simm.s32 @!p0 $0x108  }
0x21: {  	s3 =	sadd.s32 s3, s9;
	s6 =	sadd.s32 @!p0 $0x88, s6;
	s7 =	simm.s32 @p2 $0x1082  }
0x22: {  	[simem:s7], [sflag:s8] =	dma.local @!p0 [hbm:s6], $0xF7A  }
0x23: {  	s9 =	sor.u32 $0xD0000000, s2;
	s6 =	simm.s32 $0x108;
	_ =	swait.ge @!p0 [sflag:s8], $0x0  }
0x24: {  	s3 =	sadd.s32 $0x88, s3;
	s6 =	simm.s32 @!p1 $0x1082;
	[sflag:s4] =	ssyncset.s32 $0xFFFFF086  }
0x25: {  	[simem:s6], [sflag:s4] =	dma.local [hbm:s3], $0xF7A  }
0x26: {  	[smem:$0x3F97] =	sst s1;
	(tag) =	ssettag s2;
	_ =	strace s9  }
0x27: {  	s1 =	sld [smem:$0x3FA7]  }
0x28: {  	s2 =	sld [smem:$0x3FA8]  }
0x29: {  	s4 =	sld [smem:$0x3FAA]  }
0x2a: {  	p0 =	seq.s32 s5, $0x0;
	s5 =	sld [smem:$0x3FAB]  }
0x2b: {  	s6 =	sld [smem:$0x3FAC]  }
0x2c: {  	s7 =	sld [smem:$0x3FAD]  }
0x2d: {  	s3 =	simm.s32 $0x108;
	s8 =	sld [smem:$0x3FAE]  }
0x2e: {  	s3 =	simm.s32 @!p0 $0x1082;
	s9 =	sld [smem:$0x3FAF]  }
0x2f: {  	lr =	sadd.s32 s0, s3;
	s0 =	sld [smem:$0x3FA6]  }
0x30: {  	s3 =	sld [smem:$0x3FA9]  }
0x31: {  	[smem:$0x3FB2] =	sst s10  }
0x32: {  	s10 =	sld [smem:$0x3FB0];
	_ =	sdelay $0x3  }
0x33: {  	p0 =	seq.s32 s10, $0x1;
	s10 =	sld [smem:$0x3FB2];
	_ =	sdelay $0x3  }
0x34: {  	[smem:$0x3FB2] =	sst s10  }
0x35: {  	s10 =	sld [smem:$0x3FB1];
	_ =	sdelay $0x3  }
0x36: {  	p1 =	seq.s32 s10, $0x1;
	s10 =	sld [smem:$0x3FB2];
	_ =	sdelay $0x3  }
0x37: {  	[smem:$0x3FB2] =	sst s10  }
0x38: {  	s10 =	sld [smem:$0x3FB3]  }
0x39: {  	_ = 	snop;
	(pc) =	sbr.ind lr, $3  }
0x3a: {  	_ = 	snop  }
0x3b: {  	_ = 	snop  }
0x3c: {  	p2 =	seq.s32 s10, $0x1;
	s10 =	sld [smem:$0x3FB2]  }
0x3d: {  	_ =	shalt  }
0x3e: {  	_ =	shalt  }
0x3f: {  	_ =	shalt  }
0x40: {  	_ =	shalt  }
0x41: {  	_ =	shalt  }
0x42: {  	_ =	shalt  }
0x43: {  	_ =	shalt  }
0x44: {  	_ =	shalt  }
0x45: {  	_ =	shalt  }
0x46: {  	_ =	shalt  }
0x47: {  	_ =	shalt  }
0x48: {  	_ =	shalt  }
0x49: {  	_ =	shalt  }
0x4a: {  	_ =	shalt  }
0x4b: {  	_ =	shalt  }
0x4c: {  	_ =	shalt  }
0x4d: {  	_ =	shalt  }
0x4e: {  	_ =	shalt  }
0x4f: {  	_ =	shalt  }
0x50: {  	_ =	shalt  }
0x51: {  	_ =	shalt  }
0x52: {  	_ =	shalt  }
0x53: {  	_ =	shalt  }
0x54: {  	_ =	shalt  }
0x55: {  	_ =	shalt  }
0x56: {  	_ =	shalt  }
0x57: {  	_ =	shalt  }
0x58: {  	_ =	shalt  }
0x59: {  	_ =	shalt  }
0x5a: {  	_ =	shalt  }
0x5b: {  	_ =	shalt  }
0x5c: {  	_ =	shalt  }
0x5d: {  	_ =	shalt  }
0x5e: {  	_ =	shalt  }
0x5f: {  	_ =	shalt  }
0x60: {  	_ =	shalt  }
0x61: {  	_ =	shalt  }
0x62: {  	_ =	shalt  }
0x63: {  	_ =	shalt  }
0x64: {  	_ =	shalt  }
0x65: {  	_ =	shalt  }
0x66: {  	_ =	shalt  }
0x67: {  	_ =	shalt  }
0x68: {  	_ =	shalt  }
0x69: {  	_ =	shalt  }
0x6a: {  	_ =	shalt  }
0x6b: {  	_ =	shalt  }
0x6c: {  	_ =	shalt  }
0x6d: {  	_ =	shalt  }
0x6e: {  	_ =	shalt  }
0x6f: {  	_ =	shalt  }
0x70: {  	_ =	shalt  }
0x71: {  	_ =	shalt  }
0x72: {  	_ =	shalt  }
0x73: {  	_ =	shalt  }
0x74: {  	_ =	shalt  }
0x75: {  	_ =	shalt  }
0x76: {  	_ =	shalt  }
0x77: {  	_ =	shalt  }
0x78: {  	_ =	shalt  }
0x79: {  	_ =	shalt  }
0x7a: {  	_ =	shalt  }
0x7b: {  	_ =	shalt  }
0x7c: {  	_ =	shalt  }
0x7d: {  	_ =	shalt  }
0x7e: {  	_ =	shalt  }
0x7f: {  	_ =	shalt  }
0x80: {  	_ =	shalt  }
0x81: {  	_ =	shalt  }
0x82: {  	_ =	shalt  }
0x83: {  	_ =	shalt  }
0x84: {  	_ =	shalt  }
0x85: {  	_ =	shalt  }
0x86: {  	_ =	shalt  }
0x87: {  	_ =	shalt  }
.Lfunc_end0:
.L_simem_size_0:
called_computation.4_lowered:
.L_overlay_start_0:
0x88: {  	s2 =	sld [smem:$0x3FD9]  }
0x89: {  	s3 =	sld [smem:$0x3FFE];
	_ =	sdelay $0x1  }
0x8a: {  	s1 =	srdreg.scid  }
0x8b: {  	s0 =	sand.u32 $0x1, s1  }
0x8c: {  	s17 =	sshll.u32 s0, $0xA;
	s2 =	sadd.s32 s3, s2  }
0x8d: {  	s2 =	sadd.s32 s2, s17  }
0x8e: {  	[smem:$0x3FBE] =	sst s2  }
0x8f: {  	_ = 	snop  }
0x90: {  	s2 =	sld [smem:$0x3FD0];
	(tm) =	ssettm $0x1  }
0x91: {  	s18 =	sld [smem:$0x3FFB];
	_ =	sdelay $0x3  }
0x92: {  	_ =	strace s18  }
0x93: {  	s3 =	sld [smem:$0x3FFC];
	_ =	sdelay $0x3  }
0x94: {  	_ =	strace s3  }
0x95: {  	s3 =	sld [smem:$0x3FFD];
	_ =	sdelay $0x3  }
0x96: {  	_ =	strace s3  }
0x97: {  	_ =	strace $0x8FFFFFFF  }
0x98: {  	s19 =	sld [smem:$0x3FDB];
	_ =	sdelay $0x1  }
0x99: {  	s4 =	simm.s32 $_scs_section_size  }
0x9a: {  	s5 =	simm.s32 $_size__tile_overlayer_lowered;
	s6 =	simm.s32 $_tile_overlayer_lowered  }
0x9b: {  	s22 =	simm.s32 $0x1BFF;
	s21 =	sshll.u32 s6, $0x1;
	s3 =	sadd.s32 s4, s19  }
0x9c: {  	s7 =	simm.s32 $0x0;
	s20 =	sshll.u32 s5, $0x1;
	s5 =	sadd.s32 s21, s3  }
0x9d: {  	[timem:s7], [sflag:s22] =	dma.local [hbm:s5], s20  }
0x9e: {  	_ =	swait.ge [sflag:s22], s20  }
0x9f: {  	s4 =	ssub.s32 $0x0, s20;
	[sflag:s22] =	ssyncset.done $0x0  }
0xa0: {  	[sflag:s22] =	ssyncadd.s32 s4;
	_ =	sdelay $0x1  }
0xa1: {  	s23 =	simm.s32 $0x1B8B  }
0xa2: {  	_ =	swait.ge [sflag:s23], $0x1  }
0xa3: {  	[sflag:s23] =	ssyncset.done $0x0  }
0xa4: {  	s25 =	simm.s32 $0x1B8E;
	s24 =	sld [smem:$0x3FFE];
	[sflag:s23] =	ssyncadd.s32 $0xFFFFFFFF  }
0xa5: {  	s26 =	simm.s32 $execute0_lowered;
	[smem:$0x3FD2] =	sst s25  }
0xa6: {  	s5 =	sshll.u32 s26, $0x1;
	_ =	strace $0x80000052;
	[dreg:$0x1] =	wrdreg $0xFFFFFFFF  }
0xa7: {  	s28 =	simm.s32 $_size_execute0_lowered;
	s3 =	sadd.s32 s3, s5;
	[dreg:$0x0] =	wrdreg $0x0  }
0xa8: {  	s5 =	sshll.u32 s28, $0x1;
	[dreg:$0x2] =	wrdreg s3  }
0xa9: {  	[dreg:$0x3] =	wrdreg s5  }
0xaa: {  	[dreg:$0x4] =	wrdreg $0xC0  }
0xab: {  	_ =	task [dreg:s7], $0x5FFFF  }
0xac: {  	[dreg:$0x1] =	wrdreg $0xFFFFFFFF  }
0xad: {  	[dreg:$0x0] =	wrdreg $0x60  }
0xae: {  	[dreg:$0x2] =	wrdreg s24  }
0xaf: {  	[dreg:$0x3] =	wrdreg s2  }
0xb0: {  	[dreg:$0x4] =	wrdreg $0x6F400  }
0xb1: {  	[dreg:$0x5] =	wrdreg $0x9  }
0xb2: {  	_ =	task.clear_ibuf [dreg:s7], $0x6FFFF;
	_ =	strace $0x90000052  }
0xb3: {  	s29 =	simm.s32 $0x9;
	_ =	strace $0x80000054  }
0xb4: {  	_ =	swait.ge [sflag:s29], $0x1  }
0xb5: {  	[sflag:s29] =	ssyncadd.s32 $0xFFFFFFFF  }
0xb6: {  	_ =	strace $0x90000054  }
0xb7: {  	_ =	sfence  }
0xb8: {  	s30 =	sld [smem:$0x0];
	_ =	sdelay $0x2  }
0xb9: {  	s31 =	sshll.u32 s1, $0xD;
	s1 =	sshrl.u32 s1, $0x2  }
0xba: {  	s3 =	sand.u32 $0x4000, s31;
	s1 =	sadd.s32 s1, s30  }
0xbb: {  	s0 =	sor.u32 s3, s0;
	s1 =	sshll.u32 s1, $0x11  }
0xbc: {  	s0 =	sor.u32 s1, s0  }
0xbd: {  	s0 =	sadd.s32 $0x8F2B, s0  }
0xbe: {  	[sflag:s0] =	ssyncadd.remote.s32 $0x1  }
0xbf: {  	_ =	sfence.sel $0xFFFF  }
0xc0: {  	[dreg:$0x0] =	wrdreg $0xFFFFFFFF;
	(pc) =	sbr.abs _section_cstart, $3  }
0xc1: {  	[dreg:$0x1] =	wrdreg $0xFFFFFFFF  }
0xc2: {  	_ =	task.clear_ibuf [dreg:s7], $0x2FFFF;
	_ =	strace $0x9FFFFFFF  }
0xc3: {  	(tm) =	ssettm $0x7FFFFFFF  }
tec
execute0_lowered:
.L_overlay_start_1:
0x0: {  	(tag) =	ssettag $0x1  }
0x1: {  	s6 =	rddreg [dreg:$0x0]  }
0x2: {  	s11 =	rddreg [dreg:$0x1]  }
0x3: {  	s0 =	srdreg.scid;
	s2 =	rddreg [dreg:$0x2]  }
0x4: {  	s3 =	simm.s32 $0x0;
	s15 =	simm.s32 $0x2;
	s16 =	simm.s32 $0x2800  }
0x5: {  	s17 =	simm.s32 $0x7D;
	s18 =	simm.s32 $0x5000;
	s5 =	sand.u32 $0x1, s0  }
0x6: {  	s19 =	simm.s32 $0x1;
	s0 =	stileid.u32;
	s7 =	smul.u32 $0x4E200, s5  }
0x7: {  	[smem:$0x7FF] =	sst s3;
	s4 =	sadd.s32 $0x2600, s6;
	s8 =	smul.u32 $0x4E20, s0  }
0x8: {  	s1 =	sshll.u32 s5, $0x4;
	s9 =	smul.u32 $0x13880, s0;
	s29 =	ssub.s32 $0x2, s5  }
0x9: {  	s20 =	sshll.u32 s0, $0x6;
	s1 =	sor.u32 s0, s1;
	s31 =	sshrl.u32 s29, $0x1  }
0xa: {  	s20 =	sor.u32 $0x1C02, s20;
	s12 =	smul.u32 $0x500, s1;
	s1 =	rddreg [dreg:$0x3]  }
0xb: {  	_ =	strace $0x80000053;
	s7 =	sadd.s32 s8, s7;
	s30 =	sshrl.u32 s9, $0x2  }
0xc: {  	s14 =	ssub.s32 s29, s31;
	s7 =	sshrl.u32 s7, $0x3;
	s5 =	sadd.s32 s30, s2  }
0xd: {  	s10 =	sadd.s32 s12, s6;
	s13 =	sadd.s32 s7, s6;
	s6 =	sadd.s32 $0xFA0, s5  }
0xe: {  	s7 =	sadd.s32 $0x1F40, s5;
	s8 =	sadd.s32 $0x2EE0, s5;
	s9 =	sadd.s32 $0x3E80, s5  }
0xf: {  	s11 =	sadd.s32 s11, s12;
	s21 =	sshrl.u32 s5, $0x3;
	s10 =	sadd.s32 $0xC400, s10  }
0x10: {  	v0 =	vimm.f32 $0.0e+00;
	s12 =	sadd.s32 $0x16400, s13;
	s13 =	smax.u32 s14, $0x1;
	s14 =	simm.s32 $0x5FA0  }
.LBB2_1:
0x11: {  	s22 =	simm.s32 $0x80;
	s23 =	simm.s32 $0x0  }
.LBB2_2:
0x12: {  	p0 =	sne.s32 s22, $0x3E00;
	[tilespmem:s23+$0x5FA0] =	vst v0;
	s24 =	smov.u32 s22;
	s22 =	sadd.s32 $0x80, s22  }
.Ltmp0:
0x13: {  	[tilespmem:s23+$0x5FB0] =	vst v0;
	(pc) =	sbr.rel @p0 .LBB2_2-.Ltmp0, $2  }
0x14: {  	_ =	sdelay $0x2  }
0x15: {  	s23 =	sshra.s32 s24, $0x2  }
0x16: {  	[tilespmem:s23+$0x5FA0] =	vst v0  }
0x17: {  	[tilespmem:s23+$0x5FB0] =	vst v0  }
0x18: {  	[spmem:s5] =	stream.linear.scatter [tilespmem:s14], [sflag:$0x2], $0xFA0, $0x38;
	[tilespmem:$0xBD60] =	vst v63  }
0x19: {  	_ =	swait.ge [sflag:s15], $0xFA0  }
0x1a: {  	[sflag:s15] =	ssyncset.done $0x0  }
0x1b: {  	[sflag:s15] =	ssyncadd.s32 $0xFFFFF060  }
0x1c: {  	[spmem:s6] =	stream.linear.scatter [tilespmem:s14], [sflag:$0x2], $0xFA0, $0x38;
	[tilespmem:$0xBD60] =	vst v63  }
0x1d: {  	_ =	swait.ge [sflag:s15], $0xFA0  }
0x1e: {  	[sflag:s15] =	ssyncset.done $0x0  }
0x1f: {  	[sflag:s15] =	ssyncadd.s32 $0xFFFFF060  }
0x20: {  	[spmem:s7] =	stream.linear.scatter [tilespmem:s14], [sflag:$0x2], $0xFA0, $0x38;
	[tilespmem:$0xBD60] =	vst v63  }
0x21: {  	_ =	swait.ge [sflag:s15], $0xFA0  }
0x22: {  	[sflag:s15] =	ssyncset.done $0x0  }
0x23: {  	[sflag:s15] =	ssyncadd.s32 $0xFFFFF060  }
0x24: {  	[spmem:s8] =	stream.linear.scatter [tilespmem:s14], [sflag:$0x2], $0xFA0, $0x38;
	[tilespmem:$0xBD60] =	vst v63  }
0x25: {  	_ =	swait.ge [sflag:s15], $0xFA0  }
0x26: {  	[sflag:s15] =	ssyncset.done $0x0  }
0x27: {  	[sflag:s15] =	ssyncadd.s32 $0xFFFFF060  }
0x28: {  	[spmem:s9] =	stream.linear.scatter [tilespmem:s14], [sflag:$0x2], $0xFA0, $0x38;
	[tilespmem:$0xBD60] =	vst v63  }
0x29: {  	_ =	swait.ge [sflag:s15], $0xFA0  }
0x2a: {  	[sflag:s15] =	ssyncset.done $0x0  }
0x2b: {  	s22 =	simm.s32 $0x0;
	[sflag:s15] =	ssyncadd.s32 $0xFFFFF060  }
0x2c: {  	[tilespmem:s22], [sflag:$0x2] =	stream.linear.gather [hbm4b:s10+s22], $0x2800, $0x38;
	[tilespmem:$0xBD60] =	vst v63  }
0x2d: {  	_ =	swait.ge [sflag:s15], $0x2800  }
0x2e: {  	[sflag:s15] =	ssyncset.done $0x0  }
0x2f: {  	[sflag:s15] =	ssyncadd.s32 $0xFFFFD800  }
0x30: {  	[tilespmem:s16], [sflag:$0x2] =	stream.linear.gather [hbm4b:s11+s22], $0x2800, $0x38;
	[tilespmem:$0xBD60] =	vst v63  }
0x31: {  	_ =	swait.ge [sflag:s15], $0x2800  }
0x32: {  	[sflag:s15] =	ssyncset.done $0x0  }
0x33: {  	[sflag:s15] =	ssyncadd.s32 $0xFFFFD800  }
0x34: {  	s30 =	simm.s32 $0x0;
	[bflag:$0x0] =	sbarrier.arrive $0xFFFF  }
0x35: {  	[tilespmem:s18], [sflag:$0x1] =	stream.indirect.gather [hbm4b:s4+s17], $0x20, s30, s17, $0xb8;
	[tilespmem:$0xBD60] =	vst v63  }
0x36: {  	_ =	swait.ge [sflag:s19], $0xFA0  }
0x37: {  	[sflag:s19] =	ssyncset.done $0x0  }
0x38: {  	s31 =	simm.s32 $0x2800;
	[sflag:s19] =	ssyncadd.s32 $0xFFFFF060  }
0x39: {  	[spmem:s2] =	stream.indirect.scatter.add.f32 [tilespmem:s18], [sflag:$0x2], $0x20, s31, s17, $0xb8;
	[tilespmem:$0xBD60] =	vst v63  }
0x3a: {  	_ =	swait.ge [sflag:s15], $0xFA0  }
0x3b: {  	s23 =	simm.s32 $0x400;
	s22 =	simm.s32 $0x200;
	[sflag:s15] =	ssyncset.done $0x0  }
.LBB2_4:
0x3c: {  	s24 =	sshra.s32 s22, $0x2  }
0x3d: {  	[sflag:s15] =	ssyncadd.s32 $0xFFFFF060;
	s22 =	smov.u32 s23;
	s25 =	sadd.s32 $0x200, s23  }
0x3e: {  	[tilespmem:s18], [sflag:$0x1] =	stream.indirect.gather [hbm4b:s4+s17], $0x20, s24, s17, $0xb8;
	[tilespmem:$0xBD60] =	vst v63  }
0x3f: {  	p0 =	sne.s32 s23, $0x9E00;
	_ =	swait.ge [sflag:s19], $0xFA0  }
.Ltmp1:
0x40: {  	[sflag:s19] =	ssyncset.done $0x0;
	(pc) =	sbr.rel @p0 .LBB2_4-.Ltmp1, $4  }
0x41: {  	s23 =	sadd.s32 $0x2800, s24;
	[sflag:s19] =	ssyncadd.s32 $0xFFFFF060  }
0x42: {  	[spmem:s2] =	stream.indirect.scatter.add.f32 [tilespmem:s18], [sflag:$0x2], $0x20, s23, s17, $0xb8;
	[tilespmem:$0xBD60] =	vst v63  }
0x43: {  	_ =	swait.ge [sflag:s15], $0xFA0  }
0x44: {  	s23 =	smov.u32 s25;
	[sflag:s15] =	ssyncset.done $0x0  }
0x45: {  	s22 =	sshra.s32 s22, $0x2;
	[sflag:s15] =	ssyncadd.s32 $0xFFFFF060  }
0x46: {  	[tilespmem:s18], [sflag:$0x1] =	stream.indirect.gather [hbm4b:s4+s17], $0x20, s22, s17, $0xb8;
	[tilespmem:$0xBD60] =	vst v63  }
0x47: {  	_ =	swait.ge [sflag:s19], $0xFA0  }
0x48: {  	[sflag:s19] =	ssyncset.done $0x0  }
0x49: {  	s22 =	sadd.s32 $0x2800, s22;
	[sflag:s19] =	ssyncadd.s32 $0xFFFFF060  }
0x4a: {  	[spmem:s2] =	stream.indirect.scatter.add.f32 [tilespmem:s18], [sflag:$0x2], $0x20, s22, s17, $0xb8;
	[tilespmem:$0xBD60] =	vst v63  }
0x4b: {  	_ =	swait.ge [sflag:s15], $0xFA0  }
0x4c: {  	s3 =	sadd.s32 $0x1, s3;
	[sflag:s15] =	ssyncset.done $0x0  }
0x4d: {  	p0 =	sne.s32 s3, s13;
	[sflag:s15] =	ssyncadd.s32 $0xFFFFF060  }
.Ltmp2:
0x4e: {  	[bflag:$0x0] =	sbarrier.arrive $0xFFFF;
	(pc) =	sbr.rel @p0 .LBB2_1-.Ltmp2, $4  }
0x4f: {  	[hbm:s12], [sflag:s20] =	dma.local [spmem:s21], $0x9C4  }
0x50: {  	_ =	swait.ge [sflag:s15], $0x9C4  }
0x51: {  	[sflag:s15] =	ssyncset.done $0x0  }
0x52: {  	[sflag:s15] =	ssyncadd.s32 $0xFFFFF63C  }
0x53: {  	_ =	sfence.sel $0x180000  }
0x54: {  	[bflag:$0x0] =	sbarrier.arrive $0xFFFF  }
0x55: {  	p0 =	sne.s32 s0, $0x0;
	_ =	strace $0x90000053  }
0x56: {  	s0 =	sadd.s32 @!p0 $0x100000, s1;
	[bflag:$0x2] =	sbarrier.arrive $0xFFFF  }
0x57: {  	[sflag:s0] =	ssyncadd.tile.s32 @!p0 $0x1;
	_ =	shalt  }
.Lfunc_end2:
_tile_overlayer_lowered:
.L_overlay_start_2:
0x58: {  	(tag) =	ssettag $0x2  }
0x59: {  	s0 =	rddreg [dreg:$0x0];
	s2 =	stileid.u32  }
0x5a: {  	s1 =	rddreg [dreg:$0x1];
	p0 =	sne.s32 s2, $0x0  }
0x5b: {  	s3 =	rddreg [dreg:$0x2];
	[bflag:$0x3] =	sbarrier.arrive $0xFFFF;
	s2 =	simm.s32 @!p0 $0x1C02  }
0x5c: {  	[timem:s3], [sflag:s2] =	dma.local @!p0 [hbm:s0], s1  }
0x5d: {  	s0 =	simm.s32 @!p0 $0x2  }
0x5e: {  	_ =	swait.ge @!p0 [sflag:s0], s1  }
0x5f: {  	s1 =	ssub.s32 @!p0 $0x0, s1;
	[sflag:s0] =	ssyncset.done @!p0 $0x0  }
0x60: {  	[sflag:s0] =	ssyncadd.s32 @!p0 s1  }
0x61: {  	[bflag:$0x3] =	sbarrier.arrive $0xFFFF  }
0x62: {  	_ =	shalt  }

</sc_bundles>
